<compile_context>
chip_gen: v7x
topology: tpu7x:2x2x1
jax: 0.10.2.dev20260603
libtpu: 0.0.44.dev20260713+nightly
codegen_flags: <defaults>
</compile_context>

<pallas_src>
import functools

import jax
import jax.numpy as jnp
from jax import lax
from jax.experimental import pallas as pl
from jax.experimental.pallas import tpu as pltpu
from jax.experimental.pallas import tpu_sc as plsc

D = 128
LANES = 16


def _make_sc_kernel(N, NC, NS, C):
    NW = NC * NS
    per_w = N // NW
    steps = per_w // C
    G = C // LANES
    assert steps % 2 == 0 and C % LANES == 0
    mesh = plsc.VectorSubcoreMesh(core_axis_name="c", subcore_axis_name="s")

    row_shapes = [((C, D), jnp.float32), ((C, D), jnp.float32),
                  ((C, D), jnp.float32), ((C, D), jnp.float32),
                  ((C, 2 * D), jnp.int32), ((C, D), jnp.int32)]

    @functools.partial(
        pl.kernel,
        out_type=jax.ShapeDtypeStruct((N,), jnp.float32),
        mesh=mesh,
        compiler_params=pltpu.CompilerParams(needs_layout_passes=False),
        scratch_types=(
            [pltpu.VMEM((4 * C,), jnp.int32) for _ in range(2)]
            + [pltpu.VMEM(sh, dt) for sh, dt in row_shapes] * 2
            + [pltpu.VMEM((C,), jnp.float32) for _ in range(2)]
            + [pltpu.VMEM((LANES, LANES), jnp.float32)]
            + [pltpu.SemaphoreType.DMA] * 6
        ),
    )
    def sc_kernel(idx_hbm, e_re_hbm, e_im_hbm, r4_hbm, t2_hbm, out_hbm,
                  idx0, idx1,
                  sre0, sim0, ore0, oim0, r40, t20,
                  sre1, sim1, ore1, oim1, r41, t21,
                  outv0, outv1, m_v,
                  sem_g0, sem_g1, sem_i0, sem_i1, sem_o0, sem_o1):
        wid = lax.axis_index("s") * NC + lax.axis_index("c")
        base = wid * per_w

        sets = [
            dict(idx=idx0, rows=[sre0, sim0, ore0, oim0, r40, t20],
                 outv=outv0, sem_g=sem_g0, sem_i=sem_i0, sem_o=sem_o0),
            dict(idx=idx1, rows=[sre1, sim1, ore1, oim1, r41, t21],
                 outv=outv1, sem_g=sem_g1, sem_i=sem_i1, sem_o=sem_o1),
        ]

        def fire_gathers(st):
            idx = st["idx"]
            rows = st["rows"]
            s_i = idx.at[pl.ds(0, C)]
            r_i = idx.at[pl.ds(C, C)]
            o_i = idx.at[pl.ds(2 * C, C)]
            t_i = idx.at[pl.ds(3 * C, C)]
            pltpu.async_copy(e_re_hbm.at[s_i], rows[0], st["sem_g"])
            pltpu.async_copy(e_im_hbm.at[s_i], rows[1], st["sem_g"])
            pltpu.async_copy(e_re_hbm.at[o_i], rows[2], st["sem_g"])
            pltpu.async_copy(e_im_hbm.at[o_i], rows[3], st["sem_g"])
            pltpu.async_copy(r4_hbm.at[r_i], rows[4], st["sem_g"])
            pltpu.async_copy(t2_hbm.at[t_i], rows[5], st["sem_g"])

        def drain_gathers(st):
            srcs = [e_re_hbm, e_im_hbm, e_re_hbm, e_im_hbm, r4_hbm, t2_hbm]
            for src, dst in zip(srcs, st["rows"]):
                pltpu.make_async_copy(src.at[pl.ds(0, C)], dst,
                                      st["sem_g"]).wait()

        def compute(st):
            sre_v, sim_v, ore_v, oim_v, r4_v, t2_v = st["rows"]
            outv = st["outv"]
            lane = lax.iota(jnp.int32, LANES)

            def group(grp, carry):
                row0 = pl.multiple_of(grp * LANES, LANES)

                def elem(e, carry2):
                    row = row0 + e

                    def ldp(ref, off):
                        words = ref[row, pl.ds(off, LANES)]
                        return plsc.unpack(
                            plsc.bitcast(words, jnp.bfloat16),
                            format=plsc.PackFormat.INTERLEAVED)

                    acc = jnp.zeros((LANES,), jnp.float32)
                    for k in range(D // LANES):
                        c0 = LANES * k
                        sre = sre_v[row, pl.ds(c0, LANES)]
                        sim = sim_v[row, pl.ds(c0, LANES)]
                        ore = ore_v[row, pl.ds(c0, LANES)]
                        oim = oim_v[row, pl.ds(c0, LANES)]
                        rre, rim = ldp(r4_v, c0)
                        rnre, rnim = ldp(r4_v, c0 + D)
                        tre, tim = ldp(t2_v, c0)
                        rrt = rre * tre - rim * tim + rnre
                        rit = rre * tim + rim * tre + rnim
                        a = sre * ore + sim * oim
                        b = sre * oim - sim * ore
                        acc = acc + a * rrt + b * rit
                    m_v[e, :] = acc
                    return carry2

                lax.fori_loop(0, LANES, elem, 0, unroll=2)
                tot = plsc.load_gather(
                    m_v, [lane, jnp.zeros((LANES,), jnp.int32)])
                for l in range(1, LANES):
                    tot = tot + plsc.load_gather(
                        m_v, [lane, jnp.full((LANES,), l, jnp.int32)])
                outv[pl.ds(row0, LANES)] = tot
                return carry

            lax.fori_loop(0, G, group, 0)

        def step(g, p):
            st = sets[p]
            st_n = sets[1 - p]
            off = base + g * C
            drain_gathers(st)
            q = wid * steps + g
            @pl.when(g + 2 < steps)
            def _prefetch_idx():
                pltpu.async_copy(
                    idx_hbm.at[pl.ds((q + 2) * 4 * C, 4 * C)], st["idx"],
                    st["sem_i"])
            @pl.when(g + 1 < steps)
            def _fire_next():
                pltpu.make_async_copy(
                    idx_hbm.at[pl.ds(0, 4 * C)], st_n["idx"],
                    st_n["sem_i"]).wait()
                fire_gathers(st_n)
            @pl.when(g >= 2)
            def _drain_out():
                pltpu.make_async_copy(
                    st["outv"], out_hbm.at[pl.ds(off, C)], st["sem_o"]).wait()
            compute(st)
            pltpu.async_copy(st["outv"], out_hbm.at[pl.ds(off, C)],
                             st["sem_o"])

        q0 = wid * steps
        pltpu.sync_copy(idx_hbm.at[pl.ds(q0 * 4 * C, 4 * C)], sets[0]["idx"])
        fire_gathers(sets[0])
        pltpu.async_copy(idx_hbm.at[pl.ds((q0 + 1) * 4 * C, 4 * C)],
                         sets[1]["idx"], sets[1]["sem_i"])

        def pair(i, carry):
            step(2 * i, 0)
            step(2 * i + 1, 1)
            return carry

        lax.fori_loop(0, steps // 2, pair, 0)

        pltpu.make_async_copy(sets[0]["outv"],
                              out_hbm.at[pl.ds(base, C)], sem_o0).wait()
        pltpu.make_async_copy(sets[1]["outv"],
                              out_hbm.at[pl.ds(base, C)], sem_o1).wait()

    return sc_kernel


def kernel(s, r, o, t, E_re, E_im, R_re, R_im, R_no_time_re, R_no_time_im,
           T_re, T_im):
    B, L = s.shape
    N = B * L
    si = s.reshape(N).astype(jnp.int32)
    ri = r.reshape(N).astype(jnp.int32)
    oi = o.reshape(N).astype(jnp.int32)
    ti = t[:, :, 0].reshape(N).astype(jnp.int32)
    C = 64
    idx4 = (jnp.stack([si, ri, oi, ti])
            .reshape(4, N // C, C).transpose(1, 0, 2).reshape(-1))
    def pack(re, im):
        lo = jax.lax.bitcast_convert_type(
            re.astype(jnp.bfloat16), jnp.uint16).astype(jnp.uint32)
        hi = jax.lax.bitcast_convert_type(
            im.astype(jnp.bfloat16), jnp.uint16).astype(jnp.uint32)
        return jax.lax.bitcast_convert_type(lo | (hi << 16), jnp.int32)

    r4 = pack(jnp.concatenate([R_re, R_no_time_re], axis=1),
              jnp.concatenate([R_im, R_no_time_im], axis=1))
    t2 = pack(T_re, T_im)
    info = plsc.get_sparse_core_info()
    fn = _make_sc_kernel(N, info.num_cores, info.num_subcores, C)
    out = fn(idx4, E_re, E_im, r4, t2)
    return out.reshape(B, L)

# --- scband reference (transcript-rebuilt; emitter-appended) ---
"""Pipeline reference for scband-tntcomplex-lx-69002944577708 (READ-ONLY COPY).

The authoritative reference and input builder live on the scoring server;
editing this copy changes nothing except your own understanding.
"""

import jax, jax.numpy as jnp
import numpy as np

ENT = 100000
REL = 500
TI = 365
D = 128
B = 4096
L = 50


def setup_inputs(seed: int = 0) -> dict:
    key = jax.random.key(seed)
    ks = jax.random.split(key, 12)
    s = jax.random.randint(ks[0], (B, L), 0, ENT, dtype=jnp.int64) if jax.config.jax_enable_x64 else jax.random.randint(ks[0], (B, L), 0, ENT)
    r = jax.random.randint(ks[1], (B, L), 0, 2 * REL)
    o = jax.random.randint(ks[2], (B, L), 0, ENT)
    t = jax.random.randint(ks[3], (B, L, 6), 0, TI + 2)
    E_re = jax.random.normal(ks[4], (ENT, D), dtype=jnp.float32) * 0.05
    E_im = jax.random.normal(ks[5], (ENT, D), dtype=jnp.float32) * 0.05
    R_re = jax.random.normal(ks[6], (2 * REL, D), dtype=jnp.float32) * 0.05
    R_im = jax.random.normal(ks[7], (2 * REL, D), dtype=jnp.float32) * 0.05
    R_no_time_re = jax.random.normal(ks[8], (2 * REL, D), dtype=jnp.float32) * 0.05
    R_no_time_im = jax.random.normal(ks[9], (2 * REL, D), dtype=jnp.float32) * 0.05
    T_re = jax.random.normal(ks[10], (TI + 2, D), dtype=jnp.float32) * 0.05
    T_im = jax.random.normal(ks[11], (TI + 2, D), dtype=jnp.float32) * 0.05
    return {"s": s, "r": r, "o": o, "t": t,
            "E_re": E_re, "E_im": E_im, "R_re": R_re, "R_im": R_im,
            "R_no_time_re": R_no_time_re, "R_no_time_im": R_no_time_im,
            "T_re": T_re, "T_im": T_im}


def _complex_hadamard(a_re, a_im, b_re, b_im):
    return a_re * b_re - a_im * b_im, a_re * b_im + a_im * b_re


def _complex_3way_simple(s_re, s_im, r_re, r_im, o_re, o_im):
    # Re(<s, r, conj(o)>) summed over embedding dim
    return jnp.sum(s_re * r_re * o_re + s_im * r_re * o_im
                   + s_re * r_im * o_im - s_im * r_im * o_re, axis=-1)


def reference(s, r, o, t, E_re, E_im, R_re, R_im, R_no_time_re, R_no_time_im, T_re, T_im):
    # t has shape [B, L, 6] with t.shape[-1] == len(time_index) -> take t_s slice
    t_s = t[:, :, 0]
    s_im = jnp.take(E_im, s, axis=0)
    s_re = jnp.take(E_re, s, axis=0)
    o_im = jnp.take(E_im, o, axis=0)
    o_re = jnp.take(E_re, o, axis=0)
    r_im = jnp.take(R_im, r, axis=0)
    r_re = jnp.take(R_re, r, axis=0)
    r_no_time_im = jnp.take(R_no_time_im, r, axis=0)
    r_no_time_re = jnp.take(R_no_time_re, r, axis=0)
    t_re = jnp.take(T_re, t_s, axis=0)
    t_im = jnp.take(T_im, t_s, axis=0)
    r_re_t, r_im_t = _complex_hadamard(r_re, r_im, t_re, t_im)
    r_re_t = r_re_t + r_no_time_re
    r_im_t = r_im_t + r_no_time_im
    # s.shape == o.shape branch
    srto = _complex_3way_simple(s_re, s_im, r_re_t, r_im_t, o_re, o_im)
    return srto

if __name__ == "__main__":
    import jax
    _d = setup_inputs()
    print(jax.jit(kernel)(*tuple(_d.values())))

</pallas_src>

<mosaic_0001>
#map = affine_map<(d0, d1) -> (0)>
#map1 = affine_map<(d0, d1) -> (0, 0)>
module attributes {stable_mosaic.version = 14 : i64} {
  func.func @sc_kernel(%arg0: i32, %arg1: i32, %arg2: memref<819200xi32, #tpu.memory_space<hbm>>, %arg3: memref<100000x128xf32, #tpu.memory_space<hbm>>, %arg4: memref<100000x128xf32, #tpu.memory_space<hbm>>, %arg5: memref<1000x256xi32, #tpu.memory_space<hbm>>, %arg6: memref<367x128xi32, #tpu.memory_space<hbm>>, %arg7: memref<204800xf32, #tpu.memory_space<hbm>>, %arg8: memref<256xi32, #tpu.memory_space<vmem>>, %arg9: memref<256xi32, #tpu.memory_space<vmem>>, %arg10: memref<64x128xf32, #tpu.memory_space<vmem>>, %arg11: memref<64x128xf32, #tpu.memory_space<vmem>>, %arg12: memref<64x128xf32, #tpu.memory_space<vmem>>, %arg13: memref<64x128xf32, #tpu.memory_space<vmem>>, %arg14: memref<64x256xi32, #tpu.memory_space<vmem>>, %arg15: memref<64x128xi32, #tpu.memory_space<vmem>>, %arg16: memref<64x128xf32, #tpu.memory_space<vmem>>, %arg17: memref<64x128xf32, #tpu.memory_space<vmem>>, %arg18: memref<64x128xf32, #tpu.memory_space<vmem>>, %arg19: memref<64x128xf32, #tpu.memory_space<vmem>>, %arg20: memref<64x256xi32, #tpu.memory_space<vmem>>, %arg21: memref<64x128xi32, #tpu.memory_space<vmem>>, %arg22: memref<64xf32, #tpu.memory_space<vmem>>, %arg23: memref<64xf32, #tpu.memory_space<vmem>>, %arg24: memref<16x16xf32, #tpu.memory_space<vmem>>, %arg25: memref<!tpu.dma_semaphore, #tpu.memory_space<semaphore_mem>>, %arg26: memref<!tpu.dma_semaphore, #tpu.memory_space<semaphore_mem>>, %arg27: memref<!tpu.dma_semaphore, #tpu.memory_space<semaphore_mem>>, %arg28: memref<!tpu.dma_semaphore, #tpu.memory_space<semaphore_mem>>, %arg29: memref<!tpu.dma_semaphore, #tpu.memory_space<semaphore_mem>>, %arg30: memref<!tpu.dma_semaphore, #tpu.memory_space<semaphore_mem>>) attributes {dimension_semantics = [#tpu.dimension_semantics<core_parallel>, #tpu.dimension_semantics<subcore_parallel>], iteration_bounds = array<i64: 2, 16>, scalar_prefetch = 0 : i64, scratch_operands = 23 : i64, tpu.core_type = #tpu.core_type<sc_vector_subcore>, window_params = [{transform_indices = #map}, {transform_indices = #map1}, {transform_indices = #map1}, {transform_indices = #map1}, {transform_indices = #map1}, {transform_indices = #map}]} {
    %mul3A = arith.constant 2 : i32
    %mul3A_0 = arith.muli %arg1, %mul3A : i32
    %add3A = arith.addi %mul3A_0, %arg0 : i32
    %mul3A_1 = arith.constant 6400 : i32
    %mul3A_2 = arith.muli %add3A, %mul3A_1 : i32
    %mul3A_3 = arith.constant 100 : i32
    %mul3A_4 = arith.muli %add3A, %mul3A_3 : i32
    %mul3A_5 = arith.constant 4 : i32
    %mul3A_6 = arith.muli %mul3A_4, %mul3A_5 : i32
    %mul3A_7 = arith.constant 64 : i32
    %mul3A_8 = arith.muli %mul3A_6, %mul3A_7 : i32
    "tpu.region"() ({
      %run_scoped3A = tpu.sem_alloc : memref<!tpu.dma_semaphore, #tpu.memory_space<semaphore_mem>>
      %dma_start3A_54 = tpu.memref_slice %arg2[%mul3A_8] : memref<819200xi32, #tpu.memory_space<hbm>> -> memref<256xi32, #tpu.memory_space<hbm>>
      %dma_start3A_55 = tpu.memref_slice %arg2[%mul3A_8] : memref<819200xi32, #tpu.memory_space<hbm>> -> memref<256xi32, #tpu.memory_space<hbm>>
      tpu.enqueue_dma source(%dma_start3A_55 : memref<256xi32, #tpu.memory_space<hbm>>) target(%arg8 : memref<256xi32, #tpu.memory_space<vmem>>) target_semaphore(%run_scoped3A : memref<!tpu.dma_semaphore, #tpu.memory_space<semaphore_mem>>)
      %dma_wait3A_56 = tpu.memref_slice %arg2[%mul3A_8] : memref<819200xi32, #tpu.memory_space<hbm>> -> memref<256xi32, #tpu.memory_space<hbm>>
      %dma_wait3A_57 = tpu.memref_slice %arg2[%mul3A_8] : memref<819200xi32, #tpu.memory_space<hbm>> -> memref<256xi32, #tpu.memory_space<hbm>>
      tpu.wait_dma2 semaphore(%run_scoped3A : memref<!tpu.dma_semaphore, #tpu.memory_space<semaphore_mem>>) src(%dma_wait3A_57 : memref<256xi32, #tpu.memory_space<hbm>>) dst(%arg8 : memref<256xi32, #tpu.memory_space<vmem>>)
      tpu.yield
    }) : () -> ()
    %dma_start3A = arith.constant 0 : i32
    %dma_start3A_9 = tpu.memref_slice %arg8[%dma_start3A] : memref<256xi32, #tpu.memory_space<vmem>> -> memref<64xi32, #tpu.memory_space<vmem>>
    %dma_start3A_10 = arith.constant 0 : i32
    %dma_start3A_11 = arith.constant 0 : i32
    %dma_start3A_12 = tpu.memref_slice %arg3[%dma_start3A_10, %dma_start3A_11] : memref<100000x128xf32, #tpu.memory_space<hbm>> -> memref<100000x128xf32, #tpu.memory_space<hbm>>
    tpu.enqueue_indirect_dma source(%dma_start3A_12 : memref<100000x128xf32, #tpu.memory_space<hbm>>) target(%arg10 : memref<64x128xf32, #tpu.memory_space<vmem>>) offsets(%dma_start3A_9 : memref<64xi32, #tpu.memory_space<vmem>>) semaphore(%arg25 : memref<!tpu.dma_semaphore, #tpu.memory_space<semaphore_mem>>)
    %dma_start3A_13 = arith.constant 0 : i32
    %dma_start3A_14 = tpu.memref_slice %arg8[%dma_start3A_13] : memref<256xi32, #tpu.memory_space<vmem>> -> memref<64xi32, #tpu.memory_space<vmem>>
    %dma_start3A_15 = arith.constant 0 : i32
    %dma_start3A_16 = arith.constant 0 : i32
    %dma_start3A_17 = tpu.memref_slice %arg4[%dma_start3A_15, %dma_start3A_16] : memref<100000x128xf32, #tpu.memory_space<hbm>> -> memref<100000x128xf32, #tpu.memory_space<hbm>>
    tpu.enqueue_indirect_dma source(%dma_start3A_17 : memref<100000x128xf32, #tpu.memory_space<hbm>>) target(%arg11 : memref<64x128xf32, #tpu.memory_space<vmem>>) offsets(%dma_start3A_14 : memref<64xi32, #tpu.memory_space<vmem>>) semaphore(%arg25 : memref<!tpu.dma_semaphore, #tpu.memory_space<semaphore_mem>>)
    %dma_start3A_18 = arith.constant 128 : i32
    %dma_start3A_19 = tpu.memref_slice %arg8[%dma_start3A_18] : memref<256xi32, #tpu.memory_space<vmem>> -> memref<64xi32, #tpu.memory_space<vmem>>
    %dma_start3A_20 = arith.constant 0 : i32
    %dma_start3A_21 = arith.constant 0 : i32
    %dma_start3A_22 = tpu.memref_slice %arg3[%dma_start3A_20, %dma_start3A_21] : memref<100000x128xf32, #tpu.memory_space<hbm>> -> memref<100000x128xf32, #tpu.memory_space<hbm>>
    tpu.enqueue_indirect_dma source(%dma_start3A_22 : memref<100000x128xf32, #tpu.memory_space<hbm>>) target(%arg12 : memref<64x128xf32, #tpu.memory_space<vmem>>) offsets(%dma_start3A_19 : memref<64xi32, #tpu.memory_space<vmem>>) semaphore(%arg25 : memref<!tpu.dma_semaphore, #tpu.memory_space<semaphore_mem>>)
    %dma_start3A_23 = arith.constant 128 : i32
    %dma_start3A_24 = tpu.memref_slice %arg8[%dma_start3A_23] : memref<256xi32, #tpu.memory_space<vmem>> -> memref<64xi32, #tpu.memory_space<vmem>>
    %dma_start3A_25 = arith.constant 0 : i32
    %dma_start3A_26 = arith.constant 0 : i32
    %dma_start3A_27 = tpu.memref_slice %arg4[%dma_start3A_25, %dma_start3A_26] : memref<100000x128xf32, #tpu.memory_space<hbm>> -> memref<100000x128xf32, #tpu.memory_space<hbm>>
    tpu.enqueue_indirect_dma source(%dma_start3A_27 : memref<100000x128xf32, #tpu.memory_space<hbm>>) target(%arg13 : memref<64x128xf32, #tpu.memory_space<vmem>>) offsets(%dma_start3A_24 : memref<64xi32, #tpu.memory_space<vmem>>) semaphore(%arg25 : memref<!tpu.dma_semaphore, #tpu.memory_space<semaphore_mem>>)
    %dma_start3A_28 = arith.constant 64 : i32
    %dma_start3A_29 = tpu.memref_slice %arg8[%dma_start3A_28] : memref<256xi32, #tpu.memory_space<vmem>> -> memref<64xi32, #tpu.memory_space<vmem>>
    %dma_start3A_30 = arith.constant 0 : i32
    %dma_start3A_31 = arith.constant 0 : i32
    %dma_start3A_32 = tpu.memref_slice %arg5[%dma_start3A_30, %dma_start3A_31] : memref<1000x256xi32, #tpu.memory_space<hbm>> -> memref<1000x256xi32, #tpu.memory_space<hbm>>
    tpu.enqueue_indirect_dma source(%dma_start3A_32 : memref<1000x256xi32, #tpu.memory_space<hbm>>) target(%arg14 : memref<64x256xi32, #tpu.memory_space<vmem>>) offsets(%dma_start3A_29 : memref<64xi32, #tpu.memory_space<vmem>>) semaphore(%arg25 : memref<!tpu.dma_semaphore, #tpu.memory_space<semaphore_mem>>)
    %dma_start3A_33 = arith.constant 192 : i32
    %dma_start3A_34 = tpu.memref_slice %arg8[%dma_start3A_33] : memref<256xi32, #tpu.memory_space<vmem>> -> memref<64xi32, #tpu.memory_space<vmem>>
    %dma_start3A_35 = arith.constant 0 : i32
    %dma_start3A_36 = arith.constant 0 : i32
    %dma_start3A_37 = tpu.memref_slice %arg6[%dma_start3A_35, %dma_start3A_36] : memref<367x128xi32, #tpu.memory_space<hbm>> -> memref<367x128xi32, #tpu.memory_space<hbm>>
    tpu.enqueue_indirect_dma source(%dma_start3A_37 : memref<367x128xi32, #tpu.memory_space<hbm>>) target(%arg15 : memref<64x128xi32, #tpu.memory_space<vmem>>) offsets(%dma_start3A_34 : memref<64xi32, #tpu.memory_space<vmem>>) semaphore(%arg25 : memref<!tpu.dma_semaphore, #tpu.memory_space<semaphore_mem>>)
    %add3A_38 = arith.constant 1 : i32
    %add3A_39 = arith.addi %mul3A_4, %add3A_38 : i32
    %mul3A_40 = arith.constant 4 : i32
    %mul3A_41 = arith.muli %add3A_39, %mul3A_40 : i32
    %mul3A_42 = arith.constant 64 : i32
    %mul3A_43 = arith.muli %mul3A_41, %mul3A_42 : i32
    %dma_start3A_44 = tpu.memref_slice %arg2[%mul3A_43] : memref<819200xi32, #tpu.memory_space<hbm>> -> memref<256xi32, #tpu.memory_space<hbm>>
    %dma_start3A_45 = tpu.memref_slice %arg2[%mul3A_43] : memref<819200xi32, #tpu.memory_space<hbm>> -> memref<256xi32, #tpu.memory_space<hbm>>
    tpu.enqueue_dma source(%dma_start3A_45 : memref<256xi32, #tpu.memory_space<hbm>>) target(%arg9 : memref<256xi32, #tpu.memory_space<vmem>>) target_semaphore(%arg28 : memref<!tpu.dma_semaphore, #tpu.memory_space<semaphore_mem>>)
    %scan3A = arith.constant 0 : i32
    %scan3A_46 = arith.constant 0 : i32
    %scan3A_47 = arith.constant 50 : i32
    %scan3A_48 = arith.addi %scan3A_46, %scan3A_47 : i32
    %scan3A_49 = arith.constant 1 : i32
    scf.for %scan3A_54 = %scan3A_46 to %scan3A_48 step %scan3A_49  : i32 {
      %mul3A_55 = arith.constant 2 : i32
      %mul3A_56 = arith.muli %mul3A_55, %scan3A_54 : i32
      %mul3A_57 = arith.constant 64 : i32
      %mul3A_58 = arith.muli %mul3A_56, %mul3A_57 : i32
      %add3A_59 = arith.addi %mul3A_2, %mul3A_58 : i32
      %dma_wait3A_60 = arith.constant 0 : i32
      %dma_wait3A_61 = arith.constant 0 : i32
      %dma_wait3A_62 = tpu.memref_slice %arg3[%dma_wait3A_60, %dma_wait3A_61] : memref<100000x128xf32, #tpu.memory_space<hbm>> -> memref<64x128xf32, #tpu.memory_space<hbm>>
      %dma_wait3A_63 = arith.constant 0 : i32
      %dma_wait3A_64 = arith.constant 0 : i32
      %dma_wait3A_65 = tpu.memref_slice %arg3[%dma_wait3A_63, %dma_wait3A_64] : memref<100000x128xf32, #tpu.memory_space<hbm>> -> memref<64x128xf32, #tpu.memory_space<hbm>>
      tpu.wait_dma2 semaphore(%arg25 : memref<!tpu.dma_semaphore, #tpu.memory_space<semaphore_mem>>) src(%dma_wait3A_65 : memref<64x128xf32, #tpu.memory_space<hbm>>) dst(%arg10 : memref<64x128xf32, #tpu.memory_space<vmem>>)
      %dma_wait3A_66 = arith.constant 0 : i32
      %dma_wait3A_67 = arith.constant 0 : i32
      %dma_wait3A_68 = tpu.memref_slice %arg4[%dma_wait3A_66, %dma_wait3A_67] : memref<100000x128xf32, #tpu.memory_space<hbm>> -> memref<64x128xf32, #tpu.memory_space<hbm>>
      %dma_wait3A_69 = arith.constant 0 : i32
      %dma_wait3A_70 = arith.constant 0 : i32
      %dma_wait3A_71 = tpu.memref_slice %arg4[%dma_wait3A_69, %dma_wait3A_70] : memref<100000x128xf32, #tpu.memory_space<hbm>> -> memref<64x128xf32, #tpu.memory_space<hbm>>
      tpu.wait_dma2 semaphore(%arg25 : memref<!tpu.dma_semaphore, #tpu.memory_space<semaphore_mem>>) src(%dma_wait3A_71 : memref<64x128xf32, #tpu.memory_space<hbm>>) dst(%arg11 : memref<64x128xf32, #tpu.memory_space<vmem>>)
      %dma_wait3A_72 = arith.constant 0 : i32
      %dma_wait3A_73 = arith.constant 0 : i32
      %dma_wait3A_74 = tpu.memref_slice %arg3[%dma_wait3A_72, %dma_wait3A_73] : memref<100000x128xf32, #tpu.memory_space<hbm>> -> memref<64x128xf32, #tpu.memory_space<hbm>>
      %dma_wait3A_75 = arith.constant 0 : i32
      %dma_wait3A_76 = arith.constant 0 : i32
      %dma_wait3A_77 = tpu.memref_slice %arg3[%dma_wait3A_75, %dma_wait3A_76] : memref<100000x128xf32, #tpu.memory_space<hbm>> -> memref<64x128xf32, #tpu.memory_space<hbm>>
      tpu.wait_dma2 semaphore(%arg25 : memref<!tpu.dma_semaphore, #tpu.memory_space<semaphore_mem>>) src(%dma_wait3A_77 : memref<64x128xf32, #tpu.memory_space<hbm>>) dst(%arg12 : memref<64x128xf32, #tpu.memory_space<vmem>>)
      %dma_wait3A_78 = arith.constant 0 : i32
      %dma_wait3A_79 = arith.constant 0 : i32
      %dma_wait3A_80 = tpu.memref_slice %arg4[%dma_wait3A_78, %dma_wait3A_79] : memref<100000x128xf32, #tpu.memory_space<hbm>> -> memref<64x128xf32, #tpu.memory_space<hbm>>
      %dma_wait3A_81 = arith.constant 0 : i32
      %dma_wait3A_82 = arith.constant 0 : i32
      %dma_wait3A_83 = tpu.memref_slice %arg4[%dma_wait3A_81, %dma_wait3A_82] : memref<100000x128xf32, #tpu.memory_space<hbm>> -> memref<64x128xf32, #tpu.memory_space<hbm>>
      tpu.wait_dma2 semaphore(%arg25 : memref<!tpu.dma_semaphore, #tpu.memory_space<semaphore_mem>>) src(%dma_wait3A_83 : memref<64x128xf32, #tpu.memory_space<hbm>>) dst(%arg13 : memref<64x128xf32, #tpu.memory_space<vmem>>)
      %dma_wait3A_84 = arith.constant 0 : i32
      %dma_wait3A_85 = arith.constant 0 : i32
      %dma_wait3A_86 = tpu.memref_slice %arg5[%dma_wait3A_84, %dma_wait3A_85] : memref<1000x256xi32, #tpu.memory_space<hbm>> -> memref<64x256xi32, #tpu.memory_space<hbm>>
      %dma_wait3A_87 = arith.constant 0 : i32
      %dma_wait3A_88 = arith.constant 0 : i32
      %dma_wait3A_89 = tpu.memref_slice %arg5[%dma_wait3A_87, %dma_wait3A_88] : memref<1000x256xi32, #tpu.memory_space<hbm>> -> memref<64x256xi32, #tpu.memory_space<hbm>>
      tpu.wait_dma2 semaphore(%arg25 : memref<!tpu.dma_semaphore, #tpu.memory_space<semaphore_mem>>) src(%dma_wait3A_89 : memref<64x256xi32, #tpu.memory_space<hbm>>) dst(%arg14 : memref<64x256xi32, #tpu.memory_space<vmem>>)
      %dma_wait3A_90 = arith.constant 0 : i32
      %dma_wait3A_91 = arith.constant 0 : i32
      %dma_wait3A_92 = tpu.memref_slice %arg6[%dma_wait3A_90, %dma_wait3A_91] : memref<367x128xi32, #tpu.memory_space<hbm>> -> memref<64x128xi32, #tpu.memory_space<hbm>>
      %dma_wait3A_93 = arith.constant 0 : i32
      %dma_wait3A_94 = arith.constant 0 : i32
      %dma_wait3A_95 = tpu.memref_slice %arg6[%dma_wait3A_93, %dma_wait3A_94] : memref<367x128xi32, #tpu.memory_space<hbm>> -> memref<64x128xi32, #tpu.memory_space<hbm>>
      tpu.wait_dma2 semaphore(%arg25 : memref<!tpu.dma_semaphore, #tpu.memory_space<semaphore_mem>>) src(%dma_wait3A_95 : memref<64x128xi32, #tpu.memory_space<hbm>>) dst(%arg15 : memref<64x128xi32, #tpu.memory_space<vmem>>)
      %mul3A_96 = arith.constant 100 : i32
      %mul3A_97 = arith.muli %add3A, %mul3A_96 : i32
      %add3A_98 = arith.addi %mul3A_97, %mul3A_56 : i32
      %add3A_99 = arith.constant 2 : i32
      %add3A_100 = arith.addi %mul3A_56, %add3A_99 : i32
      %lt3A = arith.constant 100 : i32
      %lt3A_101 = arith.cmpi slt, %add3A_100, %lt3A : i32
      %convert_element_type3A = arith.extui %lt3A_101 : i1 to i32
      %cond3A = arith.constant 0 : i32
      %cond3A_102 = arith.cmpi ne, %convert_element_type3A, %cond3A : i32
      scf.if %cond3A_102 {
        %add3A_196 = arith.constant 2 : i32
        %add3A_197 = arith.addi %add3A_98, %add3A_196 : i32
        %mul3A_198 = arith.constant 4 : i32
        %mul3A_199 = arith.muli %add3A_197, %mul3A_198 : i32
        %mul3A_200 = arith.constant 64 : i32
        %mul3A_201 = arith.muli %mul3A_199, %mul3A_200 : i32
        %dma_start3A_202 = tpu.memref_slice %arg2[%mul3A_201] : memref<819200xi32, #tpu.memory_space<hbm>> -> memref<256xi32, #tpu.memory_space<hbm>>
        %dma_start3A_203 = tpu.memref_slice %arg2[%mul3A_201] : memref<819200xi32, #tpu.memory_space<hbm>> -> memref<256xi32, #tpu.memory_space<hbm>>
        tpu.enqueue_dma source(%dma_start3A_203 : memref<256xi32, #tpu.memory_space<hbm>>) target(%arg8 : memref<256xi32, #tpu.memory_space<vmem>>) target_semaphore(%arg27 : memref<!tpu.dma_semaphore, #tpu.memory_space<semaphore_mem>>)
      } else {
      }
      %add3A_103 = arith.constant 1 : i32
      %add3A_104 = arith.addi %mul3A_56, %add3A_103 : i32
      %lt3A_105 = arith.constant 100 : i32
      %lt3A_106 = arith.cmpi slt, %add3A_104, %lt3A_105 : i32
      %convert_element_type3A_107 = arith.extui %lt3A_106 : i1 to i32
      %cond3A_108 = arith.constant 0 : i32
      %cond3A_109 = arith.cmpi ne, %convert_element_type3A_107, %cond3A_108 : i32
      scf.if %cond3A_109 {
        %dma_wait3A_196 = arith.constant 0 : i32
        %dma_wait3A_197 = tpu.memref_slice %arg2[%dma_wait3A_196] : memref<819200xi32, #tpu.memory_space<hbm>> -> memref<256xi32, #tpu.memory_space<hbm>>
        %dma_wait3A_198 = arith.constant 0 : i32
        %dma_wait3A_199 = tpu.memref_slice %arg2[%dma_wait3A_198] : memref<819200xi32, #tpu.memory_space<hbm>> -> memref<256xi32, #tpu.memory_space<hbm>>
        tpu.wait_dma2 semaphore(%arg28 : memref<!tpu.dma_semaphore, #tpu.memory_space<semaphore_mem>>) src(%dma_wait3A_199 : memref<256xi32, #tpu.memory_space<hbm>>) dst(%arg9 : memref<256xi32, #tpu.memory_space<vmem>>)
        %dma_start3A_200 = arith.constant 0 : i32
        %dma_start3A_201 = tpu.memref_slice %arg9[%dma_start3A_200] : memref<256xi32, #tpu.memory_space<vmem>> -> memref<64xi32, #tpu.memory_space<vmem>>
        %dma_start3A_202 = arith.constant 0 : i32
        %dma_start3A_203 = arith.constant 0 : i32
        %dma_start3A_204 = tpu.memref_slice %arg3[%dma_start3A_202, %dma_start3A_203] : memref<100000x128xf32, #tpu.memory_space<hbm>> -> memref<100000x128xf32, #tpu.memory_space<hbm>>
        tpu.enqueue_indirect_dma source(%dma_start3A_204 : memref<100000x128xf32, #tpu.memory_space<hbm>>) target(%arg16 : memref<64x128xf32, #tpu.memory_space<vmem>>) offsets(%dma_start3A_201 : memref<64xi32, #tpu.memory_space<vmem>>) semaphore(%arg26 : memref<!tpu.dma_semaphore, #tpu.memory_space<semaphore_mem>>)
        %dma_start3A_205 = arith.constant 0 : i32
        %dma_start3A_206 = tpu.memref_slice %arg9[%dma_start3A_205] : memref<256xi32, #tpu.memory_space<vmem>> -> memref<64xi32, #tpu.memory_space<vmem>>
        %dma_start3A_207 = arith.constant 0 : i32
        %dma_start3A_208 = arith.constant 0 : i32
        %dma_start3A_209 = tpu.memref_slice %arg4[%dma_start3A_207, %dma_start3A_208] : memref<100000x128xf32, #tpu.memory_space<hbm>> -> memref<100000x128xf32, #tpu.memory_space<hbm>>
        tpu.enqueue_indirect_dma source(%dma_start3A_209 : memref<100000x128xf32, #tpu.memory_space<hbm>>) target(%arg17 : memref<64x128xf32, #tpu.memory_space<vmem>>) offsets(%dma_start3A_206 : memref<64xi32, #tpu.memory_space<vmem>>) semaphore(%arg26 : memref<!tpu.dma_semaphore, #tpu.memory_space<semaphore_mem>>)
        %dma_start3A_210 = arith.constant 128 : i32
        %dma_start3A_211 = tpu.memref_slice %arg9[%dma_start3A_210] : memref<256xi32, #tpu.memory_space<vmem>> -> memref<64xi32, #tpu.memory_space<vmem>>
        %dma_start3A_212 = arith.constant 0 : i32
        %dma_start3A_213 = arith.constant 0 : i32
        %dma_start3A_214 = tpu.memref_slice %arg3[%dma_start3A_212, %dma_start3A_213] : memref<100000x128xf32, #tpu.memory_space<hbm>> -> memref<100000x128xf32, #tpu.memory_space<hbm>>
        tpu.enqueue_indirect_dma source(%dma_start3A_214 : memref<100000x128xf32, #tpu.memory_space<hbm>>) target(%arg18 : memref<64x128xf32, #tpu.memory_space<vmem>>) offsets(%dma_start3A_211 : memref<64xi32, #tpu.memory_space<vmem>>) semaphore(%arg26 : memref<!tpu.dma_semaphore, #tpu.memory_space<semaphore_mem>>)
        %dma_start3A_215 = arith.constant 128 : i32
        %dma_start3A_216 = tpu.memref_slice %arg9[%dma_start3A_215] : memref<256xi32, #tpu.memory_space<vmem>> -> memref<64xi32, #tpu.memory_space<vmem>>
        %dma_start3A_217 = arith.constant 0 : i32
        %dma_start3A_218 = arith.constant 0 : i32
        %dma_start3A_219 = tpu.memref_slice %arg4[%dma_start3A_217, %dma_start3A_218] : memref<100000x128xf32, #tpu.memory_space<hbm>> -> memref<100000x128xf32, #tpu.memory_space<hbm>>
        tpu.enqueue_indirect_dma source(%dma_start3A_219 : memref<100000x128xf32, #tpu.memory_space<hbm>>) target(%arg19 : memref<64x128xf32, #tpu.memory_space<vmem>>) offsets(%dma_start3A_216 : memref<64xi32, #tpu.memory_space<vmem>>) semaphore(%arg26 : memref<!tpu.dma_semaphore, #tpu.memory_space<semaphore_mem>>)
        %dma_start3A_220 = arith.constant 64 : i32
        %dma_start3A_221 = tpu.memref_slice %arg9[%dma_start3A_220] : memref<256xi32, #tpu.memory_space<vmem>> -> memref<64xi32, #tpu.memory_space<vmem>>
        %dma_start3A_222 = arith.constant 0 : i32
        %dma_start3A_223 = arith.constant 0 : i32
        %dma_start3A_224 = tpu.memref_slice %arg5[%dma_start3A_222, %dma_start3A_223] : memref<1000x256xi32, #tpu.memory_space<hbm>> -> memref<1000x256xi32, #tpu.memory_space<hbm>>
        tpu.enqueue_indirect_dma source(%dma_start3A_224 : memref<1000x256xi32, #tpu.memory_space<hbm>>) target(%arg20 : memref<64x256xi32, #tpu.memory_space<vmem>>) offsets(%dma_start3A_221 : memref<64xi32, #tpu.memory_space<vmem>>) semaphore(%arg26 : memref<!tpu.dma_semaphore, #tpu.memory_space<semaphore_mem>>)
        %dma_start3A_225 = arith.constant 192 : i32
        %dma_start3A_226 = tpu.memref_slice %arg9[%dma_start3A_225] : memref<256xi32, #tpu.memory_space<vmem>> -> memref<64xi32, #tpu.memory_space<vmem>>
        %dma_start3A_227 = arith.constant 0 : i32
        %dma_start3A_228 = arith.constant 0 : i32
        %dma_start3A_229 = tpu.memref_slice %arg6[%dma_start3A_227, %dma_start3A_228] : memref<367x128xi32, #tpu.memory_space<hbm>> -> memref<367x128xi32, #tpu.memory_space<hbm>>
        tpu.enqueue_indirect_dma source(%dma_start3A_229 : memref<367x128xi32, #tpu.memory_space<hbm>>) target(%arg21 : memref<64x128xi32, #tpu.memory_space<vmem>>) offsets(%dma_start3A_226 : memref<64xi32, #tpu.memory_space<vmem>>) semaphore(%arg26 : memref<!tpu.dma_semaphore, #tpu.memory_space<semaphore_mem>>)
      } else {
      }
      %ge3A = arith.constant 2 : i32
      %ge3A_110 = arith.cmpi sge, %mul3A_56, %ge3A : i32
      %convert_element_type3A_111 = arith.extui %ge3A_110 : i1 to i32
      %cond3A_112 = arith.constant 0 : i32
      %cond3A_113 = arith.cmpi ne, %convert_element_type3A_111, %cond3A_112 : i32
      scf.if %cond3A_113 {
        %dma_wait3A_196 = tpu.memref_slice %arg7[%add3A_59] : memref<204800xf32, #tpu.memory_space<hbm>> -> memref<64xf32, #tpu.memory_space<hbm>>
        %dma_wait3A_197 = tpu.memref_slice %arg7[%add3A_59] : memref<204800xf32, #tpu.memory_space<hbm>> -> memref<64xf32, #tpu.memory_space<hbm>>
        tpu.wait_dma2 semaphore(%arg29 : memref<!tpu.dma_semaphore, #tpu.memory_space<semaphore_mem>>) src(%arg22 : memref<64xf32, #tpu.memory_space<vmem>>) dst(%dma_wait3A_197 : memref<64xf32, #tpu.memory_space<hbm>>)
      } else {
      }
      %iota3A = tpu.iota {dimensions = array<i32: 0>} : vector<16xi32>
      %scan3A_114 = arith.constant 0 : i32
      %scan3A_115 = arith.constant 0 : i32
      %scan3A_116 = arith.constant 4 : i32
      %scan3A_117 = arith.addi %scan3A_115, %scan3A_116 : i32
      %scan3A_118 = arith.constant 1 : i32
      scf.for %scan3A_196 = %scan3A_115 to %scan3A_117 step %scan3A_118  : i32 {
        %mul3A_197 = arith.constant 16 : i32
        %mul3A_198 = arith.muli %scan3A_196, %mul3A_197 : i32
        %multiple_of3A = tpu.assume_multiple %mul3A_198, 16 : i32
        %scan3A_199 = arith.constant 0 : i32
        %scan3A_200 = arith.constant 0 : i32
        %scan3A_201 = arith.constant 16 : i32
        %scan3A_202 = arith.addi %scan3A_200, %scan3A_201 : i32
        %scan3A_203 = arith.constant 2 : i32
        scf.for %scan3A_267 = %scan3A_200 to %scan3A_202 step %scan3A_203  : i32 {
          %add3A_268 = arith.addi %multiple_of3A, %scan3A_267 : i32
          %broadcast_in_dim3A_269 = arith.constant 0.000000e+00 : f32
          %broadcast_in_dim3A_270 = vector.broadcast %broadcast_in_dim3A_269 : f32 to vector<16xf32>
          %get3A = arith.index_cast %add3A_268 : i32 to index
          %get3A_271 = arith.constant 0 : index
          %get3A_272 = tpu.vector_load %arg10[%get3A, %get3A_271] {strides = array<i32>} : memref<64x128xf32, #tpu.memory_space<vmem>>, vector<16xf32>,
          %get3A_273 = arith.index_cast %add3A_268 : i32 to index
          %get3A_274 = arith.constant 0 : index
          %get3A_275 = tpu.vector_load %arg11[%get3A_273, %get3A_274] {strides = array<i32>} : memref<64x128xf32, #tpu.memory_space<vmem>>, vector<16xf32>,
          %get3A_276 = arith.index_cast %add3A_268 : i32 to index
          %get3A_277 = arith.constant 0 : index
          %get3A_278 = tpu.vector_load %arg12[%get3A_276, %get3A_277] {strides = array<i32>} : memref<64x128xf32, #tpu.memory_space<vmem>>, vector<16xf32>,
          %get3A_279 = arith.index_cast %add3A_268 : i32 to index
          %get3A_280 = arith.constant 0 : index
          %get3A_281 = tpu.vector_load %arg13[%get3A_279, %get3A_280] {strides = array<i32>} : memref<64x128xf32, #tpu.memory_space<vmem>>, vector<16xf32>,
          %get3A_282 = arith.index_cast %add3A_268 : i32 to index
          %get3A_283 = arith.constant 0 : index
          %get3A_284 = tpu.vector_load %arg14[%get3A_282, %get3A_283] {strides = array<i32>} : memref<64x256xi32, #tpu.memory_space<vmem>>, vector<16xi32>,
          %bitcast3A = vector.bitcast %get3A_284 : vector<16xi32> to vector<32xbf16>
          %unpack3A = tpu.unpack_subelements %bitcast3A, 0 {pack_format = #tpu.pack_format<interleaved>} : vector<32xbf16> -> vector<16xf32>
          %unpack3A_285 = tpu.unpack_subelements %bitcast3A, 1 {pack_format = #tpu.pack_format<interleaved>} : vector<32xbf16> -> vector<16xf32>
          %get3A_286 = arith.index_cast %add3A_268 : i32 to index
          %get3A_287 = arith.constant 128 : index
          %get3A_288 = tpu.vector_load %arg14[%get3A_286, %get3A_287] {strides = array<i32>} : memref<64x256xi32, #tpu.memory_space<vmem>>, vector<16xi32>,
          %bitcast3A_289 = vector.bitcast %get3A_288 : vector<16xi32> to vector<32xbf16>
          %unpack3A_290 = tpu.unpack_subelements %bitcast3A_289, 0 {pack_format = #tpu.pack_format<interleaved>} : vector<32xbf16> -> vector<16xf32>
          %unpack3A_291 = tpu.unpack_subelements %bitcast3A_289, 1 {pack_format = #tpu.pack_format<interleaved>} : vector<32xbf16> -> vector<16xf32>
          %get3A_292 = arith.index_cast %add3A_268 : i32 to index
          %get3A_293 = arith.constant 0 : index
          %get3A_294 = tpu.vector_load %arg15[%get3A_292, %get3A_293] {strides = array<i32>} : memref<64x128xi32, #tpu.memory_space<vmem>>, vector<16xi32>,
          %bitcast3A_295 = vector.bitcast %get3A_294 : vector<16xi32> to vector<32xbf16>
          %unpack3A_296 = tpu.unpack_subelements %bitcast3A_295, 0 {pack_format = #tpu.pack_format<interleaved>} : vector<32xbf16> -> vector<16xf32>
          %unpack3A_297 = tpu.unpack_subelements %bitcast3A_295, 1 {pack_format = #tpu.pack_format<interleaved>} : vector<32xbf16> -> vector<16xf32>
          %mul3A_298 = arith.mulf %unpack3A, %unpack3A_296 : vector<16xf32>
          %mul3A_299 = arith.mulf %unpack3A_285, %unpack3A_297 : vector<16xf32>
          %sub3A = arith.subf %mul3A_298, %mul3A_299 : vector<16xf32>
          %add3A_300 = arith.addf %sub3A, %unpack3A_290 : vector<16xf32>
          %mul3A_301 = arith.mulf %unpack3A, %unpack3A_297 : vector<16xf32>
          %mul3A_302 = arith.mulf %unpack3A_285, %unpack3A_296 : vector<16xf32>
          %add3A_303 = arith.addf %mul3A_301, %mul3A_302 : vector<16xf32>
          %add3A_304 = arith.addf %add3A_303, %unpack3A_291 : vector<16xf32>
          %mul3A_305 = arith.mulf %get3A_272, %get3A_278 : vector<16xf32>
          %mul3A_306 = arith.mulf %get3A_275, %get3A_281 : vector<16xf32>
          %add3A_307 = arith.addf %mul3A_305, %mul3A_306 : vector<16xf32>
          %mul3A_308 = arith.mulf %get3A_272, %get3A_281 : vector<16xf32>
          %mul3A_309 = arith.mulf %get3A_275, %get3A_278 : vector<16xf32>
          %sub3A_310 = arith.subf %mul3A_308, %mul3A_309 : vector<16xf32>
          %mul3A_311 = arith.mulf %add3A_307, %add3A_300 : vector<16xf32>
          %add3A_312 = arith.addf %broadcast_in_dim3A_270, %mul3A_311 : vector<16xf32>
          %mul3A_313 = arith.mulf %sub3A_310, %add3A_304 : vector<16xf32>
          %add3A_314 = arith.addf %add3A_312, %mul3A_313 : vector<16xf32>
          %get3A_315 = arith.index_cast %add3A_268 : i32 to index
          %get3A_316 = arith.constant 16 : index
          %get3A_317 = tpu.vector_load %arg10[%get3A_315, %get3A_316] {strides = array<i32>} : memref<64x128xf32, #tpu.memory_space<vmem>>, vector<16xf32>,
          %get3A_318 = arith.index_cast %add3A_268 : i32 to index
          %get3A_319 = arith.constant 16 : index
          %get3A_320 = tpu.vector_load %arg11[%get3A_318, %get3A_319] {strides = array<i32>} : memref<64x128xf32, #tpu.memory_space<vmem>>, vector<16xf32>,
          %get3A_321 = arith.index_cast %add3A_268 : i32 to index
          %get3A_322 = arith.constant 16 : index
          %get3A_323 = tpu.vector_load %arg12[%get3A_321, %get3A_322] {strides = array<i32>} : memref<64x128xf32, #tpu.memory_space<vmem>>, vector<16xf32>,
          %get3A_324 = arith.index_cast %add3A_268 : i32 to index
          %get3A_325 = arith.constant 16 : index
          %get3A_326 = tpu.vector_load %arg13[%get3A_324, %get3A_325] {strides = array<i32>} : memref<64x128xf32, #tpu.memory_space<vmem>>, vector<16xf32>,
          %get3A_327 = arith.index_cast %add3A_268 : i32 to index
          %get3A_328 = arith.constant 16 : index
          %get3A_329 = tpu.vector_load %arg14[%get3A_327, %get3A_328] {strides = array<i32>} : memref<64x256xi32, #tpu.memory_space<vmem>>, vector<16xi32>,
          %bitcast3A_330 = vector.bitcast %get3A_329 : vector<16xi32> to vector<32xbf16>
          %unpack3A_331 = tpu.unpack_subelements %bitcast3A_330, 0 {pack_format = #tpu.pack_format<interleaved>} : vector<32xbf16> -> vector<16xf32>
          %unpack3A_332 = tpu.unpack_subelements %bitcast3A_330, 1 {pack_format = #tpu.pack_format<interleaved>} : vector<32xbf16> -> vector<16xf32>
          %get3A_333 = arith.index_cast %add3A_268 : i32 to index
          %get3A_334 = arith.constant 144 : index
          %get3A_335 = tpu.vector_load %arg14[%get3A_333, %get3A_334] {strides = array<i32>} : memref<64x256xi32, #tpu.memory_space<vmem>>, vector<16xi32>,
          %bitcast3A_336 = vector.bitcast %get3A_335 : vector<16xi32> to vector<32xbf16>
          %unpack3A_337 = tpu.unpack_subelements %bitcast3A_336, 0 {pack_format = #tpu.pack_format<interleaved>} : vector<32xbf16> -> vector<16xf32>
          %unpack3A_338 = tpu.unpack_subelements %bitcast3A_336, 1 {pack_format = #tpu.pack_format<interleaved>} : vector<32xbf16> -> vector<16xf32>
          %get3A_339 = arith.index_cast %add3A_268 : i32 to index
          %get3A_340 = arith.constant 16 : index
          %get3A_341 = tpu.vector_load %arg15[%get3A_339, %get3A_340] {strides = array<i32>} : memref<64x128xi32, #tpu.memory_space<vmem>>, vector<16xi32>,
          %bitcast3A_342 = vector.bitcast %get3A_341 : vector<16xi32> to vector<32xbf16>
          %unpack3A_343 = tpu.unpack_subelements %bitcast3A_342, 0 {pack_format = #tpu.pack_format<interleaved>} : vector<32xbf16> -> vector<16xf32>
          %unpack3A_344 = tpu.unpack_subelements %bitcast3A_342, 1 {pack_format = #tpu.pack_format<interleaved>} : vector<32xbf16> -> vector<16xf32>
          %mul3A_345 = arith.mulf %unpack3A_331, %unpack3A_343 : vector<16xf32>
          %mul3A_346 = arith.mulf %unpack3A_332, %unpack3A_344 : vector<16xf32>
          %sub3A_347 = arith.subf %mul3A_345, %mul3A_346 : vector<16xf32>
          %add3A_348 = arith.addf %sub3A_347, %unpack3A_337 : vector<16xf32>
          %mul3A_349 = arith.mulf %unpack3A_331, %unpack3A_344 : vector<16xf32>
          %mul3A_350 = arith.mulf %unpack3A_332, %unpack3A_343 : vector<16xf32>
          %add3A_351 = arith.addf %mul3A_349, %mul3A_350 : vector<16xf32>
          %add3A_352 = arith.addf %add3A_351, %unpack3A_338 : vector<16xf32>
          %mul3A_353 = arith.mulf %get3A_317, %get3A_323 : vector<16xf32>
          %mul3A_354 = arith.mulf %get3A_320, %get3A_326 : vector<16xf32>
          %add3A_355 = arith.addf %mul3A_353, %mul3A_354 : vector<16xf32>
          %mul3A_356 = arith.mulf %get3A_317, %get3A_326 : vector<16xf32>
          %mul3A_357 = arith.mulf %get3A_320, %get3A_323 : vector<16xf32>
          %sub3A_358 = arith.subf %mul3A_356, %mul3A_357 : vector<16xf32>
          %mul3A_359 = arith.mulf %add3A_355, %add3A_348 : vector<16xf32>
          %add3A_360 = arith.addf %add3A_314, %mul3A_359 : vector<16xf32>
          %mul3A_361 = arith.mulf %sub3A_358, %add3A_352 : vector<16xf32>
          %add3A_362 = arith.addf %add3A_360, %mul3A_361 : vector<16xf32>
          %get3A_363 = arith.index_cast %add3A_268 : i32 to index
          %get3A_364 = arith.constant 32 : index
          %get3A_365 = tpu.vector_load %arg10[%get3A_363, %get3A_364] {strides = array<i32>} : memref<64x128xf32, #tpu.memory_space<vmem>>, vector<16xf32>,
          %get3A_366 = arith.index_cast %add3A_268 : i32 to index
          %get3A_367 = arith.constant 32 : index
          %get3A_368 = tpu.vector_load %arg11[%get3A_366, %get3A_367] {strides = array<i32>} : memref<64x128xf32, #tpu.memory_space<vmem>>, vector<16xf32>,
          %get3A_369 = arith.index_cast %add3A_268 : i32 to index
          %get3A_370 = arith.constant 32 : index
          %get3A_371 = tpu.vector_load %arg12[%get3A_369, %get3A_370] {strides = array<i32>} : memref<64x128xf32, #tpu.memory_space<vmem>>, vector<16xf32>,
          %get3A_372 = arith.index_cast %add3A_268 : i32 to index
          %get3A_373 = arith.constant 32 : index
          %get3A_374 = tpu.vector_load %arg13[%get3A_372, %get3A_373] {strides = array<i32>} : memref<64x128xf32, #tpu.memory_space<vmem>>, vector<16xf32>,
          %get3A_375 = arith.index_cast %add3A_268 : i32 to index
          %get3A_376 = arith.constant 32 : index
          %get3A_377 = tpu.vector_load %arg14[%get3A_375, %get3A_376] {strides = array<i32>} : memref<64x256xi32, #tpu.memory_space<vmem>>, vector<16xi32>,
          %bitcast3A_378 = vector.bitcast %get3A_377 : vector<16xi32> to vector<32xbf16>
          %unpack3A_379 = tpu.unpack_subelements %bitcast3A_378, 0 {pack_format = #tpu.pack_format<interleaved>} : vector<32xbf16> -> vector<16xf32>
          %unpack3A_380 = tpu.unpack_subelements %bitcast3A_378, 1 {pack_format = #tpu.pack_format<interleaved>} : vector<32xbf16> -> vector<16xf32>
          %get3A_381 = arith.index_cast %add3A_268 : i32 to index
          %get3A_382 = arith.constant 160 : index
          %get3A_383 = tpu.vector_load %arg14[%get3A_381, %get3A_382] {strides = array<i32>} : memref<64x256xi32, #tpu.memory_space<vmem>>, vector<16xi32>,
          %bitcast3A_384 = vector.bitcast %get3A_383 : vector<16xi32> to vector<32xbf16>
          %unpack3A_385 = tpu.unpack_subelements %bitcast3A_384, 0 {pack_format = #tpu.pack_format<interleaved>} : vector<32xbf16> -> vector<16xf32>
          %unpack3A_386 = tpu.unpack_subelements %bitcast3A_384, 1 {pack_format = #tpu.pack_format<interleaved>} : vector<32xbf16> -> vector<16xf32>
          %get3A_387 = arith.index_cast %add3A_268 : i32 to index
          %get3A_388 = arith.constant 32 : index
          %get3A_389 = tpu.vector_load %arg15[%get3A_387, %get3A_388] {strides = array<i32>} : memref<64x128xi32, #tpu.memory_space<vmem>>, vector<16xi32>,
          %bitcast3A_390 = vector.bitcast %get3A_389 : vector<16xi32> to vector<32xbf16>
          %unpack3A_391 = tpu.unpack_subelements %bitcast3A_390, 0 {pack_format = #tpu.pack_format<interleaved>} : vector<32xbf16> -> vector<16xf32>
          %unpack3A_392 = tpu.unpack_subelements %bitcast3A_390, 1 {pack_format = #tpu.pack_format<interleaved>} : vector<32xbf16> -> vector<16xf32>
          %mul3A_393 = arith.mulf %unpack3A_379, %unpack3A_391 : vector<16xf32>
          %mul3A_394 = arith.mulf %unpack3A_380, %unpack3A_392 : vector<16xf32>
          %sub3A_395 = arith.subf %mul3A_393, %mul3A_394 : vector<16xf32>
          %add3A_396 = arith.addf %sub3A_395, %unpack3A_385 : vector<16xf32>
          %mul3A_397 = arith.mulf %unpack3A_379, %unpack3A_392 : vector<16xf32>
          %mul3A_398 = arith.mulf %unpack3A_380, %unpack3A_391 : vector<16xf32>
          %add3A_399 = arith.addf %mul3A_397, %mul3A_398 : vector<16xf32>
          %add3A_400 = arith.addf %add3A_399, %unpack3A_386 : vector<16xf32>
          %mul3A_401 = arith.mulf %get3A_365, %get3A_371 : vector<16xf32>
          %mul3A_402 = arith.mulf %get3A_368, %get3A_374 : vector<16xf32>
          %add3A_403 = arith.addf %mul3A_401, %mul3A_402 : vector<16xf32>
          %mul3A_404 = arith.mulf %get3A_365, %get3A_374 : vector<16xf32>
          %mul3A_405 = arith.mulf %get3A_368, %get3A_371 : vector<16xf32>
          %sub3A_406 = arith.subf %mul3A_404, %mul3A_405 : vector<16xf32>
          %mul3A_407 = arith.mulf %add3A_403, %add3A_396 : vector<16xf32>
          %add3A_408 = arith.addf %add3A_362, %mul3A_407 : vector<16xf32>
          %mul3A_409 = arith.mulf %sub3A_406, %add3A_400 : vector<16xf32>
          %add3A_410 = arith.addf %add3A_408, %mul3A_409 : vector<16xf32>
          %get3A_411 = arith.index_cast %add3A_268 : i32 to index
          %get3A_412 = arith.constant 48 : index
          %get3A_413 = tpu.vector_load %arg10[%get3A_411, %get3A_412] {strides = array<i32>} : memref<64x128xf32, #tpu.memory_space<vmem>>, vector<16xf32>,
          %get3A_414 = arith.index_cast %add3A_268 : i32 to index
          %get3A_415 = arith.constant 48 : index
          %get3A_416 = tpu.vector_load %arg11[%get3A_414, %get3A_415] {strides = array<i32>} : memref<64x128xf32, #tpu.memory_space<vmem>>, vector<16xf32>,
          %get3A_417 = arith.index_cast %add3A_268 : i32 to index
          %get3A_418 = arith.constant 48 : index
          %get3A_419 = tpu.vector_load %arg12[%get3A_417, %get3A_418] {strides = array<i32>} : memref<64x128xf32, #tpu.memory_space<vmem>>, vector<16xf32>,
          %get3A_420 = arith.index_cast %add3A_268 : i32 to index
          %get3A_421 = arith.constant 48 : index
          %get3A_422 = tpu.vector_load %arg13[%get3A_420, %get3A_421] {strides = array<i32>} : memref<64x128xf32, #tpu.memory_space<vmem>>, vector<16xf32>,
          %get3A_423 = arith.index_cast %add3A_268 : i32 to index
          %get3A_424 = arith.constant 48 : index
          %get3A_425 = tpu.vector_load %arg14[%get3A_423, %get3A_424] {strides = array<i32>} : memref<64x256xi32, #tpu.memory_space<vmem>>, vector<16xi32>,
          %bitcast3A_426 = vector.bitcast %get3A_425 : vector<16xi32> to vector<32xbf16>
          %unpack3A_427 = tpu.unpack_subelements %bitcast3A_426, 0 {pack_format = #tpu.pack_format<interleaved>} : vector<32xbf16> -> vector<16xf32>
          %unpack3A_428 = tpu.unpack_subelements %bitcast3A_426, 1 {pack_format = #tpu.pack_format<interleaved>} : vector<32xbf16> -> vector<16xf32>
          %get3A_429 = arith.index_cast %add3A_268 : i32 to index
          %get3A_430 = arith.constant 176 : index
          %get3A_431 = tpu.vector_load %arg14[%get3A_429, %get3A_430] {strides = array<i32>} : memref<64x256xi32, #tpu.memory_space<vmem>>, vector<16xi32>,
          %bitcast3A_432 = vector.bitcast %get3A_431 : vector<16xi32> to vector<32xbf16>
          %unpack3A_433 = tpu.unpack_subelements %bitcast3A_432, 0 {pack_format = #tpu.pack_format<interleaved>} : vector<32xbf16> -> vector<16xf32>
          %unpack3A_434 = tpu.unpack_subelements %bitcast3A_432, 1 {pack_format = #tpu.pack_format<interleaved>} : vector<32xbf16> -> vector<16xf32>
          %get3A_435 = arith.index_cast %add3A_268 : i32 to index
          %get3A_436 = arith.constant 48 : index
          %get3A_437 = tpu.vector_load %arg15[%get3A_435, %get3A_436] {strides = array<i32>} : memref<64x128xi32, #tpu.memory_space<vmem>>, vector<16xi32>,
          %bitcast3A_438 = vector.bitcast %get3A_437 : vector<16xi32> to vector<32xbf16>
          %unpack3A_439 = tpu.unpack_subelements %bitcast3A_438, 0 {pack_format = #tpu.pack_format<interleaved>} : vector<32xbf16> -> vector<16xf32>
          %unpack3A_440 = tpu.unpack_subelements %bitcast3A_438, 1 {pack_format = #tpu.pack_format<interleaved>} : vector<32xbf16> -> vector<16xf32>
          %mul3A_441 = arith.mulf %unpack3A_427, %unpack3A_439 : vector<16xf32>
          %mul3A_442 = arith.mulf %unpack3A_428, %unpack3A_440 : vector<16xf32>
          %sub3A_443 = arith.subf %mul3A_441, %mul3A_442 : vector<16xf32>
          %add3A_444 = arith.addf %sub3A_443, %unpack3A_433 : vector<16xf32>
          %mul3A_445 = arith.mulf %unpack3A_427, %unpack3A_440 : vector<16xf32>
          %mul3A_446 = arith.mulf %unpack3A_428, %unpack3A_439 : vector<16xf32>
          %add3A_447 = arith.addf %mul3A_445, %mul3A_446 : vector<16xf32>
          %add3A_448 = arith.addf %add3A_447, %unpack3A_434 : vector<16xf32>
          %mul3A_449 = arith.mulf %get3A_413, %get3A_419 : vector<16xf32>
          %mul3A_450 = arith.mulf %get3A_416, %get3A_422 : vector<16xf32>
          %add3A_451 = arith.addf %mul3A_449, %mul3A_450 : vector<16xf32>
          %mul3A_452 = arith.mulf %get3A_413, %get3A_422 : vector<16xf32>
          %mul3A_453 = arith.mulf %get3A_416, %get3A_419 : vector<16xf32>
          %sub3A_454 = arith.subf %mul3A_452, %mul3A_453 : vector<16xf32>
          %mul3A_455 = arith.mulf %add3A_451, %add3A_444 : vector<16xf32>
          %add3A_456 = arith.addf %add3A_410, %mul3A_455 : vector<16xf32>
          %mul3A_457 = arith.mulf %sub3A_454, %add3A_448 : vector<16xf32>
          %add3A_458 = arith.addf %add3A_456, %mul3A_457 : vector<16xf32>
          %get3A_459 = arith.index_cast %add3A_268 : i32 to index
          %get3A_460 = arith.constant 64 : index
          %get3A_461 = tpu.vector_load %arg10[%get3A_459, %get3A_460] {strides = array<i32>} : memref<64x128xf32, #tpu.memory_space<vmem>>, vector<16xf32>,
          %get3A_462 = arith.index_cast %add3A_268 : i32 to index
          %get3A_463 = arith.constant 64 : index
          %get3A_464 = tpu.vector_load %arg11[%get3A_462, %get3A_463] {strides = array<i32>} : memref<64x128xf32, #tpu.memory_space<vmem>>, vector<16xf32>,
          %get3A_465 = arith.index_cast %add3A_268 : i32 to index
          %get3A_466 = arith.constant 64 : index
          %get3A_467 = tpu.vector_load %arg12[%get3A_465, %get3A_466] {strides = array<i32>} : memref<64x128xf32, #tpu.memory_space<vmem>>, vector<16xf32>,
          %get3A_468 = arith.index_cast %add3A_268 : i32 to index
          %get3A_469 = arith.constant 64 : index
          %get3A_470 = tpu.vector_load %arg13[%get3A_468, %get3A_469] {strides = array<i32>} : memref<64x128xf32, #tpu.memory_space<vmem>>, vector<16xf32>,
          %get3A_471 = arith.index_cast %add3A_268 : i32 to index
          %get3A_472 = arith.constant 64 : index
          %get3A_473 = tpu.vector_load %arg14[%get3A_471, %get3A_472] {strides = array<i32>} : memref<64x256xi32, #tpu.memory_space<vmem>>, vector<16xi32>,
          %bitcast3A_474 = vector.bitcast %get3A_473 : vector<16xi32> to vector<32xbf16>
          %unpack3A_475 = tpu.unpack_subelements %bitcast3A_474, 0 {pack_format = #tpu.pack_format<interleaved>} : vector<32xbf16> -> vector<16xf32>
          %unpack3A_476 = tpu.unpack_subelements %bitcast3A_474, 1 {pack_format = #tpu.pack_format<interleaved>} : vector<32xbf16> -> vector<16xf32>
          %get3A_477 = arith.index_cast %add3A_268 : i32 to index
          %get3A_478 = arith.constant 192 : index
          %get3A_479 = tpu.vector_load %arg14[%get3A_477, %get3A_478] {strides = array<i32>} : memref<64x256xi32, #tpu.memory_space<vmem>>, vector<16xi32>,
          %bitcast3A_480 = vector.bitcast %get3A_479 : vector<16xi32> to vector<32xbf16>
          %unpack3A_481 = tpu.unpack_subelements %bitcast3A_480, 0 {pack_format = #tpu.pack_format<interleaved>} : vector<32xbf16> -> vector<16xf32>
          %unpack3A_482 = tpu.unpack_subelements %bitcast3A_480, 1 {pack_format = #tpu.pack_format<interleaved>} : vector<32xbf16> -> vector<16xf32>
          %get3A_483 = arith.index_cast %add3A_268 : i32 to index
          %get3A_484 = arith.constant 64 : index
          %get3A_485 = tpu.vector_load %arg15[%get3A_483, %get3A_484] {strides = array<i32>} : memref<64x128xi32, #tpu.memory_space<vmem>>, vector<16xi32>,
          %bitcast3A_486 = vector.bitcast %get3A_485 : vector<16xi32> to vector<32xbf16>
          %unpack3A_487 = tpu.unpack_subelements %bitcast3A_486, 0 {pack_format = #tpu.pack_format<interleaved>} : vector<32xbf16> -> vector<16xf32>
          %unpack3A_488 = tpu.unpack_subelements %bitcast3A_486, 1 {pack_format = #tpu.pack_format<interleaved>} : vector<32xbf16> -> vector<16xf32>
          %mul3A_489 = arith.mulf %unpack3A_475, %unpack3A_487 : vector<16xf32>
          %mul3A_490 = arith.mulf %unpack3A_476, %unpack3A_488 : vector<16xf32>
          %sub3A_491 = arith.subf %mul3A_489, %mul3A_490 : vector<16xf32>
          %add3A_492 = arith.addf %sub3A_491, %unpack3A_481 : vector<16xf32>
          %mul3A_493 = arith.mulf %unpack3A_475, %unpack3A_488 : vector<16xf32>
          %mul3A_494 = arith.mulf %unpack3A_476, %unpack3A_487 : vector<16xf32>
          %add3A_495 = arith.addf %mul3A_493, %mul3A_494 : vector<16xf32>
          %add3A_496 = arith.addf %add3A_495, %unpack3A_482 : vector<16xf32>
          %mul3A_497 = arith.mulf %get3A_461, %get3A_467 : vector<16xf32>
          %mul3A_498 = arith.mulf %get3A_464, %get3A_470 : vector<16xf32>
          %add3A_499 = arith.addf %mul3A_497, %mul3A_498 : vector<16xf32>
          %mul3A_500 = arith.mulf %get3A_461, %get3A_470 : vector<16xf32>
          %mul3A_501 = arith.mulf %get3A_464, %get3A_467 : vector<16xf32>
          %sub3A_502 = arith.subf %mul3A_500, %mul3A_501 : vector<16xf32>
          %mul3A_503 = arith.mulf %add3A_499, %add3A_492 : vector<16xf32>
          %add3A_504 = arith.addf %add3A_458, %mul3A_503 : vector<16xf32>
          %mul3A_505 = arith.mulf %sub3A_502, %add3A_496 : vector<16xf32>
          %add3A_506 = arith.addf %add3A_504, %mul3A_505 : vector<16xf32>
          %get3A_507 = arith.index_cast %add3A_268 : i32 to index
          %get3A_508 = arith.constant 80 : index
          %get3A_509 = tpu.vector_load %arg10[%get3A_507, %get3A_508] {strides = array<i32>} : memref<64x128xf32, #tpu.memory_space<vmem>>, vector<16xf32>,
          %get3A_510 = arith.index_cast %add3A_268 : i32 to index
          %get3A_511 = arith.constant 80 : index
          %get3A_512 = tpu.vector_load %arg11[%get3A_510, %get3A_511] {strides = array<i32>} : memref<64x128xf32, #tpu.memory_space<vmem>>, vector<16xf32>,
          %get3A_513 = arith.index_cast %add3A_268 : i32 to index
          %get3A_514 = arith.constant 80 : index
          %get3A_515 = tpu.vector_load %arg12[%get3A_513, %get3A_514] {strides = array<i32>} : memref<64x128xf32, #tpu.memory_space<vmem>>, vector<16xf32>,
          %get3A_516 = arith.index_cast %add3A_268 : i32 to index
          %get3A_517 = arith.constant 80 : index
          %get3A_518 = tpu.vector_load %arg13[%get3A_516, %get3A_517] {strides = array<i32>} : memref<64x128xf32, #tpu.memory_space<vmem>>, vector<16xf32>,
          %get3A_519 = arith.index_cast %add3A_268 : i32 to index
          %get3A_520 = arith.constant 80 : index
          %get3A_521 = tpu.vector_load %arg14[%get3A_519, %get3A_520] {strides = array<i32>} : memref<64x256xi32, #tpu.memory_space<vmem>>, vector<16xi32>,
          %bitcast3A_522 = vector.bitcast %get3A_521 : vector<16xi32> to vector<32xbf16>
          %unpack3A_523 = tpu.unpack_subelements %bitcast3A_522, 0 {pack_format = #tpu.pack_format<interleaved>} : vector<32xbf16> -> vector<16xf32>
          %unpack3A_524 = tpu.unpack_subelements %bitcast3A_522, 1 {pack_format = #tpu.pack_format<interleaved>} : vector<32xbf16> -> vector<16xf32>
          %get3A_525 = arith.index_cast %add3A_268 : i32 to index
          %get3A_526 = arith.constant 208 : index
          %get3A_527 = tpu.vector_load %arg14[%get3A_525, %get3A_526] {strides = array<i32>} : memref<64x256xi32, #tpu.memory_space<vmem>>, vector<16xi32>,
          %bitcast3A_528 = vector.bitcast %get3A_527 : vector<16xi32> to vector<32xbf16>
          %unpack3A_529 = tpu.unpack_subelements %bitcast3A_528, 0 {pack_format = #tpu.pack_format<interleaved>} : vector<32xbf16> -> vector<16xf32>
          %unpack3A_530 = tpu.unpack_subelements %bitcast3A_528, 1 {pack_format = #tpu.pack_format<interleaved>} : vector<32xbf16> -> vector<16xf32>
          %get3A_531 = arith.index_cast %add3A_268 : i32 to index
          %get3A_532 = arith.constant 80 : index
          %get3A_533 = tpu.vector_load %arg15[%get3A_531, %get3A_532] {strides = array<i32>} : memref<64x128xi32, #tpu.memory_space<vmem>>, vector<16xi32>,
          %bitcast3A_534 = vector.bitcast %get3A_533 : vector<16xi32> to vector<32xbf16>
          %unpack3A_535 = tpu.unpack_subelements %bitcast3A_534, 0 {pack_format = #tpu.pack_format<interleaved>} : vector<32xbf16> -> vector<16xf32>
          %unpack3A_536 = tpu.unpack_subelements %bitcast3A_534, 1 {pack_format = #tpu.pack_format<interleaved>} : vector<32xbf16> -> vector<16xf32>
          %mul3A_537 = arith.mulf %unpack3A_523, %unpack3A_535 : vector<16xf32>
          %mul3A_538 = arith.mulf %unpack3A_524, %unpack3A_536 : vector<16xf32>
          %sub3A_539 = arith.subf %mul3A_537, %mul3A_538 : vector<16xf32>
          %add3A_540 = arith.addf %sub3A_539, %unpack3A_529 : vector<16xf32>
          %mul3A_541 = arith.mulf %unpack3A_523, %unpack3A_536 : vector<16xf32>
          %mul3A_542 = arith.mulf %unpack3A_524, %unpack3A_535 : vector<16xf32>
          %add3A_543 = arith.addf %mul3A_541, %mul3A_542 : vector<16xf32>
          %add3A_544 = arith.addf %add3A_543, %unpack3A_530 : vector<16xf32>
          %mul3A_545 = arith.mulf %get3A_509, %get3A_515 : vector<16xf32>
          %mul3A_546 = arith.mulf %get3A_512, %get3A_518 : vector<16xf32>
          %add3A_547 = arith.addf %mul3A_545, %mul3A_546 : vector<16xf32>
          %mul3A_548 = arith.mulf %get3A_509, %get3A_518 : vector<16xf32>
          %mul3A_549 = arith.mulf %get3A_512, %get3A_515 : vector<16xf32>
          %sub3A_550 = arith.subf %mul3A_548, %mul3A_549 : vector<16xf32>
          %mul3A_551 = arith.mulf %add3A_547, %add3A_540 : vector<16xf32>
          %add3A_552 = arith.addf %add3A_506, %mul3A_551 : vector<16xf32>
          %mul3A_553 = arith.mulf %sub3A_550, %add3A_544 : vector<16xf32>
          %add3A_554 = arith.addf %add3A_552, %mul3A_553 : vector<16xf32>
          %get3A_555 = arith.index_cast %add3A_268 : i32 to index
          %get3A_556 = arith.constant 96 : index
          %get3A_557 = tpu.vector_load %arg10[%get3A_555, %get3A_556] {strides = array<i32>} : memref<64x128xf32, #tpu.memory_space<vmem>>, vector<16xf32>,
          %get3A_558 = arith.index_cast %add3A_268 : i32 to index
          %get3A_559 = arith.constant 96 : index
          %get3A_560 = tpu.vector_load %arg11[%get3A_558, %get3A_559] {strides = array<i32>} : memref<64x128xf32, #tpu.memory_space<vmem>>, vector<16xf32>,
          %get3A_561 = arith.index_cast %add3A_268 : i32 to index
          %get3A_562 = arith.constant 96 : index
          %get3A_563 = tpu.vector_load %arg12[%get3A_561, %get3A_562] {strides = array<i32>} : memref<64x128xf32, #tpu.memory_space<vmem>>, vector<16xf32>,
          %get3A_564 = arith.index_cast %add3A_268 : i32 to index
          %get3A_565 = arith.constant 96 : index
          %get3A_566 = tpu.vector_load %arg13[%get3A_564, %get3A_565] {strides = array<i32>} : memref<64x128xf32, #tpu.memory_space<vmem>>, vector<16xf32>,
          %get3A_567 = arith.index_cast %add3A_268 : i32 to index
          %get3A_568 = arith.constant 96 : index
          %get3A_569 = tpu.vector_load %arg14[%get3A_567, %get3A_568] {strides = array<i32>} : memref<64x256xi32, #tpu.memory_space<vmem>>, vector<16xi32>,
          %bitcast3A_570 = vector.bitcast %get3A_569 : vector<16xi32> to vector<32xbf16>
          %unpack3A_571 = tpu.unpack_subelements %bitcast3A_570, 0 {pack_format = #tpu.pack_format<interleaved>} : vector<32xbf16> -> vector<16xf32>
          %unpack3A_572 = tpu.unpack_subelements %bitcast3A_570, 1 {pack_format = #tpu.pack_format<interleaved>} : vector<32xbf16> -> vector<16xf32>
          %get3A_573 = arith.index_cast %add3A_268 : i32 to index
          %get3A_574 = arith.constant 224 : index
          %get3A_575 = tpu.vector_load %arg14[%get3A_573, %get3A_574] {strides = array<i32>} : memref<64x256xi32, #tpu.memory_space<vmem>>, vector<16xi32>,
          %bitcast3A_576 = vector.bitcast %get3A_575 : vector<16xi32> to vector<32xbf16>
          %unpack3A_577 = tpu.unpack_subelements %bitcast3A_576, 0 {pack_format = #tpu.pack_format<interleaved>} : vector<32xbf16> -> vector<16xf32>
          %unpack3A_578 = tpu.unpack_subelements %bitcast3A_576, 1 {pack_format = #tpu.pack_format<interleaved>} : vector<32xbf16> -> vector<16xf32>
          %get3A_579 = arith.index_cast %add3A_268 : i32 to index
          %get3A_580 = arith.constant 96 : index
          %get3A_581 = tpu.vector_load %arg15[%get3A_579, %get3A_580] {strides = array<i32>} : memref<64x128xi32, #tpu.memory_space<vmem>>, vector<16xi32>,
          %bitcast3A_582 = vector.bitcast %get3A_581 : vector<16xi32> to vector<32xbf16>
          %unpack3A_583 = tpu.unpack_subelements %bitcast3A_582, 0 {pack_format = #tpu.pack_format<interleaved>} : vector<32xbf16> -> vector<16xf32>
          %unpack3A_584 = tpu.unpack_subelements %bitcast3A_582, 1 {pack_format = #tpu.pack_format<interleaved>} : vector<32xbf16> -> vector<16xf32>
          %mul3A_585 = arith.mulf %unpack3A_571, %unpack3A_583 : vector<16xf32>
          %mul3A_586 = arith.mulf %unpack3A_572, %unpack3A_584 : vector<16xf32>
          %sub3A_587 = arith.subf %mul3A_585, %mul3A_586 : vector<16xf32>
          %add3A_588 = arith.addf %sub3A_587, %unpack3A_577 : vector<16xf32>
          %mul3A_589 = arith.mulf %unpack3A_571, %unpack3A_584 : vector<16xf32>
          %mul3A_590 = arith.mulf %unpack3A_572, %unpack3A_583 : vector<16xf32>
          %add3A_591 = arith.addf %mul3A_589, %mul3A_590 : vector<16xf32>
          %add3A_592 = arith.addf %add3A_591, %unpack3A_578 : vector<16xf32>
          %mul3A_593 = arith.mulf %get3A_557, %get3A_563 : vector<16xf32>
          %mul3A_594 = arith.mulf %get3A_560, %get3A_566 : vector<16xf32>
          %add3A_595 = arith.addf %mul3A_593, %mul3A_594 : vector<16xf32>
          %mul3A_596 = arith.mulf %get3A_557, %get3A_566 : vector<16xf32>
          %mul3A_597 = arith.mulf %get3A_560, %get3A_563 : vector<16xf32>
          %sub3A_598 = arith.subf %mul3A_596, %mul3A_597 : vector<16xf32>
          %mul3A_599 = arith.mulf %add3A_595, %add3A_588 : vector<16xf32>
          %add3A_600 = arith.addf %add3A_554, %mul3A_599 : vector<16xf32>
          %mul3A_601 = arith.mulf %sub3A_598, %add3A_592 : vector<16xf32>
          %add3A_602 = arith.addf %add3A_600, %mul3A_601 : vector<16xf32>
          %get3A_603 = arith.index_cast %add3A_268 : i32 to index
          %get3A_604 = arith.constant 112 : index
          %get3A_605 = tpu.vector_load %arg10[%get3A_603, %get3A_604] {strides = array<i32>} : memref<64x128xf32, #tpu.memory_space<vmem>>, vector<16xf32>,
          %get3A_606 = arith.index_cast %add3A_268 : i32 to index
          %get3A_607 = arith.constant 112 : index
          %get3A_608 = tpu.vector_load %arg11[%get3A_606, %get3A_607] {strides = array<i32>} : memref<64x128xf32, #tpu.memory_space<vmem>>, vector<16xf32>,
          %get3A_609 = arith.index_cast %add3A_268 : i32 to index
          %get3A_610 = arith.constant 112 : index
          %get3A_611 = tpu.vector_load %arg12[%get3A_609, %get3A_610] {strides = array<i32>} : memref<64x128xf32, #tpu.memory_space<vmem>>, vector<16xf32>,
          %get3A_612 = arith.index_cast %add3A_268 : i32 to index
          %get3A_613 = arith.constant 112 : index
          %get3A_614 = tpu.vector_load %arg13[%get3A_612, %get3A_613] {strides = array<i32>} : memref<64x128xf32, #tpu.memory_space<vmem>>, vector<16xf32>,
          %get3A_615 = arith.index_cast %add3A_268 : i32 to index
          %get3A_616 = arith.constant 112 : index
          %get3A_617 = tpu.vector_load %arg14[%get3A_615, %get3A_616] {strides = array<i32>} : memref<64x256xi32, #tpu.memory_space<vmem>>, vector<16xi32>,
          %bitcast3A_618 = vector.bitcast %get3A_617 : vector<16xi32> to vector<32xbf16>
          %unpack3A_619 = tpu.unpack_subelements %bitcast3A_618, 0 {pack_format = #tpu.pack_format<interleaved>} : vector<32xbf16> -> vector<16xf32>
          %unpack3A_620 = tpu.unpack_subelements %bitcast3A_618, 1 {pack_format = #tpu.pack_format<interleaved>} : vector<32xbf16> -> vector<16xf32>
          %get3A_621 = arith.index_cast %add3A_268 : i32 to index
          %get3A_622 = arith.constant 240 : index
          %get3A_623 = tpu.vector_load %arg14[%get3A_621, %get3A_622] {strides = array<i32>} : memref<64x256xi32, #tpu.memory_space<vmem>>, vector<16xi32>,
          %bitcast3A_624 = vector.bitcast %get3A_623 : vector<16xi32> to vector<32xbf16>
          %unpack3A_625 = tpu.unpack_subelements %bitcast3A_624, 0 {pack_format = #tpu.pack_format<interleaved>} : vector<32xbf16> -> vector<16xf32>
          %unpack3A_626 = tpu.unpack_subelements %bitcast3A_624, 1 {pack_format = #tpu.pack_format<interleaved>} : vector<32xbf16> -> vector<16xf32>
          %get3A_627 = arith.index_cast %add3A_268 : i32 to index
          %get3A_628 = arith.constant 112 : index
          %get3A_629 = tpu.vector_load %arg15[%get3A_627, %get3A_628] {strides = array<i32>} : memref<64x128xi32, #tpu.memory_space<vmem>>, vector<16xi32>,
          %bitcast3A_630 = vector.bitcast %get3A_629 : vector<16xi32> to vector<32xbf16>
          %unpack3A_631 = tpu.unpack_subelements %bitcast3A_630, 0 {pack_format = #tpu.pack_format<interleaved>} : vector<32xbf16> -> vector<16xf32>
          %unpack3A_632 = tpu.unpack_subelements %bitcast3A_630, 1 {pack_format = #tpu.pack_format<interleaved>} : vector<32xbf16> -> vector<16xf32>
          %mul3A_633 = arith.mulf %unpack3A_619, %unpack3A_631 : vector<16xf32>
          %mul3A_634 = arith.mulf %unpack3A_620, %unpack3A_632 : vector<16xf32>
          %sub3A_635 = arith.subf %mul3A_633, %mul3A_634 : vector<16xf32>
          %add3A_636 = arith.addf %sub3A_635, %unpack3A_625 : vector<16xf32>
          %mul3A_637 = arith.mulf %unpack3A_619, %unpack3A_632 : vector<16xf32>
          %mul3A_638 = arith.mulf %unpack3A_620, %unpack3A_631 : vector<16xf32>
          %add3A_639 = arith.addf %mul3A_637, %mul3A_638 : vector<16xf32>
          %add3A_640 = arith.addf %add3A_639, %unpack3A_626 : vector<16xf32>
          %mul3A_641 = arith.mulf %get3A_605, %get3A_611 : vector<16xf32>
          %mul3A_642 = arith.mulf %get3A_608, %get3A_614 : vector<16xf32>
          %add3A_643 = arith.addf %mul3A_641, %mul3A_642 : vector<16xf32>
          %mul3A_644 = arith.mulf %get3A_605, %get3A_614 : vector<16xf32>
          %mul3A_645 = arith.mulf %get3A_608, %get3A_611 : vector<16xf32>
          %sub3A_646 = arith.subf %mul3A_644, %mul3A_645 : vector<16xf32>
          %mul3A_647 = arith.mulf %add3A_643, %add3A_636 : vector<16xf32>
          %add3A_648 = arith.addf %add3A_602, %mul3A_647 : vector<16xf32>
          %mul3A_649 = arith.mulf %sub3A_646, %add3A_640 : vector<16xf32>
          %add3A_650 = arith.addf %add3A_648, %mul3A_649 : vector<16xf32>
          %swap3A_651 = arith.index_cast %scan3A_267 : i32 to index
          %swap3A_652 = arith.constant 0 : index
          %swap3A_653 = tpu.vector_load %arg24[%swap3A_651, %swap3A_652] {strides = array<i32>} : memref<16x16xf32, #tpu.memory_space<vmem>>, vector<16xf32>,
          tpu.vector_store %arg24[%swap3A_651, %swap3A_652], %add3A_650 {strides = array<i32>} : memref<16x16xf32, #tpu.memory_space<vmem>>, vector<16xf32>,
          %scan3A_654 = arith.constant 1 : i32
          %scan3A_655 = arith.addi %scan3A_267, %scan3A_654 : i32
          %add3A_656 = arith.addi %multiple_of3A, %scan3A_655 : i32
          %broadcast_in_dim3A_657 = arith.constant 0.000000e+00 : f32
          %broadcast_in_dim3A_658 = vector.broadcast %broadcast_in_dim3A_657 : f32 to vector<16xf32>
          %get3A_659 = arith.index_cast %add3A_656 : i32 to index
          %get3A_660 = arith.constant 0 : index
          %get3A_661 = tpu.vector_load %arg10[%get3A_659, %get3A_660] {strides = array<i32>} : memref<64x128xf32, #tpu.memory_space<vmem>>, vector<16xf32>,
          %get3A_662 = arith.index_cast %add3A_656 : i32 to index
          %get3A_663 = arith.constant 0 : index
          %get3A_664 = tpu.vector_load %arg11[%get3A_662, %get3A_663] {strides = array<i32>} : memref<64x128xf32, #tpu.memory_space<vmem>>, vector<16xf32>,
          %get3A_665 = arith.index_cast %add3A_656 : i32 to index
          %get3A_666 = arith.constant 0 : index
          %get3A_667 = tpu.vector_load %arg12[%get3A_665, %get3A_666] {strides = array<i32>} : memref<64x128xf32, #tpu.memory_space<vmem>>, vector<16xf32>,
          %get3A_668 = arith.index_cast %add3A_656 : i32 to index
          %get3A_669 = arith.constant 0 : index
          %get3A_670 = tpu.vector_load %arg13[%get3A_668, %get3A_669] {strides = array<i32>} : memref<64x128xf32, #tpu.memory_space<vmem>>, vector<16xf32>,
          %get3A_671 = arith.index_cast %add3A_656 : i32 to index
          %get3A_672 = arith.constant 0 : index
          %get3A_673 = tpu.vector_load %arg14[%get3A_671, %get3A_672] {strides = array<i32>} : memref<64x256xi32, #tpu.memory_space<vmem>>, vector<16xi32>,
          %bitcast3A_674 = vector.bitcast %get3A_673 : vector<16xi32> to vector<32xbf16>
          %unpack3A_675 = tpu.unpack_subelements %bitcast3A_674, 0 {pack_format = #tpu.pack_format<interleaved>} : vector<32xbf16> -> vector<16xf32>
          %unpack3A_676 = tpu.unpack_subelements %bitcast3A_674, 1 {pack_format = #tpu.pack_format<interleaved>} : vector<32xbf16> -> vector<16xf32>
          %get3A_677 = arith.index_cast %add3A_656 : i32 to index
          %get3A_678 = arith.constant 128 : index
          %get3A_679 = tpu.vector_load %arg14[%get3A_677, %get3A_678] {strides = array<i32>} : memref<64x256xi32, #tpu.memory_space<vmem>>, vector<16xi32>,
          %bitcast3A_680 = vector.bitcast %get3A_679 : vector<16xi32> to vector<32xbf16>
          %unpack3A_681 = tpu.unpack_subelements %bitcast3A_680, 0 {pack_format = #tpu.pack_format<interleaved>} : vector<32xbf16> -> vector<16xf32>
          %unpack3A_682 = tpu.unpack_subelements %bitcast3A_680, 1 {pack_format = #tpu.pack_format<interleaved>} : vector<32xbf16> -> vector<16xf32>
          %get3A_683 = arith.index_cast %add3A_656 : i32 to index
          %get3A_684 = arith.constant 0 : index
          %get3A_685 = tpu.vector_load %arg15[%get3A_683, %get3A_684] {strides = array<i32>} : memref<64x128xi32, #tpu.memory_space<vmem>>, vector<16xi32>,
          %bitcast3A_686 = vector.bitcast %get3A_685 : vector<16xi32> to vector<32xbf16>
          %unpack3A_687 = tpu.unpack_subelements %bitcast3A_686, 0 {pack_format = #tpu.pack_format<interleaved>} : vector<32xbf16> -> vector<16xf32>
          %unpack3A_688 = tpu.unpack_subelements %bitcast3A_686, 1 {pack_format = #tpu.pack_format<interleaved>} : vector<32xbf16> -> vector<16xf32>
          %mul3A_689 = arith.mulf %unpack3A_675, %unpack3A_687 : vector<16xf32>
          %mul3A_690 = arith.mulf %unpack3A_676, %unpack3A_688 : vector<16xf32>
          %sub3A_691 = arith.subf %mul3A_689, %mul3A_690 : vector<16xf32>
          %add3A_692 = arith.addf %sub3A_691, %unpack3A_681 : vector<16xf32>
          %mul3A_693 = arith.mulf %unpack3A_675, %unpack3A_688 : vector<16xf32>
          %mul3A_694 = arith.mulf %unpack3A_676, %unpack3A_687 : vector<16xf32>
          %add3A_695 = arith.addf %mul3A_693, %mul3A_694 : vector<16xf32>
          %add3A_696 = arith.addf %add3A_695, %unpack3A_682 : vector<16xf32>
          %mul3A_697 = arith.mulf %get3A_661, %get3A_667 : vector<16xf32>
          %mul3A_698 = arith.mulf %get3A_664, %get3A_670 : vector<16xf32>
          %add3A_699 = arith.addf %mul3A_697, %mul3A_698 : vector<16xf32>
          %mul3A_700 = arith.mulf %get3A_661, %get3A_670 : vector<16xf32>
          %mul3A_701 = arith.mulf %get3A_664, %get3A_667 : vector<16xf32>
          %sub3A_702 = arith.subf %mul3A_700, %mul3A_701 : vector<16xf32>
          %mul3A_703 = arith.mulf %add3A_699, %add3A_692 : vector<16xf32>
          %add3A_704 = arith.addf %broadcast_in_dim3A_658, %mul3A_703 : vector<16xf32>
          %mul3A_705 = arith.mulf %sub3A_702, %add3A_696 : vector<16xf32>
          %add3A_706 = arith.addf %add3A_704, %mul3A_705 : vector<16xf32>
          %get3A_707 = arith.index_cast %add3A_656 : i32 to index
          %get3A_708 = arith.constant 16 : index
          %get3A_709 = tpu.vector_load %arg10[%get3A_707, %get3A_708] {strides = array<i32>} : memref<64x128xf32, #tpu.memory_space<vmem>>, vector<16xf32>,
          %get3A_710 = arith.index_cast %add3A_656 : i32 to index
          %get3A_711 = arith.constant 16 : index
          %get3A_712 = tpu.vector_load %arg11[%get3A_710, %get3A_711] {strides = array<i32>} : memref<64x128xf32, #tpu.memory_space<vmem>>, vector<16xf32>,
          %get3A_713 = arith.index_cast %add3A_656 : i32 to index
          %get3A_714 = arith.constant 16 : index
          %get3A_715 = tpu.vector_load %arg12[%get3A_713, %get3A_714] {strides = array<i32>} : memref<64x128xf32, #tpu.memory_space<vmem>>, vector<16xf32>,
          %get3A_716 = arith.index_cast %add3A_656 : i32 to index
          %get3A_717 = arith.constant 16 : index
          %get3A_718 = tpu.vector_load %arg13[%get3A_716, %get3A_717] {strides = array<i32>} : memref<64x128xf32, #tpu.memory_space<vmem>>, vector<16xf32>,
          %get3A_719 = arith.index_cast %add3A_656 : i32 to index
          %get3A_720 = arith.constant 16 : index
          %get3A_721 = tpu.vector_load %arg14[%get3A_719, %get3A_720] {strides = array<i32>} : memref<64x256xi32, #tpu.memory_space<vmem>>, vector<16xi32>,
          %bitcast3A_722 = vector.bitcast %get3A_721 : vector<16xi32> to vector<32xbf16>
          %unpack3A_723 = tpu.unpack_subelements %bitcast3A_722, 0 {pack_format = #tpu.pack_format<interleaved>} : vector<32xbf16> -> vector<16xf32>
          %unpack3A_724 = tpu.unpack_subelements %bitcast3A_722, 1 {pack_format = #tpu.pack_format<interleaved>} : vector<32xbf16> -> vector<16xf32>
          %get3A_725 = arith.index_cast %add3A_656 : i32 to index
          %get3A_726 = arith.constant 144 : index
          %get3A_727 = tpu.vector_load %arg14[%get3A_725, %get3A_726] {strides = array<i32>} : memref<64x256xi32, #tpu.memory_space<vmem>>, vector<16xi32>,
          %bitcast3A_728 = vector.bitcast %get3A_727 : vector<16xi32> to vector<32xbf16>
          %unpack3A_729 = tpu.unpack_subelements %bitcast3A_728, 0 {pack_format = #tpu.pack_format<interleaved>} : vector<32xbf16> -> vector<16xf32>
          %unpack3A_730 = tpu.unpack_subelements %bitcast3A_728, 1 {pack_format = #tpu.pack_format<interleaved>} : vector<32xbf16> -> vector<16xf32>
          %get3A_731 = arith.index_cast %add3A_656 : i32 to index
          %get3A_732 = arith.constant 16 : index
          %get3A_733 = tpu.vector_load %arg15[%get3A_731, %get3A_732] {strides = array<i32>} : memref<64x128xi32, #tpu.memory_space<vmem>>, vector<16xi32>,
          %bitcast3A_734 = vector.bitcast %get3A_733 : vector<16xi32> to vector<32xbf16>
          %unpack3A_735 = tpu.unpack_subelements %bitcast3A_734, 0 {pack_format = #tpu.pack_format<interleaved>} : vector<32xbf16> -> vector<16xf32>
          %unpack3A_736 = tpu.unpack_subelements %bitcast3A_734, 1 {pack_format = #tpu.pack_format<interleaved>} : vector<32xbf16> -> vector<16xf32>
          %mul3A_737 = arith.mulf %unpack3A_723, %unpack3A_735 : vector<16xf32>
          %mul3A_738 = arith.mulf %unpack3A_724, %unpack3A_736 : vector<16xf32>
          %sub3A_739 = arith.subf %mul3A_737, %mul3A_738 : vector<16xf32>
          %add3A_740 = arith.addf %sub3A_739, %unpack3A_729 : vector<16xf32>
          %mul3A_741 = arith.mulf %unpack3A_723, %unpack3A_736 : vector<16xf32>
          %mul3A_742 = arith.mulf %unpack3A_724, %unpack3A_735 : vector<16xf32>
          %add3A_743 = arith.addf %mul3A_741, %mul3A_742 : vector<16xf32>
          %add3A_744 = arith.addf %add3A_743, %unpack3A_730 : vector<16xf32>
          %mul3A_745 = arith.mulf %get3A_709, %get3A_715 : vector<16xf32>
          %mul3A_746 = arith.mulf %get3A_712, %get3A_718 : vector<16xf32>
          %add3A_747 = arith.addf %mul3A_745, %mul3A_746 : vector<16xf32>
          %mul3A_748 = arith.mulf %get3A_709, %get3A_718 : vector<16xf32>
          %mul3A_749 = arith.mulf %get3A_712, %get3A_715 : vector<16xf32>
          %sub3A_750 = arith.subf %mul3A_748, %mul3A_749 : vector<16xf32>
          %mul3A_751 = arith.mulf %add3A_747, %add3A_740 : vector<16xf32>
          %add3A_752 = arith.addf %add3A_706, %mul3A_751 : vector<16xf32>
          %mul3A_753 = arith.mulf %sub3A_750, %add3A_744 : vector<16xf32>
          %add3A_754 = arith.addf %add3A_752, %mul3A_753 : vector<16xf32>
          %get3A_755 = arith.index_cast %add3A_656 : i32 to index
          %get3A_756 = arith.constant 32 : index
          %get3A_757 = tpu.vector_load %arg10[%get3A_755, %get3A_756] {strides = array<i32>} : memref<64x128xf32, #tpu.memory_space<vmem>>, vector<16xf32>,
          %get3A_758 = arith.index_cast %add3A_656 : i32 to index
          %get3A_759 = arith.constant 32 : index
          %get3A_760 = tpu.vector_load %arg11[%get3A_758, %get3A_759] {strides = array<i32>} : memref<64x128xf32, #tpu.memory_space<vmem>>, vector<16xf32>,
          %get3A_761 = arith.index_cast %add3A_656 : i32 to index
          %get3A_762 = arith.constant 32 : index
          %get3A_763 = tpu.vector_load %arg12[%get3A_761, %get3A_762] {strides = array<i32>} : memref<64x128xf32, #tpu.memory_space<vmem>>, vector<16xf32>,
          %get3A_764 = arith.index_cast %add3A_656 : i32 to index
          %get3A_765 = arith.constant 32 : index
          %get3A_766 = tpu.vector_load %arg13[%get3A_764, %get3A_765] {strides = array<i32>} : memref<64x128xf32, #tpu.memory_space<vmem>>, vector<16xf32>,
          %get3A_767 = arith.index_cast %add3A_656 : i32 to index
          %get3A_768 = arith.constant 32 : index
          %get3A_769 = tpu.vector_load %arg14[%get3A_767, %get3A_768] {strides = array<i32>} : memref<64x256xi32, #tpu.memory_space<vmem>>, vector<16xi32>,
          %bitcast3A_770 = vector.bitcast %get3A_769 : vector<16xi32> to vector<32xbf16>
          %unpack3A_771 = tpu.unpack_subelements %bitcast3A_770, 0 {pack_format = #tpu.pack_format<interleaved>} : vector<32xbf16> -> vector<16xf32>
          %unpack3A_772 = tpu.unpack_subelements %bitcast3A_770, 1 {pack_format = #tpu.pack_format<interleaved>} : vector<32xbf16> -> vector<16xf32>
          %get3A_773 = arith.index_cast %add3A_656 : i32 to index
          %get3A_774 = arith.constant 160 : index
          %get3A_775 = tpu.vector_load %arg14[%get3A_773, %get3A_774] {strides = array<i32>} : memref<64x256xi32, #tpu.memory_space<vmem>>, vector<16xi32>,
          %bitcast3A_776 = vector.bitcast %get3A_775 : vector<16xi32> to vector<32xbf16>
          %unpack3A_777 = tpu.unpack_subelements %bitcast3A_776, 0 {pack_format = #tpu.pack_format<interleaved>} : vector<32xbf16> -> vector<16xf32>
          %unpack3A_778 = tpu.unpack_subelements %bitcast3A_776, 1 {pack_format = #tpu.pack_format<interleaved>} : vector<32xbf16> -> vector<16xf32>
          %get3A_779 = arith.index_cast %add3A_656 : i32 to index
          %get3A_780 = arith.constant 32 : index
          %get3A_781 = tpu.vector_load %arg15[%get3A_779, %get3A_780] {strides = array<i32>} : memref<64x128xi32, #tpu.memory_space<vmem>>, vector<16xi32>,
          %bitcast3A_782 = vector.bitcast %get3A_781 : vector<16xi32> to vector<32xbf16>
          %unpack3A_783 = tpu.unpack_subelements %bitcast3A_782, 0 {pack_format = #tpu.pack_format<interleaved>} : vector<32xbf16> -> vector<16xf32>
          %unpack3A_784 = tpu.unpack_subelements %bitcast3A_782, 1 {pack_format = #tpu.pack_format<interleaved>} : vector<32xbf16> -> vector<16xf32>
          %mul3A_785 = arith.mulf %unpack3A_771, %unpack3A_783 : vector<16xf32>
          %mul3A_786 = arith.mulf %unpack3A_772, %unpack3A_784 : vector<16xf32>
          %sub3A_787 = arith.subf %mul3A_785, %mul3A_786 : vector<16xf32>
          %add3A_788 = arith.addf %sub3A_787, %unpack3A_777 : vector<16xf32>
          %mul3A_789 = arith.mulf %unpack3A_771, %unpack3A_784 : vector<16xf32>
          %mul3A_790 = arith.mulf %unpack3A_772, %unpack3A_783 : vector<16xf32>
          %add3A_791 = arith.addf %mul3A_789, %mul3A_790 : vector<16xf32>
          %add3A_792 = arith.addf %add3A_791, %unpack3A_778 : vector<16xf32>
          %mul3A_793 = arith.mulf %get3A_757, %get3A_763 : vector<16xf32>
          %mul3A_794 = arith.mulf %get3A_760, %get3A_766 : vector<16xf32>
          %add3A_795 = arith.addf %mul3A_793, %mul3A_794 : vector<16xf32>
          %mul3A_796 = arith.mulf %get3A_757, %get3A_766 : vector<16xf32>
          %mul3A_797 = arith.mulf %get3A_760, %get3A_763 : vector<16xf32>
          %sub3A_798 = arith.subf %mul3A_796, %mul3A_797 : vector<16xf32>
          %mul3A_799 = arith.mulf %add3A_795, %add3A_788 : vector<16xf32>
          %add3A_800 = arith.addf %add3A_754, %mul3A_799 : vector<16xf32>
          %mul3A_801 = arith.mulf %sub3A_798, %add3A_792 : vector<16xf32>
          %add3A_802 = arith.addf %add3A_800, %mul3A_801 : vector<16xf32>
          %get3A_803 = arith.index_cast %add3A_656 : i32 to index
          %get3A_804 = arith.constant 48 : index
          %get3A_805 = tpu.vector_load %arg10[%get3A_803, %get3A_804] {strides = array<i32>} : memref<64x128xf32, #tpu.memory_space<vmem>>, vector<16xf32>,
          %get3A_806 = arith.index_cast %add3A_656 : i32 to index
          %get3A_807 = arith.constant 48 : index
          %get3A_808 = tpu.vector_load %arg11[%get3A_806, %get3A_807] {strides = array<i32>} : memref<64x128xf32, #tpu.memory_space<vmem>>, vector<16xf32>,
          %get3A_809 = arith.index_cast %add3A_656 : i32 to index
          %get3A_810 = arith.constant 48 : index
          %get3A_811 = tpu.vector_load %arg12[%get3A_809, %get3A_810] {strides = array<i32>} : memref<64x128xf32, #tpu.memory_space<vmem>>, vector<16xf32>,
          %get3A_812 = arith.index_cast %add3A_656 : i32 to index
          %get3A_813 = arith.constant 48 : index
          %get3A_814 = tpu.vector_load %arg13[%get3A_812, %get3A_813] {strides = array<i32>} : memref<64x128xf32, #tpu.memory_space<vmem>>, vector<16xf32>,
          %get3A_815 = arith.index_cast %add3A_656 : i32 to index
          %get3A_816 = arith.constant 48 : index
          %get3A_817 = tpu.vector_load %arg14[%get3A_815, %get3A_816] {strides = array<i32>} : memref<64x256xi32, #tpu.memory_space<vmem>>, vector<16xi32>,
          %bitcast3A_818 = vector.bitcast %get3A_817 : vector<16xi32> to vector<32xbf16>
          %unpack3A_819 = tpu.unpack_subelements %bitcast3A_818, 0 {pack_format = #tpu.pack_format<interleaved>} : vector<32xbf16> -> vector<16xf32>
          %unpack3A_820 = tpu.unpack_subelements %bitcast3A_818, 1 {pack_format = #tpu.pack_format<interleaved>} : vector<32xbf16> -> vector<16xf32>
          %get3A_821 = arith.index_cast %add3A_656 : i32 to index
          %get3A_822 = arith.constant 176 : index
          %get3A_823 = tpu.vector_load %arg14[%get3A_821, %get3A_822] {strides = array<i32>} : memref<64x256xi32, #tpu.memory_space<vmem>>, vector<16xi32>,
          %bitcast3A_824 = vector.bitcast %get3A_823 : vector<16xi32> to vector<32xbf16>
          %unpack3A_825 = tpu.unpack_subelements %bitcast3A_824, 0 {pack_format = #tpu.pack_format<interleaved>} : vector<32xbf16> -> vector<16xf32>
          %unpack3A_826 = tpu.unpack_subelements %bitcast3A_824, 1 {pack_format = #tpu.pack_format<interleaved>} : vector<32xbf16> -> vector<16xf32>
          %get3A_827 = arith.index_cast %add3A_656 : i32 to index
          %get3A_828 = arith.constant 48 : index
          %get3A_829 = tpu.vector_load %arg15[%get3A_827, %get3A_828] {strides = array<i32>} : memref<64x128xi32, #tpu.memory_space<vmem>>, vector<16xi32>,
          %bitcast3A_830 = vector.bitcast %get3A_829 : vector<16xi32> to vector<32xbf16>
          %unpack3A_831 = tpu.unpack_subelements %bitcast3A_830, 0 {pack_format = #tpu.pack_format<interleaved>} : vector<32xbf16> -> vector<16xf32>
          %unpack3A_832 = tpu.unpack_subelements %bitcast3A_830, 1 {pack_format = #tpu.pack_format<interleaved>} : vector<32xbf16> -> vector<16xf32>
          %mul3A_833 = arith.mulf %unpack3A_819, %unpack3A_831 : vector<16xf32>
          %mul3A_834 = arith.mulf %unpack3A_820, %unpack3A_832 : vector<16xf32>
          %sub3A_835 = arith.subf %mul3A_833, %mul3A_834 : vector<16xf32>
          %add3A_836 = arith.addf %sub3A_835, %unpack3A_825 : vector<16xf32>
          %mul3A_837 = arith.mulf %unpack3A_819, %unpack3A_832 : vector<16xf32>
          %mul3A_838 = arith.mulf %unpack3A_820, %unpack3A_831 : vector<16xf32>
          %add3A_839 = arith.addf %mul3A_837, %mul3A_838 : vector<16xf32>
          %add3A_840 = arith.addf %add3A_839, %unpack3A_826 : vector<16xf32>
          %mul3A_841 = arith.mulf %get3A_805, %get3A_811 : vector<16xf32>
          %mul3A_842 = arith.mulf %get3A_808, %get3A_814 : vector<16xf32>
          %add3A_843 = arith.addf %mul3A_841, %mul3A_842 : vector<16xf32>
          %mul3A_844 = arith.mulf %get3A_805, %get3A_814 : vector<16xf32>
          %mul3A_845 = arith.mulf %get3A_808, %get3A_811 : vector<16xf32>
          %sub3A_846 = arith.subf %mul3A_844, %mul3A_845 : vector<16xf32>
          %mul3A_847 = arith.mulf %add3A_843, %add3A_836 : vector<16xf32>
          %add3A_848 = arith.addf %add3A_802, %mul3A_847 : vector<16xf32>
          %mul3A_849 = arith.mulf %sub3A_846, %add3A_840 : vector<16xf32>
          %add3A_850 = arith.addf %add3A_848, %mul3A_849 : vector<16xf32>
          %get3A_851 = arith.index_cast %add3A_656 : i32 to index
          %get3A_852 = arith.constant 64 : index
          %get3A_853 = tpu.vector_load %arg10[%get3A_851, %get3A_852] {strides = array<i32>} : memref<64x128xf32, #tpu.memory_space<vmem>>, vector<16xf32>,
          %get3A_854 = arith.index_cast %add3A_656 : i32 to index
          %get3A_855 = arith.constant 64 : index
          %get3A_856 = tpu.vector_load %arg11[%get3A_854, %get3A_855] {strides = array<i32>} : memref<64x128xf32, #tpu.memory_space<vmem>>, vector<16xf32>,
          %get3A_857 = arith.index_cast %add3A_656 : i32 to index
          %get3A_858 = arith.constant 64 : index
          %get3A_859 = tpu.vector_load %arg12[%get3A_857, %get3A_858] {strides = array<i32>} : memref<64x128xf32, #tpu.memory_space<vmem>>, vector<16xf32>,
          %get3A_860 = arith.index_cast %add3A_656 : i32 to index
          %get3A_861 = arith.constant 64 : index
          %get3A_862 = tpu.vector_load %arg13[%get3A_860, %get3A_861] {strides = array<i32>} : memref<64x128xf32, #tpu.memory_space<vmem>>, vector<16xf32>,
          %get3A_863 = arith.index_cast %add3A_656 : i32 to index
          %get3A_864 = arith.constant 64 : index
          %get3A_865 = tpu.vector_load %arg14[%get3A_863, %get3A_864] {strides = array<i32>} : memref<64x256xi32, #tpu.memory_space<vmem>>, vector<16xi32>,
          %bitcast3A_866 = vector.bitcast %get3A_865 : vector<16xi32> to vector<32xbf16>
          %unpack3A_867 = tpu.unpack_subelements %bitcast3A_866, 0 {pack_format = #tpu.pack_format<interleaved>} : vector<32xbf16> -> vector<16xf32>
          %unpack3A_868 = tpu.unpack_subelements %bitcast3A_866, 1 {pack_format = #tpu.pack_format<interleaved>} : vector<32xbf16> -> vector<16xf32>
          %get3A_869 = arith.index_cast %add3A_656 : i32 to index
          %get3A_870 = arith.constant 192 : index
          %get3A_871 = tpu.vector_load %arg14[%get3A_869, %get3A_870] {strides = array<i32>} : memref<64x256xi32, #tpu.memory_space<vmem>>, vector<16xi32>,
          %bitcast3A_872 = vector.bitcast %get3A_871 : vector<16xi32> to vector<32xbf16>
          %unpack3A_873 = tpu.unpack_subelements %bitcast3A_872, 0 {pack_format = #tpu.pack_format<interleaved>} : vector<32xbf16> -> vector<16xf32>
          %unpack3A_874 = tpu.unpack_subelements %bitcast3A_872, 1 {pack_format = #tpu.pack_format<interleaved>} : vector<32xbf16> -> vector<16xf32>
          %get3A_875 = arith.index_cast %add3A_656 : i32 to index
          %get3A_876 = arith.constant 64 : index
          %get3A_877 = tpu.vector_load %arg15[%get3A_875, %get3A_876] {strides = array<i32>} : memref<64x128xi32, #tpu.memory_space<vmem>>, vector<16xi32>,
          %bitcast3A_878 = vector.bitcast %get3A_877 : vector<16xi32> to vector<32xbf16>
          %unpack3A_879 = tpu.unpack_subelements %bitcast3A_878, 0 {pack_format = #tpu.pack_format<interleaved>} : vector<32xbf16> -> vector<16xf32>
          %unpack3A_880 = tpu.unpack_subelements %bitcast3A_878, 1 {pack_format = #tpu.pack_format<interleaved>} : vector<32xbf16> -> vector<16xf32>
          %mul3A_881 = arith.mulf %unpack3A_867, %unpack3A_879 : vector<16xf32>
          %mul3A_882 = arith.mulf %unpack3A_868, %unpack3A_880 : vector<16xf32>
          %sub3A_883 = arith.subf %mul3A_881, %mul3A_882 : vector<16xf32>
          %add3A_884 = arith.addf %sub3A_883, %unpack3A_873 : vector<16xf32>
          %mul3A_885 = arith.mulf %unpack3A_867, %unpack3A_880 : vector<16xf32>
          %mul3A_886 = arith.mulf %unpack3A_868, %unpack3A_879 : vector<16xf32>
          %add3A_887 = arith.addf %mul3A_885, %mul3A_886 : vector<16xf32>
          %add3A_888 = arith.addf %add3A_887, %unpack3A_874 : vector<16xf32>
          %mul3A_889 = arith.mulf %get3A_853, %get3A_859 : vector<16xf32>
          %mul3A_890 = arith.mulf %get3A_856, %get3A_862 : vector<16xf32>
          %add3A_891 = arith.addf %mul3A_889, %mul3A_890 : vector<16xf32>
          %mul3A_892 = arith.mulf %get3A_853, %get3A_862 : vector<16xf32>
          %mul3A_893 = arith.mulf %get3A_856, %get3A_859 : vector<16xf32>
          %sub3A_894 = arith.subf %mul3A_892, %mul3A_893 : vector<16xf32>
          %mul3A_895 = arith.mulf %add3A_891, %add3A_884 : vector<16xf32>
          %add3A_896 = arith.addf %add3A_850, %mul3A_895 : vector<16xf32>
          %mul3A_897 = arith.mulf %sub3A_894, %add3A_888 : vector<16xf32>
          %add3A_898 = arith.addf %add3A_896, %mul3A_897 : vector<16xf32>
          %get3A_899 = arith.index_cast %add3A_656 : i32 to index
          %get3A_900 = arith.constant 80 : index
          %get3A_901 = tpu.vector_load %arg10[%get3A_899, %get3A_900] {strides = array<i32>} : memref<64x128xf32, #tpu.memory_space<vmem>>, vector<16xf32>,
          %get3A_902 = arith.index_cast %add3A_656 : i32 to index
          %get3A_903 = arith.constant 80 : index
          %get3A_904 = tpu.vector_load %arg11[%get3A_902, %get3A_903] {strides = array<i32>} : memref<64x128xf32, #tpu.memory_space<vmem>>, vector<16xf32>,
          %get3A_905 = arith.index_cast %add3A_656 : i32 to index
          %get3A_906 = arith.constant 80 : index
          %get3A_907 = tpu.vector_load %arg12[%get3A_905, %get3A_906] {strides = array<i32>} : memref<64x128xf32, #tpu.memory_space<vmem>>, vector<16xf32>,
          %get3A_908 = arith.index_cast %add3A_656 : i32 to index
          %get3A_909 = arith.constant 80 : index
          %get3A_910 = tpu.vector_load %arg13[%get3A_908, %get3A_909] {strides = array<i32>} : memref<64x128xf32, #tpu.memory_space<vmem>>, vector<16xf32>,
          %get3A_911 = arith.index_cast %add3A_656 : i32 to index
          %get3A_912 = arith.constant 80 : index
          %get3A_913 = tpu.vector_load %arg14[%get3A_911, %get3A_912] {strides = array<i32>} : memref<64x256xi32, #tpu.memory_space<vmem>>, vector<16xi32>,
          %bitcast3A_914 = vector.bitcast %get3A_913 : vector<16xi32> to vector<32xbf16>
          %unpack3A_915 = tpu.unpack_subelements %bitcast3A_914, 0 {pack_format = #tpu.pack_format<interleaved>} : vector<32xbf16> -> vector<16xf32>
          %unpack3A_916 = tpu.unpack_subelements %bitcast3A_914, 1 {pack_format = #tpu.pack_format<interleaved>} : vector<32xbf16> -> vector<16xf32>
          %get3A_917 = arith.index_cast %add3A_656 : i32 to index
          %get3A_918 = arith.constant 208 : index
          %get3A_919 = tpu.vector_load %arg14[%get3A_917, %get3A_918] {strides = array<i32>} : memref<64x256xi32, #tpu.memory_space<vmem>>, vector<16xi32>,
          %bitcast3A_920 = vector.bitcast %get3A_919 : vector<16xi32> to vector<32xbf16>
          %unpack3A_921 = tpu.unpack_subelements %bitcast3A_920, 0 {pack_format = #tpu.pack_format<interleaved>} : vector<32xbf16> -> vector<16xf32>
          %unpack3A_922 = tpu.unpack_subelements %bitcast3A_920, 1 {pack_format = #tpu.pack_format<interleaved>} : vector<32xbf16> -> vector<16xf32>
          %get3A_923 = arith.index_cast %add3A_656 : i32 to index
          %get3A_924 = arith.constant 80 : index
          %get3A_925 = tpu.vector_load %arg15[%get3A_923, %get3A_924] {strides = array<i32>} : memref<64x128xi32, #tpu.memory_space<vmem>>, vector<16xi32>,
          %bitcast3A_926 = vector.bitcast %get3A_925 : vector<16xi32> to vector<32xbf16>
          %unpack3A_927 = tpu.unpack_subelements %bitcast3A_926, 0 {pack_format = #tpu.pack_format<interleaved>} : vector<32xbf16> -> vector<16xf32>
          %unpack3A_928 = tpu.unpack_subelements %bitcast3A_926, 1 {pack_format = #tpu.pack_format<interleaved>} : vector<32xbf16> -> vector<16xf32>
          %mul3A_929 = arith.mulf %unpack3A_915, %unpack3A_927 : vector<16xf32>
          %mul3A_930 = arith.mulf %unpack3A_916, %unpack3A_928 : vector<16xf32>
          %sub3A_931 = arith.subf %mul3A_929, %mul3A_930 : vector<16xf32>
          %add3A_932 = arith.addf %sub3A_931, %unpack3A_921 : vector<16xf32>
          %mul3A_933 = arith.mulf %unpack3A_915, %unpack3A_928 : vector<16xf32>
          %mul3A_934 = arith.mulf %unpack3A_916, %unpack3A_927 : vector<16xf32>
          %add3A_935 = arith.addf %mul3A_933, %mul3A_934 : vector<16xf32>
          %add3A_936 = arith.addf %add3A_935, %unpack3A_922 : vector<16xf32>
          %mul3A_937 = arith.mulf %get3A_901, %get3A_907 : vector<16xf32>
          %mul3A_938 = arith.mulf %get3A_904, %get3A_910 : vector<16xf32>
          %add3A_939 = arith.addf %mul3A_937, %mul3A_938 : vector<16xf32>
          %mul3A_940 = arith.mulf %get3A_901, %get3A_910 : vector<16xf32>
          %mul3A_941 = arith.mulf %get3A_904, %get3A_907 : vector<16xf32>
          %sub3A_942 = arith.subf %mul3A_940, %mul3A_941 : vector<16xf32>
          %mul3A_943 = arith.mulf %add3A_939, %add3A_932 : vector<16xf32>
          %add3A_944 = arith.addf %add3A_898, %mul3A_943 : vector<16xf32>
          %mul3A_945 = arith.mulf %sub3A_942, %add3A_936 : vector<16xf32>
          %add3A_946 = arith.addf %add3A_944, %mul3A_945 : vector<16xf32>
          %get3A_947 = arith.index_cast %add3A_656 : i32 to index
          %get3A_948 = arith.constant 96 : index
          %get3A_949 = tpu.vector_load %arg10[%get3A_947, %get3A_948] {strides = array<i32>} : memref<64x128xf32, #tpu.memory_space<vmem>>, vector<16xf32>,
          %get3A_950 = arith.index_cast %add3A_656 : i32 to index
          %get3A_951 = arith.constant 96 : index
          %get3A_952 = tpu.vector_load %arg11[%get3A_950, %get3A_951] {strides = array<i32>} : memref<64x128xf32, #tpu.memory_space<vmem>>, vector<16xf32>,
          %get3A_953 = arith.index_cast %add3A_656 : i32 to index
          %get3A_954 = arith.constant 96 : index
          %get3A_955 = tpu.vector_load %arg12[%get3A_953, %get3A_954] {strides = array<i32>} : memref<64x128xf32, #tpu.memory_space<vmem>>, vector<16xf32>,
          %get3A_956 = arith.index_cast %add3A_656 : i32 to index
          %get3A_957 = arith.constant 96 : index
          %get3A_958 = tpu.vector_load %arg13[%get3A_956, %get3A_957] {strides = array<i32>} : memref<64x128xf32, #tpu.memory_space<vmem>>, vector<16xf32>,
          %get3A_959 = arith.index_cast %add3A_656 : i32 to index
          %get3A_960 = arith.constant 96 : index
          %get3A_961 = tpu.vector_load %arg14[%get3A_959, %get3A_960] {strides = array<i32>} : memref<64x256xi32, #tpu.memory_space<vmem>>, vector<16xi32>,
          %bitcast3A_962 = vector.bitcast %get3A_961 : vector<16xi32> to vector<32xbf16>
          %unpack3A_963 = tpu.unpack_subelements %bitcast3A_962, 0 {pack_format = #tpu.pack_format<interleaved>} : vector<32xbf16> -> vector<16xf32>
          %unpack3A_964 = tpu.unpack_subelements %bitcast3A_962, 1 {pack_format = #tpu.pack_format<interleaved>} : vector<32xbf16> -> vector<16xf32>
          %get3A_965 = arith.index_cast %add3A_656 : i32 to index
          %get3A_966 = arith.constant 224 : index
          %get3A_967 = tpu.vector_load %arg14[%get3A_965, %get3A_966] {strides = array<i32>} : memref<64x256xi32, #tpu.memory_space<vmem>>, vector<16xi32>,
          %bitcast3A_968 = vector.bitcast %get3A_967 : vector<16xi32> to vector<32xbf16>
          %unpack3A_969 = tpu.unpack_subelements %bitcast3A_968, 0 {pack_format = #tpu.pack_format<interleaved>} : vector<32xbf16> -> vector<16xf32>
          %unpack3A_970 = tpu.unpack_subelements %bitcast3A_968, 1 {pack_format = #tpu.pack_format<interleaved>} : vector<32xbf16> -> vector<16xf32>
          %get3A_971 = arith.index_cast %add3A_656 : i32 to index
          %get3A_972 = arith.constant 96 : index
          %get3A_973 = tpu.vector_load %arg15[%get3A_971, %get3A_972] {strides = array<i32>} : memref<64x128xi32, #tpu.memory_space<vmem>>, vector<16xi32>,
          %bitcast3A_974 = vector.bitcast %get3A_973 : vector<16xi32> to vector<32xbf16>
          %unpack3A_975 = tpu.unpack_subelements %bitcast3A_974, 0 {pack_format = #tpu.pack_format<interleaved>} : vector<32xbf16> -> vector<16xf32>
          %unpack3A_976 = tpu.unpack_subelements %bitcast3A_974, 1 {pack_format = #tpu.pack_format<interleaved>} : vector<32xbf16> -> vector<16xf32>
          %mul3A_977 = arith.mulf %unpack3A_963, %unpack3A_975 : vector<16xf32>
          %mul3A_978 = arith.mulf %unpack3A_964, %unpack3A_976 : vector<16xf32>
          %sub3A_979 = arith.subf %mul3A_977, %mul3A_978 : vector<16xf32>
          %add3A_980 = arith.addf %sub3A_979, %unpack3A_969 : vector<16xf32>
          %mul3A_981 = arith.mulf %unpack3A_963, %unpack3A_976 : vector<16xf32>
          %mul3A_982 = arith.mulf %unpack3A_964, %unpack3A_975 : vector<16xf32>
          %add3A_983 = arith.addf %mul3A_981, %mul3A_982 : vector<16xf32>
          %add3A_984 = arith.addf %add3A_983, %unpack3A_970 : vector<16xf32>
          %mul3A_985 = arith.mulf %get3A_949, %get3A_955 : vector<16xf32>
          %mul3A_986 = arith.mulf %get3A_952, %get3A_958 : vector<16xf32>
          %add3A_987 = arith.addf %mul3A_985, %mul3A_986 : vector<16xf32>
          %mul3A_988 = arith.mulf %get3A_949, %get3A_958 : vector<16xf32>
          %mul3A_989 = arith.mulf %get3A_952, %get3A_955 : vector<16xf32>
          %sub3A_990 = arith.subf %mul3A_988, %mul3A_989 : vector<16xf32>
          %mul3A_991 = arith.mulf %add3A_987, %add3A_980 : vector<16xf32>
          %add3A_992 = arith.addf %add3A_946, %mul3A_991 : vector<16xf32>
          %mul3A_993 = arith.mulf %sub3A_990, %add3A_984 : vector<16xf32>
          %add3A_994 = arith.addf %add3A_992, %mul3A_993 : vector<16xf32>
          %get3A_995 = arith.index_cast %add3A_656 : i32 to index
          %get3A_996 = arith.constant 112 : index
          %get3A_997 = tpu.vector_load %arg10[%get3A_995, %get3A_996] {strides = array<i32>} : memref<64x128xf32, #tpu.memory_space<vmem>>, vector<16xf32>,
          %get3A_998 = arith.index_cast %add3A_656 : i32 to index
          %get3A_999 = arith.constant 112 : index
          %get3A_1000 = tpu.vector_load %arg11[%get3A_998, %get3A_999] {strides = array<i32>} : memref<64x128xf32, #tpu.memory_space<vmem>>, vector<16xf32>,
          %get3A_1001 = arith.index_cast %add3A_656 : i32 to index
          %get3A_1002 = arith.constant 112 : index
          %get3A_1003 = tpu.vector_load %arg12[%get3A_1001, %get3A_1002] {strides = array<i32>} : memref<64x128xf32, #tpu.memory_space<vmem>>, vector<16xf32>,
          %get3A_1004 = arith.index_cast %add3A_656 : i32 to index
          %get3A_1005 = arith.constant 112 : index
          %get3A_1006 = tpu.vector_load %arg13[%get3A_1004, %get3A_1005] {strides = array<i32>} : memref<64x128xf32, #tpu.memory_space<vmem>>, vector<16xf32>,
          %get3A_1007 = arith.index_cast %add3A_656 : i32 to index
          %get3A_1008 = arith.constant 112 : index
          %get3A_1009 = tpu.vector_load %arg14[%get3A_1007, %get3A_1008] {strides = array<i32>} : memref<64x256xi32, #tpu.memory_space<vmem>>, vector<16xi32>,
          %bitcast3A_1010 = vector.bitcast %get3A_1009 : vector<16xi32> to vector<32xbf16>
          %unpack3A_1011 = tpu.unpack_subelements %bitcast3A_1010, 0 {pack_format = #tpu.pack_format<interleaved>} : vector<32xbf16> -> vector<16xf32>
          %unpack3A_1012 = tpu.unpack_subelements %bitcast3A_1010, 1 {pack_format = #tpu.pack_format<interleaved>} : vector<32xbf16> -> vector<16xf32>
          %get3A_1013 = arith.index_cast %add3A_656 : i32 to index
          %get3A_1014 = arith.constant 240 : index
          %get3A_1015 = tpu.vector_load %arg14[%get3A_1013, %get3A_1014] {strides = array<i32>} : memref<64x256xi32, #tpu.memory_space<vmem>>, vector<16xi32>,
          %bitcast3A_1016 = vector.bitcast %get3A_1015 : vector<16xi32> to vector<32xbf16>
          %unpack3A_1017 = tpu.unpack_subelements %bitcast3A_1016, 0 {pack_format = #tpu.pack_format<interleaved>} : vector<32xbf16> -> vector<16xf32>
          %unpack3A_1018 = tpu.unpack_subelements %bitcast3A_1016, 1 {pack_format = #tpu.pack_format<interleaved>} : vector<32xbf16> -> vector<16xf32>
          %get3A_1019 = arith.index_cast %add3A_656 : i32 to index
          %get3A_1020 = arith.constant 112 : index
          %get3A_1021 = tpu.vector_load %arg15[%get3A_1019, %get3A_1020] {strides = array<i32>} : memref<64x128xi32, #tpu.memory_space<vmem>>, vector<16xi32>,
          %bitcast3A_1022 = vector.bitcast %get3A_1021 : vector<16xi32> to vector<32xbf16>
          %unpack3A_1023 = tpu.unpack_subelements %bitcast3A_1022, 0 {pack_format = #tpu.pack_format<interleaved>} : vector<32xbf16> -> vector<16xf32>
          %unpack3A_1024 = tpu.unpack_subelements %bitcast3A_1022, 1 {pack_format = #tpu.pack_format<interleaved>} : vector<32xbf16> -> vector<16xf32>
          %mul3A_1025 = arith.mulf %unpack3A_1011, %unpack3A_1023 : vector<16xf32>
          %mul3A_1026 = arith.mulf %unpack3A_1012, %unpack3A_1024 : vector<16xf32>
          %sub3A_1027 = arith.subf %mul3A_1025, %mul3A_1026 : vector<16xf32>
          %add3A_1028 = arith.addf %sub3A_1027, %unpack3A_1017 : vector<16xf32>
          %mul3A_1029 = arith.mulf %unpack3A_1011, %unpack3A_1024 : vector<16xf32>
          %mul3A_1030 = arith.mulf %unpack3A_1012, %unpack3A_1023 : vector<16xf32>
          %add3A_1031 = arith.addf %mul3A_1029, %mul3A_1030 : vector<16xf32>
          %add3A_1032 = arith.addf %add3A_1031, %unpack3A_1018 : vector<16xf32>
          %mul3A_1033 = arith.mulf %get3A_997, %get3A_1003 : vector<16xf32>
          %mul3A_1034 = arith.mulf %get3A_1000, %get3A_1006 : vector<16xf32>
          %add3A_1035 = arith.addf %mul3A_1033, %mul3A_1034 : vector<16xf32>
          %mul3A_1036 = arith.mulf %get3A_997, %get3A_1006 : vector<16xf32>
          %mul3A_1037 = arith.mulf %get3A_1000, %get3A_1003 : vector<16xf32>
          %sub3A_1038 = arith.subf %mul3A_1036, %mul3A_1037 : vector<16xf32>
          %mul3A_1039 = arith.mulf %add3A_1035, %add3A_1028 : vector<16xf32>
          %add3A_1040 = arith.addf %add3A_994, %mul3A_1039 : vector<16xf32>
          %mul3A_1041 = arith.mulf %sub3A_1038, %add3A_1032 : vector<16xf32>
          %add3A_1042 = arith.addf %add3A_1040, %mul3A_1041 : vector<16xf32>
          %swap3A_1043 = arith.index_cast %scan3A_655 : i32 to index
          %swap3A_1044 = arith.constant 0 : index
          %swap3A_1045 = tpu.vector_load %arg24[%swap3A_1043, %swap3A_1044] {strides = array<i32>} : memref<16x16xf32, #tpu.memory_space<vmem>>, vector<16xf32>,
          tpu.vector_store %arg24[%swap3A_1043, %swap3A_1044], %add3A_1042 {strides = array<i32>} : memref<16x16xf32, #tpu.memory_space<vmem>>, vector<16xf32>,
        }
        %scan3A_204 = arith.constant 16 : i32
        %broadcast_in_dim3A = arith.constant 0 : i32
        %broadcast_in_dim3A_205 = vector.broadcast %broadcast_in_dim3A : i32 to vector<16xi32>
        %gather3A = tpu.vector_load_idx %arg24[%iota3A, %broadcast_in_dim3A_205] : memref<16x16xf32, #tpu.memory_space<vmem>>[vector<16xi32>, vector<16xi32>], vector<16xf32>,
        %broadcast_in_dim3A_206 = arith.constant 1 : i32
        %broadcast_in_dim3A_207 = vector.broadcast %broadcast_in_dim3A_206 : i32 to vector<16xi32>
        %gather3A_208 = tpu.vector_load_idx %arg24[%iota3A, %broadcast_in_dim3A_207] : memref<16x16xf32, #tpu.memory_space<vmem>>[vector<16xi32>, vector<16xi32>], vector<16xf32>,
        %add3A_209 = arith.addf %gather3A, %gather3A_208 : vector<16xf32>
        %broadcast_in_dim3A_210 = arith.constant 2 : i32
        %broadcast_in_dim3A_211 = vector.broadcast %broadcast_in_dim3A_210 : i32 to vector<16xi32>
        %gather3A_212 = tpu.vector_load_idx %arg24[%iota3A, %broadcast_in_dim3A_211] : memref<16x16xf32, #tpu.memory_space<vmem>>[vector<16xi32>, vector<16xi32>], vector<16xf32>,
        %add3A_213 = arith.addf %add3A_209, %gather3A_212 : vector<16xf32>
        %broadcast_in_dim3A_214 = arith.constant 3 : i32
        %broadcast_in_dim3A_215 = vector.broadcast %broadcast_in_dim3A_214 : i32 to vector<16xi32>
        %gather3A_216 = tpu.vector_load_idx %arg24[%iota3A, %broadcast_in_dim3A_215] : memref<16x16xf32, #tpu.memory_space<vmem>>[vector<16xi32>, vector<16xi32>], vector<16xf32>,
        %add3A_217 = arith.addf %add3A_213, %gather3A_216 : vector<16xf32>
        %broadcast_in_dim3A_218 = arith.constant 4 : i32
        %broadcast_in_dim3A_219 = vector.broadcast %broadcast_in_dim3A_218 : i32 to vector<16xi32>
        %gather3A_220 = tpu.vector_load_idx %arg24[%iota3A, %broadcast_in_dim3A_219] : memref<16x16xf32, #tpu.memory_space<vmem>>[vector<16xi32>, vector<16xi32>], vector<16xf32>,
        %add3A_221 = arith.addf %add3A_217, %gather3A_220 : vector<16xf32>
        %broadcast_in_dim3A_222 = arith.constant 5 : i32
        %broadcast_in_dim3A_223 = vector.broadcast %broadcast_in_dim3A_222 : i32 to vector<16xi32>
        %gather3A_224 = tpu.vector_load_idx %arg24[%iota3A, %broadcast_in_dim3A_223] : memref<16x16xf32, #tpu.memory_space<vmem>>[vector<16xi32>, vector<16xi32>], vector<16xf32>,
        %add3A_225 = arith.addf %add3A_221, %gather3A_224 : vector<16xf32>
        %broadcast_in_dim3A_226 = arith.constant 6 : i32
        %broadcast_in_dim3A_227 = vector.broadcast %broadcast_in_dim3A_226 : i32 to vector<16xi32>
        %gather3A_228 = tpu.vector_load_idx %arg24[%iota3A, %broadcast_in_dim3A_227] : memref<16x16xf32, #tpu.memory_space<vmem>>[vector<16xi32>, vector<16xi32>], vector<16xf32>,
        %add3A_229 = arith.addf %add3A_225, %gather3A_228 : vector<16xf32>
        %broadcast_in_dim3A_230 = arith.constant 7 : i32
        %broadcast_in_dim3A_231 = vector.broadcast %broadcast_in_dim3A_230 : i32 to vector<16xi32>
        %gather3A_232 = tpu.vector_load_idx %arg24[%iota3A, %broadcast_in_dim3A_231] : memref<16x16xf32, #tpu.memory_space<vmem>>[vector<16xi32>, vector<16xi32>], vector<16xf32>,
        %add3A_233 = arith.addf %add3A_229, %gather3A_232 : vector<16xf32>
        %broadcast_in_dim3A_234 = arith.constant 8 : i32
        %broadcast_in_dim3A_235 = vector.broadcast %broadcast_in_dim3A_234 : i32 to vector<16xi32>
        %gather3A_236 = tpu.vector_load_idx %arg24[%iota3A, %broadcast_in_dim3A_235] : memref<16x16xf32, #tpu.memory_space<vmem>>[vector<16xi32>, vector<16xi32>], vector<16xf32>,
        %add3A_237 = arith.addf %add3A_233, %gather3A_236 : vector<16xf32>
        %broadcast_in_dim3A_238 = arith.constant 9 : i32
        %broadcast_in_dim3A_239 = vector.broadcast %broadcast_in_dim3A_238 : i32 to vector<16xi32>
        %gather3A_240 = tpu.vector_load_idx %arg24[%iota3A, %broadcast_in_dim3A_239] : memref<16x16xf32, #tpu.memory_space<vmem>>[vector<16xi32>, vector<16xi32>], vector<16xf32>,
        %add3A_241 = arith.addf %add3A_237, %gather3A_240 : vector<16xf32>
        %broadcast_in_dim3A_242 = arith.constant 10 : i32
        %broadcast_in_dim3A_243 = vector.broadcast %broadcast_in_dim3A_242 : i32 to vector<16xi32>
        %gather3A_244 = tpu.vector_load_idx %arg24[%iota3A, %broadcast_in_dim3A_243] : memref<16x16xf32, #tpu.memory_space<vmem>>[vector<16xi32>, vector<16xi32>], vector<16xf32>,
        %add3A_245 = arith.addf %add3A_241, %gather3A_244 : vector<16xf32>
        %broadcast_in_dim3A_246 = arith.constant 11 : i32
        %broadcast_in_dim3A_247 = vector.broadcast %broadcast_in_dim3A_246 : i32 to vector<16xi32>
        %gather3A_248 = tpu.vector_load_idx %arg24[%iota3A, %broadcast_in_dim3A_247] : memref<16x16xf32, #tpu.memory_space<vmem>>[vector<16xi32>, vector<16xi32>], vector<16xf32>,
        %add3A_249 = arith.addf %add3A_245, %gather3A_248 : vector<16xf32>
        %broadcast_in_dim3A_250 = arith.constant 12 : i32
        %broadcast_in_dim3A_251 = vector.broadcast %broadcast_in_dim3A_250 : i32 to vector<16xi32>
        %gather3A_252 = tpu.vector_load_idx %arg24[%iota3A, %broadcast_in_dim3A_251] : memref<16x16xf32, #tpu.memory_space<vmem>>[vector<16xi32>, vector<16xi32>], vector<16xf32>,
        %add3A_253 = arith.addf %add3A_249, %gather3A_252 : vector<16xf32>
        %broadcast_in_dim3A_254 = arith.constant 13 : i32
        %broadcast_in_dim3A_255 = vector.broadcast %broadcast_in_dim3A_254 : i32 to vector<16xi32>
        %gather3A_256 = tpu.vector_load_idx %arg24[%iota3A, %broadcast_in_dim3A_255] : memref<16x16xf32, #tpu.memory_space<vmem>>[vector<16xi32>, vector<16xi32>], vector<16xf32>,
        %add3A_257 = arith.addf %add3A_253, %gather3A_256 : vector<16xf32>
        %broadcast_in_dim3A_258 = arith.constant 14 : i32
        %broadcast_in_dim3A_259 = vector.broadcast %broadcast_in_dim3A_258 : i32 to vector<16xi32>
        %gather3A_260 = tpu.vector_load_idx %arg24[%iota3A, %broadcast_in_dim3A_259] : memref<16x16xf32, #tpu.memory_space<vmem>>[vector<16xi32>, vector<16xi32>], vector<16xf32>,
        %add3A_261 = arith.addf %add3A_257, %gather3A_260 : vector<16xf32>
        %broadcast_in_dim3A_262 = arith.constant 15 : i32
        %broadcast_in_dim3A_263 = vector.broadcast %broadcast_in_dim3A_262 : i32 to vector<16xi32>
        %gather3A_264 = tpu.vector_load_idx %arg24[%iota3A, %broadcast_in_dim3A_263] : memref<16x16xf32, #tpu.memory_space<vmem>>[vector<16xi32>, vector<16xi32>], vector<16xf32>,
        %add3A_265 = arith.addf %add3A_261, %gather3A_264 : vector<16xf32>
        %swap3A = arith.index_cast %multiple_of3A : i32 to index
        %swap3A_266 = tpu.vector_load %arg22[%swap3A] {strides = array<i32>} : memref<64xf32, #tpu.memory_space<vmem>>, vector<16xf32>,
        tpu.vector_store %arg22[%swap3A], %add3A_265 {strides = array<i32>} : memref<64xf32, #tpu.memory_space<vmem>>, vector<16xf32>,
      }
      %scan3A_119 = arith.constant 4 : i32
      %dma_start3A_120 = tpu.memref_slice %arg7[%add3A_59] : memref<204800xf32, #tpu.memory_space<hbm>> -> memref<64xf32, #tpu.memory_space<hbm>>
      %dma_start3A_121 = tpu.memref_slice %arg7[%add3A_59] : memref<204800xf32, #tpu.memory_space<hbm>> -> memref<64xf32, #tpu.memory_space<hbm>>
      tpu.enqueue_dma source(%arg22 : memref<64xf32, #tpu.memory_space<vmem>>) target(%dma_start3A_121 : memref<64xf32, #tpu.memory_space<hbm>>) target_semaphore(%arg29 : memref<!tpu.dma_semaphore, #tpu.memory_space<semaphore_mem>>)
      %mul3A_122 = arith.constant 2 : i32
      %mul3A_123 = arith.muli %mul3A_122, %scan3A_54 : i32
      %add3A_124 = arith.constant 1 : i32
      %add3A_125 = arith.addi %mul3A_123, %add3A_124 : i32
      %mul3A_126 = arith.constant 64 : i32
      %mul3A_127 = arith.muli %add3A_125, %mul3A_126 : i32
      %add3A_128 = arith.addi %mul3A_2, %mul3A_127 : i32
      %dma_wait3A_129 = arith.constant 0 : i32
      %dma_wait3A_130 = arith.constant 0 : i32
      %dma_wait3A_131 = tpu.memref_slice %arg3[%dma_wait3A_129, %dma_wait3A_130] : memref<100000x128xf32, #tpu.memory_space<hbm>> -> memref<64x128xf32, #tpu.memory_space<hbm>>
      %dma_wait3A_132 = arith.constant 0 : i32
      %dma_wait3A_133 = arith.constant 0 : i32
      %dma_wait3A_134 = tpu.memref_slice %arg3[%dma_wait3A_132, %dma_wait3A_133] : memref<100000x128xf32, #tpu.memory_space<hbm>> -> memref<64x128xf32, #tpu.memory_space<hbm>>
      tpu.wait_dma2 semaphore(%arg26 : memref<!tpu.dma_semaphore, #tpu.memory_space<semaphore_mem>>) src(%dma_wait3A_134 : memref<64x128xf32, #tpu.memory_space<hbm>>) dst(%arg16 : memref<64x128xf32, #tpu.memory_space<vmem>>)
      %dma_wait3A_135 = arith.constant 0 : i32
      %dma_wait3A_136 = arith.constant 0 : i32
      %dma_wait3A_137 = tpu.memref_slice %arg4[%dma_wait3A_135, %dma_wait3A_136] : memref<100000x128xf32, #tpu.memory_space<hbm>> -> memref<64x128xf32, #tpu.memory_space<hbm>>
      %dma_wait3A_138 = arith.constant 0 : i32
      %dma_wait3A_139 = arith.constant 0 : i32
      %dma_wait3A_140 = tpu.memref_slice %arg4[%dma_wait3A_138, %dma_wait3A_139] : memref<100000x128xf32, #tpu.memory_space<hbm>> -> memref<64x128xf32, #tpu.memory_space<hbm>>
      tpu.wait_dma2 semaphore(%arg26 : memref<!tpu.dma_semaphore, #tpu.memory_space<semaphore_mem>>) src(%dma_wait3A_140 : memref<64x128xf32, #tpu.memory_space<hbm>>) dst(%arg17 : memref<64x128xf32, #tpu.memory_space<vmem>>)
      %dma_wait3A_141 = arith.constant 0 : i32
      %dma_wait3A_142 = arith.constant 0 : i32
      %dma_wait3A_143 = tpu.memref_slice %arg3[%dma_wait3A_141, %dma_wait3A_142] : memref<100000x128xf32, #tpu.memory_space<hbm>> -> memref<64x128xf32, #tpu.memory_space<hbm>>
      %dma_wait3A_144 = arith.constant 0 : i32
      %dma_wait3A_145 = arith.constant 0 : i32
      %dma_wait3A_146 = tpu.memref_slice %arg3[%dma_wait3A_144, %dma_wait3A_145] : memref<100000x128xf32, #tpu.memory_space<hbm>> -> memref<64x128xf32, #tpu.memory_space<hbm>>
      tpu.wait_dma2 semaphore(%arg26 : memref<!tpu.dma_semaphore, #tpu.memory_space<semaphore_mem>>) src(%dma_wait3A_146 : memref<64x128xf32, #tpu.memory_space<hbm>>) dst(%arg18 : memref<64x128xf32, #tpu.memory_space<vmem>>)
      %dma_wait3A_147 = arith.constant 0 : i32
      %dma_wait3A_148 = arith.constant 0 : i32
      %dma_wait3A_149 = tpu.memref_slice %arg4[%dma_wait3A_147, %dma_wait3A_148] : memref<100000x128xf32, #tpu.memory_space<hbm>> -> memref<64x128xf32, #tpu.memory_space<hbm>>
      %dma_wait3A_150 = arith.constant 0 : i32
      %dma_wait3A_151 = arith.constant 0 : i32
      %dma_wait3A_152 = tpu.memref_slice %arg4[%dma_wait3A_150, %dma_wait3A_151] : memref<100000x128xf32, #tpu.memory_space<hbm>> -> memref<64x128xf32, #tpu.memory_space<hbm>>
      tpu.wait_dma2 semaphore(%arg26 : memref<!tpu.dma_semaphore, #tpu.memory_space<semaphore_mem>>) src(%dma_wait3A_152 : memref<64x128xf32, #tpu.memory_space<hbm>>) dst(%arg19 : memref<64x128xf32, #tpu.memory_space<vmem>>)
      %dma_wait3A_153 = arith.constant 0 : i32
      %dma_wait3A_154 = arith.constant 0 : i32
      %dma_wait3A_155 = tpu.memref_slice %arg5[%dma_wait3A_153, %dma_wait3A_154] : memref<1000x256xi32, #tpu.memory_space<hbm>> -> memref<64x256xi32, #tpu.memory_space<hbm>>
      %dma_wait3A_156 = arith.constant 0 : i32
      %dma_wait3A_157 = arith.constant 0 : i32
      %dma_wait3A_158 = tpu.memref_slice %arg5[%dma_wait3A_156, %dma_wait3A_157] : memref<1000x256xi32, #tpu.memory_space<hbm>> -> memref<64x256xi32, #tpu.memory_space<hbm>>
      tpu.wait_dma2 semaphore(%arg26 : memref<!tpu.dma_semaphore, #tpu.memory_space<semaphore_mem>>) src(%dma_wait3A_158 : memref<64x256xi32, #tpu.memory_space<hbm>>) dst(%arg20 : memref<64x256xi32, #tpu.memory_space<vmem>>)
      %dma_wait3A_159 = arith.constant 0 : i32
      %dma_wait3A_160 = arith.constant 0 : i32
      %dma_wait3A_161 = tpu.memref_slice %arg6[%dma_wait3A_159, %dma_wait3A_160] : memref<367x128xi32, #tpu.memory_space<hbm>> -> memref<64x128xi32, #tpu.memory_space<hbm>>
      %dma_wait3A_162 = arith.constant 0 : i32
      %dma_wait3A_163 = arith.constant 0 : i32
      %dma_wait3A_164 = tpu.memref_slice %arg6[%dma_wait3A_162, %dma_wait3A_163] : memref<367x128xi32, #tpu.memory_space<hbm>> -> memref<64x128xi32, #tpu.memory_space<hbm>>
      tpu.wait_dma2 semaphore(%arg26 : memref<!tpu.dma_semaphore, #tpu.memory_space<semaphore_mem>>) src(%dma_wait3A_164 : memref<64x128xi32, #tpu.memory_space<hbm>>) dst(%arg21 : memref<64x128xi32, #tpu.memory_space<vmem>>)
      %mul3A_165 = arith.constant 100 : i32
      %mul3A_166 = arith.muli %add3A, %mul3A_165 : i32
      %add3A_167 = arith.addi %mul3A_166, %add3A_125 : i32
      %add3A_168 = arith.constant 2 : i32
      %add3A_169 = arith.addi %add3A_125, %add3A_168 : i32
      %lt3A_170 = arith.constant 100 : i32
      %lt3A_171 = arith.cmpi slt, %add3A_169, %lt3A_170 : i32
      %convert_element_type3A_172 = arith.extui %lt3A_171 : i1 to i32
      %cond3A_173 = arith.constant 0 : i32
      %cond3A_174 = arith.cmpi ne, %convert_element_type3A_172, %cond3A_173 : i32
      scf.if %cond3A_174 {
        %add3A_196 = arith.constant 2 : i32
        %add3A_197 = arith.addi %add3A_167, %add3A_196 : i32
        %mul3A_198 = arith.constant 4 : i32
        %mul3A_199 = arith.muli %add3A_197, %mul3A_198 : i32
        %mul3A_200 = arith.constant 64 : i32
        %mul3A_201 = arith.muli %mul3A_199, %mul3A_200 : i32
        %dma_start3A_202 = tpu.memref_slice %arg2[%mul3A_201] : memref<819200xi32, #tpu.memory_space<hbm>> -> memref<256xi32, #tpu.memory_space<hbm>>
        %dma_start3A_203 = tpu.memref_slice %arg2[%mul3A_201] : memref<819200xi32, #tpu.memory_space<hbm>> -> memref<256xi32, #tpu.memory_space<hbm>>
        tpu.enqueue_dma source(%dma_start3A_203 : memref<256xi32, #tpu.memory_space<hbm>>) target(%arg9 : memref<256xi32, #tpu.memory_space<vmem>>) target_semaphore(%arg28 : memref<!tpu.dma_semaphore, #tpu.memory_space<semaphore_mem>>)
      } else {
      }
      %add3A_175 = arith.constant 1 : i32
      %add3A_176 = arith.addi %add3A_125, %add3A_175 : i32
      %lt3A_177 = arith.constant 100 : i32
      %lt3A_178 = arith.cmpi slt, %add3A_176, %lt3A_177 : i32
      %convert_element_type3A_179 = arith.extui %lt3A_178 : i1 to i32
      %cond3A_180 = arith.constant 0 : i32
      %cond3A_181 = arith.cmpi ne, %convert_element_type3A_179, %cond3A_180 : i32
      scf.if %cond3A_181 {
        %dma_wait3A_196 = arith.constant 0 : i32
        %dma_wait3A_197 = tpu.memref_slice %arg2[%dma_wait3A_196] : memref<819200xi32, #tpu.memory_space<hbm>> -> memref<256xi32, #tpu.memory_space<hbm>>
        %dma_wait3A_198 = arith.constant 0 : i32
        %dma_wait3A_199 = tpu.memref_slice %arg2[%dma_wait3A_198] : memref<819200xi32, #tpu.memory_space<hbm>> -> memref<256xi32, #tpu.memory_space<hbm>>
        tpu.wait_dma2 semaphore(%arg27 : memref<!tpu.dma_semaphore, #tpu.memory_space<semaphore_mem>>) src(%dma_wait3A_199 : memref<256xi32, #tpu.memory_space<hbm>>) dst(%arg8 : memref<256xi32, #tpu.memory_space<vmem>>)
        %dma_start3A_200 = arith.constant 0 : i32
        %dma_start3A_201 = tpu.memref_slice %arg8[%dma_start3A_200] : memref<256xi32, #tpu.memory_space<vmem>> -> memref<64xi32, #tpu.memory_space<vmem>>
        %dma_start3A_202 = arith.constant 0 : i32
        %dma_start3A_203 = arith.constant 0 : i32
        %dma_start3A_204 = tpu.memref_slice %arg3[%dma_start3A_202, %dma_start3A_203] : memref<100000x128xf32, #tpu.memory_space<hbm>> -> memref<100000x128xf32, #tpu.memory_space<hbm>>
        tpu.enqueue_indirect_dma source(%dma_start3A_204 : memref<100000x128xf32, #tpu.memory_space<hbm>>) target(%arg10 : memref<64x128xf32, #tpu.memory_space<vmem>>) offsets(%dma_start3A_201 : memref<64xi32, #tpu.memory_space<vmem>>) semaphore(%arg25 : memref<!tpu.dma_semaphore, #tpu.memory_space<semaphore_mem>>)
        %dma_start3A_205 = arith.constant 0 : i32
        %dma_start3A_206 = tpu.memref_slice %arg8[%dma_start3A_205] : memref<256xi32, #tpu.memory_space<vmem>> -> memref<64xi32, #tpu.memory_space<vmem>>
        %dma_start3A_207 = arith.constant 0 : i32
        %dma_start3A_208 = arith.constant 0 : i32
        %dma_start3A_209 = tpu.memref_slice %arg4[%dma_start3A_207, %dma_start3A_208] : memref<100000x128xf32, #tpu.memory_space<hbm>> -> memref<100000x128xf32, #tpu.memory_space<hbm>>
        tpu.enqueue_indirect_dma source(%dma_start3A_209 : memref<100000x128xf32, #tpu.memory_space<hbm>>) target(%arg11 : memref<64x128xf32, #tpu.memory_space<vmem>>) offsets(%dma_start3A_206 : memref<64xi32, #tpu.memory_space<vmem>>) semaphore(%arg25 : memref<!tpu.dma_semaphore, #tpu.memory_space<semaphore_mem>>)
        %dma_start3A_210 = arith.constant 128 : i32
        %dma_start3A_211 = tpu.memref_slice %arg8[%dma_start3A_210] : memref<256xi32, #tpu.memory_space<vmem>> -> memref<64xi32, #tpu.memory_space<vmem>>
        %dma_start3A_212 = arith.constant 0 : i32
        %dma_start3A_213 = arith.constant 0 : i32
        %dma_start3A_214 = tpu.memref_slice %arg3[%dma_start3A_212, %dma_start3A_213] : memref<100000x128xf32, #tpu.memory_space<hbm>> -> memref<100000x128xf32, #tpu.memory_space<hbm>>
        tpu.enqueue_indirect_dma source(%dma_start3A_214 : memref<100000x128xf32, #tpu.memory_space<hbm>>) target(%arg12 : memref<64x128xf32, #tpu.memory_space<vmem>>) offsets(%dma_start3A_211 : memref<64xi32, #tpu.memory_space<vmem>>) semaphore(%arg25 : memref<!tpu.dma_semaphore, #tpu.memory_space<semaphore_mem>>)
        %dma_start3A_215 = arith.constant 128 : i32
        %dma_start3A_216 = tpu.memref_slice %arg8[%dma_start3A_215] : memref<256xi32, #tpu.memory_space<vmem>> -> memref<64xi32, #tpu.memory_space<vmem>>
        %dma_start3A_217 = arith.constant 0 : i32
        %dma_start3A_218 = arith.constant 0 : i32
        %dma_start3A_219 = tpu.memref_slice %arg4[%dma_start3A_217, %dma_start3A_218] : memref<100000x128xf32, #tpu.memory_space<hbm>> -> memref<100000x128xf32, #tpu.memory_space<hbm>>
        tpu.enqueue_indirect_dma source(%dma_start3A_219 : memref<100000x128xf32, #tpu.memory_space<hbm>>) target(%arg13 : memref<64x128xf32, #tpu.memory_space<vmem>>) offsets(%dma_start3A_216 : memref<64xi32, #tpu.memory_space<vmem>>) semaphore(%arg25 : memref<!tpu.dma_semaphore, #tpu.memory_space<semaphore_mem>>)
        %dma_start3A_220 = arith.constant 64 : i32
        %dma_start3A_221 = tpu.memref_slice %arg8[%dma_start3A_220] : memref<256xi32, #tpu.memory_space<vmem>> -> memref<64xi32, #tpu.memory_space<vmem>>
        %dma_start3A_222 = arith.constant 0 : i32
        %dma_start3A_223 = arith.constant 0 : i32
        %dma_start3A_224 = tpu.memref_slice %arg5[%dma_start3A_222, %dma_start3A_223] : memref<1000x256xi32, #tpu.memory_space<hbm>> -> memref<1000x256xi32, #tpu.memory_space<hbm>>
        tpu.enqueue_indirect_dma source(%dma_start3A_224 : memref<1000x256xi32, #tpu.memory_space<hbm>>) target(%arg14 : memref<64x256xi32, #tpu.memory_space<vmem>>) offsets(%dma_start3A_221 : memref<64xi32, #tpu.memory_space<vmem>>) semaphore(%arg25 : memref<!tpu.dma_semaphore, #tpu.memory_space<semaphore_mem>>)
        %dma_start3A_225 = arith.constant 192 : i32
        %dma_start3A_226 = tpu.memref_slice %arg8[%dma_start3A_225] : memref<256xi32, #tpu.memory_space<vmem>> -> memref<64xi32, #tpu.memory_space<vmem>>
        %dma_start3A_227 = arith.constant 0 : i32
        %dma_start3A_228 = arith.constant 0 : i32
        %dma_start3A_229 = tpu.memref_slice %arg6[%dma_start3A_227, %dma_start3A_228] : memref<367x128xi32, #tpu.memory_space<hbm>> -> memref<367x128xi32, #tpu.memory_space<hbm>>
        tpu.enqueue_indirect_dma source(%dma_start3A_229 : memref<367x128xi32, #tpu.memory_space<hbm>>) target(%arg15 : memref<64x128xi32, #tpu.memory_space<vmem>>) offsets(%dma_start3A_226 : memref<64xi32, #tpu.memory_space<vmem>>) semaphore(%arg25 : memref<!tpu.dma_semaphore, #tpu.memory_space<semaphore_mem>>)
      } else {
      }
      %ge3A_182 = arith.constant 2 : i32
      %ge3A_183 = arith.cmpi sge, %add3A_125, %ge3A_182 : i32
      %convert_element_type3A_184 = arith.extui %ge3A_183 : i1 to i32
      %cond3A_185 = arith.constant 0 : i32
      %cond3A_186 = arith.cmpi ne, %convert_element_type3A_184, %cond3A_185 : i32
      scf.if %cond3A_186 {
        %dma_wait3A_196 = tpu.memref_slice %arg7[%add3A_128] : memref<204800xf32, #tpu.memory_space<hbm>> -> memref<64xf32, #tpu.memory_space<hbm>>
        %dma_wait3A_197 = tpu.memref_slice %arg7[%add3A_128] : memref<204800xf32, #tpu.memory_space<hbm>> -> memref<64xf32, #tpu.memory_space<hbm>>
        tpu.wait_dma2 semaphore(%arg30 : memref<!tpu.dma_semaphore, #tpu.memory_space<semaphore_mem>>) src(%arg23 : memref<64xf32, #tpu.memory_space<vmem>>) dst(%dma_wait3A_197 : memref<64xf32, #tpu.memory_space<hbm>>)
      } else {
      }
      %iota3A_187 = tpu.iota {dimensions = array<i32: 0>} : vector<16xi32>
      %scan3A_188 = arith.constant 0 : i32
      %scan3A_189 = arith.constant 0 : i32
      %scan3A_190 = arith.constant 4 : i32
      %scan3A_191 = arith.addi %scan3A_189, %scan3A_190 : i32
      %scan3A_192 = arith.constant 1 : i32
      scf.for %scan3A_196 = %scan3A_189 to %scan3A_191 step %scan3A_192  : i32 {
        %mul3A_197 = arith.constant 16 : i32
        %mul3A_198 = arith.muli %scan3A_196, %mul3A_197 : i32
        %multiple_of3A = tpu.assume_multiple %mul3A_198, 16 : i32
        %scan3A_199 = arith.constant 0 : i32
        %scan3A_200 = arith.constant 0 : i32
        %scan3A_201 = arith.constant 16 : i32
        %scan3A_202 = arith.addi %scan3A_200, %scan3A_201 : i32
        %scan3A_203 = arith.constant 2 : i32
        scf.for %scan3A_267 = %scan3A_200 to %scan3A_202 step %scan3A_203  : i32 {
          %add3A_268 = arith.addi %multiple_of3A, %scan3A_267 : i32
          %broadcast_in_dim3A_269 = arith.constant 0.000000e+00 : f32
          %broadcast_in_dim3A_270 = vector.broadcast %broadcast_in_dim3A_269 : f32 to vector<16xf32>
          %get3A = arith.index_cast %add3A_268 : i32 to index
          %get3A_271 = arith.constant 0 : index
          %get3A_272 = tpu.vector_load %arg16[%get3A, %get3A_271] {strides = array<i32>} : memref<64x128xf32, #tpu.memory_space<vmem>>, vector<16xf32>,
          %get3A_273 = arith.index_cast %add3A_268 : i32 to index
          %get3A_274 = arith.constant 0 : index
          %get3A_275 = tpu.vector_load %arg17[%get3A_273, %get3A_274] {strides = array<i32>} : memref<64x128xf32, #tpu.memory_space<vmem>>, vector<16xf32>,
          %get3A_276 = arith.index_cast %add3A_268 : i32 to index
          %get3A_277 = arith.constant 0 : index
          %get3A_278 = tpu.vector_load %arg18[%get3A_276, %get3A_277] {strides = array<i32>} : memref<64x128xf32, #tpu.memory_space<vmem>>, vector<16xf32>,
          %get3A_279 = arith.index_cast %add3A_268 : i32 to index
          %get3A_280 = arith.constant 0 : index
          %get3A_281 = tpu.vector_load %arg19[%get3A_279, %get3A_280] {strides = array<i32>} : memref<64x128xf32, #tpu.memory_space<vmem>>, vector<16xf32>,
          %get3A_282 = arith.index_cast %add3A_268 : i32 to index
          %get3A_283 = arith.constant 0 : index
          %get3A_284 = tpu.vector_load %arg20[%get3A_282, %get3A_283] {strides = array<i32>} : memref<64x256xi32, #tpu.memory_space<vmem>>, vector<16xi32>,
          %bitcast3A = vector.bitcast %get3A_284 : vector<16xi32> to vector<32xbf16>
          %unpack3A = tpu.unpack_subelements %bitcast3A, 0 {pack_format = #tpu.pack_format<interleaved>} : vector<32xbf16> -> vector<16xf32>
          %unpack3A_285 = tpu.unpack_subelements %bitcast3A, 1 {pack_format = #tpu.pack_format<interleaved>} : vector<32xbf16> -> vector<16xf32>
          %get3A_286 = arith.index_cast %add3A_268 : i32 to index
          %get3A_287 = arith.constant 128 : index
          %get3A_288 = tpu.vector_load %arg20[%get3A_286, %get3A_287] {strides = array<i32>} : memref<64x256xi32, #tpu.memory_space<vmem>>, vector<16xi32>,
          %bitcast3A_289 = vector.bitcast %get3A_288 : vector<16xi32> to vector<32xbf16>
          %unpack3A_290 = tpu.unpack_subelements %bitcast3A_289, 0 {pack_format = #tpu.pack_format<interleaved>} : vector<32xbf16> -> vector<16xf32>
          %unpack3A_291 = tpu.unpack_subelements %bitcast3A_289, 1 {pack_format = #tpu.pack_format<interleaved>} : vector<32xbf16> -> vector<16xf32>
          %get3A_292 = arith.index_cast %add3A_268 : i32 to index
          %get3A_293 = arith.constant 0 : index
          %get3A_294 = tpu.vector_load %arg21[%get3A_292, %get3A_293] {strides = array<i32>} : memref<64x128xi32, #tpu.memory_space<vmem>>, vector<16xi32>,
          %bitcast3A_295 = vector.bitcast %get3A_294 : vector<16xi32> to vector<32xbf16>
          %unpack3A_296 = tpu.unpack_subelements %bitcast3A_295, 0 {pack_format = #tpu.pack_format<interleaved>} : vector<32xbf16> -> vector<16xf32>
          %unpack3A_297 = tpu.unpack_subelements %bitcast3A_295, 1 {pack_format = #tpu.pack_format<interleaved>} : vector<32xbf16> -> vector<16xf32>
          %mul3A_298 = arith.mulf %unpack3A, %unpack3A_296 : vector<16xf32>
          %mul3A_299 = arith.mulf %unpack3A_285, %unpack3A_297 : vector<16xf32>
          %sub3A = arith.subf %mul3A_298, %mul3A_299 : vector<16xf32>
          %add3A_300 = arith.addf %sub3A, %unpack3A_290 : vector<16xf32>
          %mul3A_301 = arith.mulf %unpack3A, %unpack3A_297 : vector<16xf32>
          %mul3A_302 = arith.mulf %unpack3A_285, %unpack3A_296 : vector<16xf32>
          %add3A_303 = arith.addf %mul3A_301, %mul3A_302 : vector<16xf32>
          %add3A_304 = arith.addf %add3A_303, %unpack3A_291 : vector<16xf32>
          %mul3A_305 = arith.mulf %get3A_272, %get3A_278 : vector<16xf32>
          %mul3A_306 = arith.mulf %get3A_275, %get3A_281 : vector<16xf32>
          %add3A_307 = arith.addf %mul3A_305, %mul3A_306 : vector<16xf32>
          %mul3A_308 = arith.mulf %get3A_272, %get3A_281 : vector<16xf32>
          %mul3A_309 = arith.mulf %get3A_275, %get3A_278 : vector<16xf32>
          %sub3A_310 = arith.subf %mul3A_308, %mul3A_309 : vector<16xf32>
          %mul3A_311 = arith.mulf %add3A_307, %add3A_300 : vector<16xf32>
          %add3A_312 = arith.addf %broadcast_in_dim3A_270, %mul3A_311 : vector<16xf32>
          %mul3A_313 = arith.mulf %sub3A_310, %add3A_304 : vector<16xf32>
          %add3A_314 = arith.addf %add3A_312, %mul3A_313 : vector<16xf32>
          %get3A_315 = arith.index_cast %add3A_268 : i32 to index
          %get3A_316 = arith.constant 16 : index
          %get3A_317 = tpu.vector_load %arg16[%get3A_315, %get3A_316] {strides = array<i32>} : memref<64x128xf32, #tpu.memory_space<vmem>>, vector<16xf32>,
          %get3A_318 = arith.index_cast %add3A_268 : i32 to index
          %get3A_319 = arith.constant 16 : index
          %get3A_320 = tpu.vector_load %arg17[%get3A_318, %get3A_319] {strides = array<i32>} : memref<64x128xf32, #tpu.memory_space<vmem>>, vector<16xf32>,
          %get3A_321 = arith.index_cast %add3A_268 : i32 to index
          %get3A_322 = arith.constant 16 : index
          %get3A_323 = tpu.vector_load %arg18[%get3A_321, %get3A_322] {strides = array<i32>} : memref<64x128xf32, #tpu.memory_space<vmem>>, vector<16xf32>,
          %get3A_324 = arith.index_cast %add3A_268 : i32 to index
          %get3A_325 = arith.constant 16 : index
          %get3A_326 = tpu.vector_load %arg19[%get3A_324, %get3A_325] {strides = array<i32>} : memref<64x128xf32, #tpu.memory_space<vmem>>, vector<16xf32>,
          %get3A_327 = arith.index_cast %add3A_268 : i32 to index
          %get3A_328 = arith.constant 16 : index
          %get3A_329 = tpu.vector_load %arg20[%get3A_327, %get3A_328] {strides = array<i32>} : memref<64x256xi32, #tpu.memory_space<vmem>>, vector<16xi32>,
          %bitcast3A_330 = vector.bitcast %get3A_329 : vector<16xi32> to vector<32xbf16>
          %unpack3A_331 = tpu.unpack_subelements %bitcast3A_330, 0 {pack_format = #tpu.pack_format<interleaved>} : vector<32xbf16> -> vector<16xf32>
          %unpack3A_332 = tpu.unpack_subelements %bitcast3A_330, 1 {pack_format = #tpu.pack_format<interleaved>} : vector<32xbf16> -> vector<16xf32>
          %get3A_333 = arith.index_cast %add3A_268 : i32 to index
          %get3A_334 = arith.constant 144 : index
          %get3A_335 = tpu.vector_load %arg20[%get3A_333, %get3A_334] {strides = array<i32>} : memref<64x256xi32, #tpu.memory_space<vmem>>, vector<16xi32>,
          %bitcast3A_336 = vector.bitcast %get3A_335 : vector<16xi32> to vector<32xbf16>
          %unpack3A_337 = tpu.unpack_subelements %bitcast3A_336, 0 {pack_format = #tpu.pack_format<interleaved>} : vector<32xbf16> -> vector<16xf32>
          %unpack3A_338 = tpu.unpack_subelements %bitcast3A_336, 1 {pack_format = #tpu.pack_format<interleaved>} : vector<32xbf16> -> vector<16xf32>
          %get3A_339 = arith.index_cast %add3A_268 : i32 to index
          %get3A_340 = arith.constant 16 : index
          %get3A_341 = tpu.vector_load %arg21[%get3A_339, %get3A_340] {strides = array<i32>} : memref<64x128xi32, #tpu.memory_space<vmem>>, vector<16xi32>,
          %bitcast3A_342 = vector.bitcast %get3A_341 : vector<16xi32> to vector<32xbf16>
          %unpack3A_343 = tpu.unpack_subelements %bitcast3A_342, 0 {pack_format = #tpu.pack_format<interleaved>} : vector<32xbf16> -> vector<16xf32>
          %unpack3A_344 = tpu.unpack_subelements %bitcast3A_342, 1 {pack_format = #tpu.pack_format<interleaved>} : vector<32xbf16> -> vector<16xf32>
          %mul3A_345 = arith.mulf %unpack3A_331, %unpack3A_343 : vector<16xf32>
          %mul3A_346 = arith.mulf %unpack3A_332, %unpack3A_344 : vector<16xf32>
          %sub3A_347 = arith.subf %mul3A_345, %mul3A_346 : vector<16xf32>
          %add3A_348 = arith.addf %sub3A_347, %unpack3A_337 : vector<16xf32>
          %mul3A_349 = arith.mulf %unpack3A_331, %unpack3A_344 : vector<16xf32>
          %mul3A_350 = arith.mulf %unpack3A_332, %unpack3A_343 : vector<16xf32>
          %add3A_351 = arith.addf %mul3A_349, %mul3A_350 : vector<16xf32>
          %add3A_352 = arith.addf %add3A_351, %unpack3A_338 : vector<16xf32>
          %mul3A_353 = arith.mulf %get3A_317, %get3A_323 : vector<16xf32>
          %mul3A_354 = arith.mulf %get3A_320, %get3A_326 : vector<16xf32>
          %add3A_355 = arith.addf %mul3A_353, %mul3A_354 : vector<16xf32>
          %mul3A_356 = arith.mulf %get3A_317, %get3A_326 : vector<16xf32>
          %mul3A_357 = arith.mulf %get3A_320, %get3A_323 : vector<16xf32>
          %sub3A_358 = arith.subf %mul3A_356, %mul3A_357 : vector<16xf32>
          %mul3A_359 = arith.mulf %add3A_355, %add3A_348 : vector<16xf32>
          %add3A_360 = arith.addf %add3A_314, %mul3A_359 : vector<16xf32>
          %mul3A_361 = arith.mulf %sub3A_358, %add3A_352 : vector<16xf32>
          %add3A_362 = arith.addf %add3A_360, %mul3A_361 : vector<16xf32>
          %get3A_363 = arith.index_cast %add3A_268 : i32 to index
          %get3A_364 = arith.constant 32 : index
          %get3A_365 = tpu.vector_load %arg16[%get3A_363, %get3A_364] {strides = array<i32>} : memref<64x128xf32, #tpu.memory_space<vmem>>, vector<16xf32>,
          %get3A_366 = arith.index_cast %add3A_268 : i32 to index
          %get3A_367 = arith.constant 32 : index
          %get3A_368 = tpu.vector_load %arg17[%get3A_366, %get3A_367] {strides = array<i32>} : memref<64x128xf32, #tpu.memory_space<vmem>>, vector<16xf32>,
          %get3A_369 = arith.index_cast %add3A_268 : i32 to index
          %get3A_370 = arith.constant 32 : index
          %get3A_371 = tpu.vector_load %arg18[%get3A_369, %get3A_370] {strides = array<i32>} : memref<64x128xf32, #tpu.memory_space<vmem>>, vector<16xf32>,
          %get3A_372 = arith.index_cast %add3A_268 : i32 to index
          %get3A_373 = arith.constant 32 : index
          %get3A_374 = tpu.vector_load %arg19[%get3A_372, %get3A_373] {strides = array<i32>} : memref<64x128xf32, #tpu.memory_space<vmem>>, vector<16xf32>,
          %get3A_375 = arith.index_cast %add3A_268 : i32 to index
          %get3A_376 = arith.constant 32 : index
          %get3A_377 = tpu.vector_load %arg20[%get3A_375, %get3A_376] {strides = array<i32>} : memref<64x256xi32, #tpu.memory_space<vmem>>, vector<16xi32>,
          %bitcast3A_378 = vector.bitcast %get3A_377 : vector<16xi32> to vector<32xbf16>
          %unpack3A_379 = tpu.unpack_subelements %bitcast3A_378, 0 {pack_format = #tpu.pack_format<interleaved>} : vector<32xbf16> -> vector<16xf32>
          %unpack3A_380 = tpu.unpack_subelements %bitcast3A_378, 1 {pack_format = #tpu.pack_format<interleaved>} : vector<32xbf16> -> vector<16xf32>
          %get3A_381 = arith.index_cast %add3A_268 : i32 to index
          %get3A_382 = arith.constant 160 : index
          %get3A_383 = tpu.vector_load %arg20[%get3A_381, %get3A_382] {strides = array<i32>} : memref<64x256xi32, #tpu.memory_space<vmem>>, vector<16xi32>,
          %bitcast3A_384 = vector.bitcast %get3A_383 : vector<16xi32> to vector<32xbf16>
          %unpack3A_385 = tpu.unpack_subelements %bitcast3A_384, 0 {pack_format = #tpu.pack_format<interleaved>} : vector<32xbf16> -> vector<16xf32>
          %unpack3A_386 = tpu.unpack_subelements %bitcast3A_384, 1 {pack_format = #tpu.pack_format<interleaved>} : vector<32xbf16> -> vector<16xf32>
          %get3A_387 = arith.index_cast %add3A_268 : i32 to index
          %get3A_388 = arith.constant 32 : index
          %get3A_389 = tpu.vector_load %arg21[%get3A_387, %get3A_388] {strides = array<i32>} : memref<64x128xi32, #tpu.memory_space<vmem>>, vector<16xi32>,
          %bitcast3A_390 = vector.bitcast %get3A_389 : vector<16xi32> to vector<32xbf16>
          %unpack3A_391 = tpu.unpack_subelements %bitcast3A_390, 0 {pack_format = #tpu.pack_format<interleaved>} : vector<32xbf16> -> vector<16xf32>
          %unpack3A_392 = tpu.unpack_subelements %bitcast3A_390, 1 {pack_format = #tpu.pack_format<interleaved>} : vector<32xbf16> -> vector<16xf32>
          %mul3A_393 = arith.mulf %unpack3A_379, %unpack3A_391 : vector<16xf32>
          %mul3A_394 = arith.mulf %unpack3A_380, %unpack3A_392 : vector<16xf32>
          %sub3A_395 = arith.subf %mul3A_393, %mul3A_394 : vector<16xf32>
          %add3A_396 = arith.addf %sub3A_395, %unpack3A_385 : vector<16xf32>
          %mul3A_397 = arith.mulf %unpack3A_379, %unpack3A_392 : vector<16xf32>
          %mul3A_398 = arith.mulf %unpack3A_380, %unpack3A_391 : vector<16xf32>
          %add3A_399 = arith.addf %mul3A_397, %mul3A_398 : vector<16xf32>
          %add3A_400 = arith.addf %add3A_399, %unpack3A_386 : vector<16xf32>
          %mul3A_401 = arith.mulf %get3A_365, %get3A_371 : vector<16xf32>
          %mul3A_402 = arith.mulf %get3A_368, %get3A_374 : vector<16xf32>
          %add3A_403 = arith.addf %mul3A_401, %mul3A_402 : vector<16xf32>
          %mul3A_404 = arith.mulf %get3A_365, %get3A_374 : vector<16xf32>
          %mul3A_405 = arith.mulf %get3A_368, %get3A_371 : vector<16xf32>
          %sub3A_406 = arith.subf %mul3A_404, %mul3A_405 : vector<16xf32>
          %mul3A_407 = arith.mulf %add3A_403, %add3A_396 : vector<16xf32>
          %add3A_408 = arith.addf %add3A_362, %mul3A_407 : vector<16xf32>
          %mul3A_409 = arith.mulf %sub3A_406, %add3A_400 : vector<16xf32>
          %add3A_410 = arith.addf %add3A_408, %mul3A_409 : vector<16xf32>
          %get3A_411 = arith.index_cast %add3A_268 : i32 to index
          %get3A_412 = arith.constant 48 : index
          %get3A_413 = tpu.vector_load %arg16[%get3A_411, %get3A_412] {strides = array<i32>} : memref<64x128xf32, #tpu.memory_space<vmem>>, vector<16xf32>,
          %get3A_414 = arith.index_cast %add3A_268 : i32 to index
          %get3A_415 = arith.constant 48 : index
          %get3A_416 = tpu.vector_load %arg17[%get3A_414, %get3A_415] {strides = array<i32>} : memref<64x128xf32, #tpu.memory_space<vmem>>, vector<16xf32>,
          %get3A_417 = arith.index_cast %add3A_268 : i32 to index
          %get3A_418 = arith.constant 48 : index
          %get3A_419 = tpu.vector_load %arg18[%get3A_417, %get3A_418] {strides = array<i32>} : memref<64x128xf32, #tpu.memory_space<vmem>>, vector<16xf32>,
          %get3A_420 = arith.index_cast %add3A_268 : i32 to index
          %get3A_421 = arith.constant 48 : index
          %get3A_422 = tpu.vector_load %arg19[%get3A_420, %get3A_421] {strides = array<i32>} : memref<64x128xf32, #tpu.memory_space<vmem>>, vector<16xf32>,
          %get3A_423 = arith.index_cast %add3A_268 : i32 to index
          %get3A_424 = arith.constant 48 : index
          %get3A_425 = tpu.vector_load %arg20[%get3A_423, %get3A_424] {strides = array<i32>} : memref<64x256xi32, #tpu.memory_space<vmem>>, vector<16xi32>,
          %bitcast3A_426 = vector.bitcast %get3A_425 : vector<16xi32> to vector<32xbf16>
          %unpack3A_427 = tpu.unpack_subelements %bitcast3A_426, 0 {pack_format = #tpu.pack_format<interleaved>} : vector<32xbf16> -> vector<16xf32>
          %unpack3A_428 = tpu.unpack_subelements %bitcast3A_426, 1 {pack_format = #tpu.pack_format<interleaved>} : vector<32xbf16> -> vector<16xf32>
          %get3A_429 = arith.index_cast %add3A_268 : i32 to index
          %get3A_430 = arith.constant 176 : index
          %get3A_431 = tpu.vector_load %arg20[%get3A_429, %get3A_430] {strides = array<i32>} : memref<64x256xi32, #tpu.memory_space<vmem>>, vector<16xi32>,
          %bitcast3A_432 = vector.bitcast %get3A_431 : vector<16xi32> to vector<32xbf16>
          %unpack3A_433 = tpu.unpack_subelements %bitcast3A_432, 0 {pack_format = #tpu.pack_format<interleaved>} : vector<32xbf16> -> vector<16xf32>
          %unpack3A_434 = tpu.unpack_subelements %bitcast3A_432, 1 {pack_format = #tpu.pack_format<interleaved>} : vector<32xbf16> -> vector<16xf32>
          %get3A_435 = arith.index_cast %add3A_268 : i32 to index
          %get3A_436 = arith.constant 48 : index
          %get3A_437 = tpu.vector_load %arg21[%get3A_435, %get3A_436] {strides = array<i32>} : memref<64x128xi32, #tpu.memory_space<vmem>>, vector<16xi32>,
          %bitcast3A_438 = vector.bitcast %get3A_437 : vector<16xi32> to vector<32xbf16>
          %unpack3A_439 = tpu.unpack_subelements %bitcast3A_438, 0 {pack_format = #tpu.pack_format<interleaved>} : vector<32xbf16> -> vector<16xf32>
          %unpack3A_440 = tpu.unpack_subelements %bitcast3A_438, 1 {pack_format = #tpu.pack_format<interleaved>} : vector<32xbf16> -> vector<16xf32>
          %mul3A_441 = arith.mulf %unpack3A_427, %unpack3A_439 : vector<16xf32>
          %mul3A_442 = arith.mulf %unpack3A_428, %unpack3A_440 : vector<16xf32>
          %sub3A_443 = arith.subf %mul3A_441, %mul3A_442 : vector<16xf32>
          %add3A_444 = arith.addf %sub3A_443, %unpack3A_433 : vector<16xf32>
          %mul3A_445 = arith.mulf %unpack3A_427, %unpack3A_440 : vector<16xf32>
          %mul3A_446 = arith.mulf %unpack3A_428, %unpack3A_439 : vector<16xf32>
          %add3A_447 = arith.addf %mul3A_445, %mul3A_446 : vector<16xf32>
          %add3A_448 = arith.addf %add3A_447, %unpack3A_434 : vector<16xf32>
          %mul3A_449 = arith.mulf %get3A_413, %get3A_419 : vector<16xf32>
          %mul3A_450 = arith.mulf %get3A_416, %get3A_422 : vector<16xf32>
          %add3A_451 = arith.addf %mul3A_449, %mul3A_450 : vector<16xf32>
          %mul3A_452 = arith.mulf %get3A_413, %get3A_422 : vector<16xf32>
          %mul3A_453 = arith.mulf %get3A_416, %get3A_419 : vector<16xf32>
          %sub3A_454 = arith.subf %mul3A_452, %mul3A_453 : vector<16xf32>
          %mul3A_455 = arith.mulf %add3A_451, %add3A_444 : vector<16xf32>
          %add3A_456 = arith.addf %add3A_410, %mul3A_455 : vector<16xf32>
          %mul3A_457 = arith.mulf %sub3A_454, %add3A_448 : vector<16xf32>
          %add3A_458 = arith.addf %add3A_456, %mul3A_457 : vector<16xf32>
          %get3A_459 = arith.index_cast %add3A_268 : i32 to index
          %get3A_460 = arith.constant 64 : index
          %get3A_461 = tpu.vector_load %arg16[%get3A_459, %get3A_460] {strides = array<i32>} : memref<64x128xf32, #tpu.memory_space<vmem>>, vector<16xf32>,
          %get3A_462 = arith.index_cast %add3A_268 : i32 to index
          %get3A_463 = arith.constant 64 : index
          %get3A_464 = tpu.vector_load %arg17[%get3A_462, %get3A_463] {strides = array<i32>} : memref<64x128xf32, #tpu.memory_space<vmem>>, vector<16xf32>,
          %get3A_465 = arith.index_cast %add3A_268 : i32 to index
          %get3A_466 = arith.constant 64 : index
          %get3A_467 = tpu.vector_load %arg18[%get3A_465, %get3A_466] {strides = array<i32>} : memref<64x128xf32, #tpu.memory_space<vmem>>, vector<16xf32>,
          %get3A_468 = arith.index_cast %add3A_268 : i32 to index
          %get3A_469 = arith.constant 64 : index
          %get3A_470 = tpu.vector_load %arg19[%get3A_468, %get3A_469] {strides = array<i32>} : memref<64x128xf32, #tpu.memory_space<vmem>>, vector<16xf32>,
          %get3A_471 = arith.index_cast %add3A_268 : i32 to index
          %get3A_472 = arith.constant 64 : index
          %get3A_473 = tpu.vector_load %arg20[%get3A_471, %get3A_472] {strides = array<i32>} : memref<64x256xi32, #tpu.memory_space<vmem>>, vector<16xi32>,
          %bitcast3A_474 = vector.bitcast %get3A_473 : vector<16xi32> to vector<32xbf16>
          %unpack3A_475 = tpu.unpack_subelements %bitcast3A_474, 0 {pack_format = #tpu.pack_format<interleaved>} : vector<32xbf16> -> vector<16xf32>
          %unpack3A_476 = tpu.unpack_subelements %bitcast3A_474, 1 {pack_format = #tpu.pack_format<interleaved>} : vector<32xbf16> -> vector<16xf32>
          %get3A_477 = arith.index_cast %add3A_268 : i32 to index
          %get3A_478 = arith.constant 192 : index
          %get3A_479 = tpu.vector_load %arg20[%get3A_477, %get3A_478] {strides = array<i32>} : memref<64x256xi32, #tpu.memory_space<vmem>>, vector<16xi32>,
          %bitcast3A_480 = vector.bitcast %get3A_479 : vector<16xi32> to vector<32xbf16>
          %unpack3A_481 = tpu.unpack_subelements %bitcast3A_480, 0 {pack_format = #tpu.pack_format<interleaved>} : vector<32xbf16> -> vector<16xf32>
          %unpack3A_482 = tpu.unpack_subelements %bitcast3A_480, 1 {pack_format = #tpu.pack_format<interleaved>} : vector<32xbf16> -> vector<16xf32>
          %get3A_483 = arith.index_cast %add3A_268 : i32 to index
          %get3A_484 = arith.constant 64 : index
          %get3A_485 = tpu.vector_load %arg21[%get3A_483, %get3A_484] {strides = array<i32>} : memref<64x128xi32, #tpu.memory_space<vmem>>, vector<16xi32>,
          %bitcast3A_486 = vector.bitcast %get3A_485 : vector<16xi32> to vector<32xbf16>
          %unpack3A_487 = tpu.unpack_subelements %bitcast3A_486, 0 {pack_format = #tpu.pack_format<interleaved>} : vector<32xbf16> -> vector<16xf32>
          %unpack3A_488 = tpu.unpack_subelements %bitcast3A_486, 1 {pack_format = #tpu.pack_format<interleaved>} : vector<32xbf16> -> vector<16xf32>
          %mul3A_489 = arith.mulf %unpack3A_475, %unpack3A_487 : vector<16xf32>
          %mul3A_490 = arith.mulf %unpack3A_476, %unpack3A_488 : vector<16xf32>
          %sub3A_491 = arith.subf %mul3A_489, %mul3A_490 : vector<16xf32>
          %add3A_492 = arith.addf %sub3A_491, %unpack3A_481 : vector<16xf32>
          %mul3A_493 = arith.mulf %unpack3A_475, %unpack3A_488 : vector<16xf32>
          %mul3A_494 = arith.mulf %unpack3A_476, %unpack3A_487 : vector<16xf32>
          %add3A_495 = arith.addf %mul3A_493, %mul3A_494 : vector<16xf32>
          %add3A_496 = arith.addf %add3A_495, %unpack3A_482 : vector<16xf32>
          %mul3A_497 = arith.mulf %get3A_461, %get3A_467 : vector<16xf32>
          %mul3A_498 = arith.mulf %get3A_464, %get3A_470 : vector<16xf32>
          %add3A_499 = arith.addf %mul3A_497, %mul3A_498 : vector<16xf32>
          %mul3A_500 = arith.mulf %get3A_461, %get3A_470 : vector<16xf32>
          %mul3A_501 = arith.mulf %get3A_464, %get3A_467 : vector<16xf32>
          %sub3A_502 = arith.subf %mul3A_500, %mul3A_501 : vector<16xf32>
          %mul3A_503 = arith.mulf %add3A_499, %add3A_492 : vector<16xf32>
          %add3A_504 = arith.addf %add3A_458, %mul3A_503 : vector<16xf32>
          %mul3A_505 = arith.mulf %sub3A_502, %add3A_496 : vector<16xf32>
          %add3A_506 = arith.addf %add3A_504, %mul3A_505 : vector<16xf32>
          %get3A_507 = arith.index_cast %add3A_268 : i32 to index
          %get3A_508 = arith.constant 80 : index
          %get3A_509 = tpu.vector_load %arg16[%get3A_507, %get3A_508] {strides = array<i32>} : memref<64x128xf32, #tpu.memory_space<vmem>>, vector<16xf32>,
          %get3A_510 = arith.index_cast %add3A_268 : i32 to index
          %get3A_511 = arith.constant 80 : index
          %get3A_512 = tpu.vector_load %arg17[%get3A_510, %get3A_511] {strides = array<i32>} : memref<64x128xf32, #tpu.memory_space<vmem>>, vector<16xf32>,
          %get3A_513 = arith.index_cast %add3A_268 : i32 to index
          %get3A_514 = arith.constant 80 : index
          %get3A_515 = tpu.vector_load %arg18[%get3A_513, %get3A_514] {strides = array<i32>} : memref<64x128xf32, #tpu.memory_space<vmem>>, vector<16xf32>,
          %get3A_516 = arith.index_cast %add3A_268 : i32 to index
          %get3A_517 = arith.constant 80 : index
          %get3A_518 = tpu.vector_load %arg19[%get3A_516, %get3A_517] {strides = array<i32>} : memref<64x128xf32, #tpu.memory_space<vmem>>, vector<16xf32>,
          %get3A_519 = arith.index_cast %add3A_268 : i32 to index
          %get3A_520 = arith.constant 80 : index
          %get3A_521 = tpu.vector_load %arg20[%get3A_519, %get3A_520] {strides = array<i32>} : memref<64x256xi32, #tpu.memory_space<vmem>>, vector<16xi32>,
          %bitcast3A_522 = vector.bitcast %get3A_521 : vector<16xi32> to vector<32xbf16>
          %unpack3A_523 = tpu.unpack_subelements %bitcast3A_522, 0 {pack_format = #tpu.pack_format<interleaved>} : vector<32xbf16> -> vector<16xf32>
          %unpack3A_524 = tpu.unpack_subelements %bitcast3A_522, 1 {pack_format = #tpu.pack_format<interleaved>} : vector<32xbf16> -> vector<16xf32>
          %get3A_525 = arith.index_cast %add3A_268 : i32 to index
          %get3A_526 = arith.constant 208 : index
          %get3A_527 = tpu.vector_load %arg20[%get3A_525, %get3A_526] {strides = array<i32>} : memref<64x256xi32, #tpu.memory_space<vmem>>, vector<16xi32>,
          %bitcast3A_528 = vector.bitcast %get3A_527 : vector<16xi32> to vector<32xbf16>
          %unpack3A_529 = tpu.unpack_subelements %bitcast3A_528, 0 {pack_format = #tpu.pack_format<interleaved>} : vector<32xbf16> -> vector<16xf32>
          %unpack3A_530 = tpu.unpack_subelements %bitcast3A_528, 1 {pack_format = #tpu.pack_format<interleaved>} : vector<32xbf16> -> vector<16xf32>
          %get3A_531 = arith.index_cast %add3A_268 : i32 to index
          %get3A_532 = arith.constant 80 : index
          %get3A_533 = tpu.vector_load %arg21[%get3A_531, %get3A_532] {strides = array<i32>} : memref<64x128xi32, #tpu.memory_space<vmem>>, vector<16xi32>,
          %bitcast3A_534 = vector.bitcast %get3A_533 : vector<16xi32> to vector<32xbf16>
          %unpack3A_535 = tpu.unpack_subelements %bitcast3A_534, 0 {pack_format = #tpu.pack_format<interleaved>} : vector<32xbf16> -> vector<16xf32>
          %unpack3A_536 = tpu.unpack_subelements %bitcast3A_534, 1 {pack_format = #tpu.pack_format<interleaved>} : vector<32xbf16> -> vector<16xf32>
          %mul3A_537 = arith.mulf %unpack3A_523, %unpack3A_535 : vector<16xf32>
          %mul3A_538 = arith.mulf %unpack3A_524, %unpack3A_536 : vector<16xf32>
          %sub3A_539 = arith.subf %mul3A_537, %mul3A_538 : vector<16xf32>
          %add3A_540 = arith.addf %sub3A_539, %unpack3A_529 : vector<16xf32>
          %mul3A_541 = arith.mulf %unpack3A_523, %unpack3A_536 : vector<16xf32>
          %mul3A_542 = arith.mulf %unpack3A_524, %unpack3A_535 : vector<16xf32>
          %add3A_543 = arith.addf %mul3A_541, %mul3A_542 : vector<16xf32>
          %add3A_544 = arith.addf %add3A_543, %unpack3A_530 : vector<16xf32>
          %mul3A_545 = arith.mulf %get3A_509, %get3A_515 : vector<16xf32>
          %mul3A_546 = arith.mulf %get3A_512, %get3A_518 : vector<16xf32>
          %add3A_547 = arith.addf %mul3A_545, %mul3A_546 : vector<16xf32>
          %mul3A_548 = arith.mulf %get3A_509, %get3A_518 : vector<16xf32>
          %mul3A_549 = arith.mulf %get3A_512, %get3A_515 : vector<16xf32>
          %sub3A_550 = arith.subf %mul3A_548, %mul3A_549 : vector<16xf32>
          %mul3A_551 = arith.mulf %add3A_547, %add3A_540 : vector<16xf32>
          %add3A_552 = arith.addf %add3A_506, %mul3A_551 : vector<16xf32>
          %mul3A_553 = arith.mulf %sub3A_550, %add3A_544 : vector<16xf32>
          %add3A_554 = arith.addf %add3A_552, %mul3A_553 : vector<16xf32>
          %get3A_555 = arith.index_cast %add3A_268 : i32 to index
          %get3A_556 = arith.constant 96 : index
          %get3A_557 = tpu.vector_load %arg16[%get3A_555, %get3A_556] {strides = array<i32>} : memref<64x128xf32, #tpu.memory_space<vmem>>, vector<16xf32>,
          %get3A_558 = arith.index_cast %add3A_268 : i32 to index
          %get3A_559 = arith.constant 96 : index
          %get3A_560 = tpu.vector_load %arg17[%get3A_558, %get3A_559] {strides = array<i32>} : memref<64x128xf32, #tpu.memory_space<vmem>>, vector<16xf32>,
          %get3A_561 = arith.index_cast %add3A_268 : i32 to index
          %get3A_562 = arith.constant 96 : index
          %get3A_563 = tpu.vector_load %arg18[%get3A_561, %get3A_562] {strides = array<i32>} : memref<64x128xf32, #tpu.memory_space<vmem>>, vector<16xf32>,
          %get3A_564 = arith.index_cast %add3A_268 : i32 to index
          %get3A_565 = arith.constant 96 : index
          %get3A_566 = tpu.vector_load %arg19[%get3A_564, %get3A_565] {strides = array<i32>} : memref<64x128xf32, #tpu.memory_space<vmem>>, vector<16xf32>,
          %get3A_567 = arith.index_cast %add3A_268 : i32 to index
          %get3A_568 = arith.constant 96 : index
          %get3A_569 = tpu.vector_load %arg20[%get3A_567, %get3A_568] {strides = array<i32>} : memref<64x256xi32, #tpu.memory_space<vmem>>, vector<16xi32>,
          %bitcast3A_570 = vector.bitcast %get3A_569 : vector<16xi32> to vector<32xbf16>
          %unpack3A_571 = tpu.unpack_subelements %bitcast3A_570, 0 {pack_format = #tpu.pack_format<interleaved>} : vector<32xbf16> -> vector<16xf32>
          %unpack3A_572 = tpu.unpack_subelements %bitcast3A_570, 1 {pack_format = #tpu.pack_format<interleaved>} : vector<32xbf16> -> vector<16xf32>
          %get3A_573 = arith.index_cast %add3A_268 : i32 to index
          %get3A_574 = arith.constant 224 : index
          %get3A_575 = tpu.vector_load %arg20[%get3A_573, %get3A_574] {strides = array<i32>} : memref<64x256xi32, #tpu.memory_space<vmem>>, vector<16xi32>,
          %bitcast3A_576 = vector.bitcast %get3A_575 : vector<16xi32> to vector<32xbf16>
          %unpack3A_577 = tpu.unpack_subelements %bitcast3A_576, 0 {pack_format = #tpu.pack_format<interleaved>} : vector<32xbf16> -> vector<16xf32>
          %unpack3A_578 = tpu.unpack_subelements %bitcast3A_576, 1 {pack_format = #tpu.pack_format<interleaved>} : vector<32xbf16> -> vector<16xf32>
          %get3A_579 = arith.index_cast %add3A_268 : i32 to index
          %get3A_580 = arith.constant 96 : index
          %get3A_581 = tpu.vector_load %arg21[%get3A_579, %get3A_580] {strides = array<i32>} : memref<64x128xi32, #tpu.memory_space<vmem>>, vector<16xi32>,
          %bitcast3A_582 = vector.bitcast %get3A_581 : vector<16xi32> to vector<32xbf16>
          %unpack3A_583 = tpu.unpack_subelements %bitcast3A_582, 0 {pack_format = #tpu.pack_format<interleaved>} : vector<32xbf16> -> vector<16xf32>
          %unpack3A_584 = tpu.unpack_subelements %bitcast3A_582, 1 {pack_format = #tpu.pack_format<interleaved>} : vector<32xbf16> -> vector<16xf32>
          %mul3A_585 = arith.mulf %unpack3A_571, %unpack3A_583 : vector<16xf32>
          %mul3A_586 = arith.mulf %unpack3A_572, %unpack3A_584 : vector<16xf32>
          %sub3A_587 = arith.subf %mul3A_585, %mul3A_586 : vector<16xf32>
          %add3A_588 = arith.addf %sub3A_587, %unpack3A_577 : vector<16xf32>
          %mul3A_589 = arith.mulf %unpack3A_571, %unpack3A_584 : vector<16xf32>
          %mul3A_590 = arith.mulf %unpack3A_572, %unpack3A_583 : vector<16xf32>
          %add3A_591 = arith.addf %mul3A_589, %mul3A_590 : vector<16xf32>
          %add3A_592 = arith.addf %add3A_591, %unpack3A_578 : vector<16xf32>
          %mul3A_593 = arith.mulf %get3A_557, %get3A_563 : vector<16xf32>
          %mul3A_594 = arith.mulf %get3A_560, %get3A_566 : vector<16xf32>
          %add3A_595 = arith.addf %mul3A_593, %mul3A_594 : vector<16xf32>
          %mul3A_596 = arith.mulf %get3A_557, %get3A_566 : vector<16xf32>
          %mul3A_597 = arith.mulf %get3A_560, %get3A_563 : vector<16xf32>
          %sub3A_598 = arith.subf %mul3A_596, %mul3A_597 : vector<16xf32>
          %mul3A_599 = arith.mulf %add3A_595, %add3A_588 : vector<16xf32>
          %add3A_600 = arith.addf %add3A_554, %mul3A_599 : vector<16xf32>
          %mul3A_601 = arith.mulf %sub3A_598, %add3A_592 : vector<16xf32>
          %add3A_602 = arith.addf %add3A_600, %mul3A_601 : vector<16xf32>
          %get3A_603 = arith.index_cast %add3A_268 : i32 to index
          %get3A_604 = arith.constant 112 : index
          %get3A_605 = tpu.vector_load %arg16[%get3A_603, %get3A_604] {strides = array<i32>} : memref<64x128xf32, #tpu.memory_space<vmem>>, vector<16xf32>,
          %get3A_606 = arith.index_cast %add3A_268 : i32 to index
          %get3A_607 = arith.constant 112 : index
          %get3A_608 = tpu.vector_load %arg17[%get3A_606, %get3A_607] {strides = array<i32>} : memref<64x128xf32, #tpu.memory_space<vmem>>, vector<16xf32>,
          %get3A_609 = arith.index_cast %add3A_268 : i32 to index
          %get3A_610 = arith.constant 112 : index
          %get3A_611 = tpu.vector_load %arg18[%get3A_609, %get3A_610] {strides = array<i32>} : memref<64x128xf32, #tpu.memory_space<vmem>>, vector<16xf32>,
          %get3A_612 = arith.index_cast %add3A_268 : i32 to index
          %get3A_613 = arith.constant 112 : index
          %get3A_614 = tpu.vector_load %arg19[%get3A_612, %get3A_613] {strides = array<i32>} : memref<64x128xf32, #tpu.memory_space<vmem>>, vector<16xf32>,
          %get3A_615 = arith.index_cast %add3A_268 : i32 to index
          %get3A_616 = arith.constant 112 : index
          %get3A_617 = tpu.vector_load %arg20[%get3A_615, %get3A_616] {strides = array<i32>} : memref<64x256xi32, #tpu.memory_space<vmem>>, vector<16xi32>,
          %bitcast3A_618 = vector.bitcast %get3A_617 : vector<16xi32> to vector<32xbf16>
          %unpack3A_619 = tpu.unpack_subelements %bitcast3A_618, 0 {pack_format = #tpu.pack_format<interleaved>} : vector<32xbf16> -> vector<16xf32>
          %unpack3A_620 = tpu.unpack_subelements %bitcast3A_618, 1 {pack_format = #tpu.pack_format<interleaved>} : vector<32xbf16> -> vector<16xf32>
          %get3A_621 = arith.index_cast %add3A_268 : i32 to index
          %get3A_622 = arith.constant 240 : index
          %get3A_623 = tpu.vector_load %arg20[%get3A_621, %get3A_622] {strides = array<i32>} : memref<64x256xi32, #tpu.memory_space<vmem>>, vector<16xi32>,
          %bitcast3A_624 = vector.bitcast %get3A_623 : vector<16xi32> to vector<32xbf16>
          %unpack3A_625 = tpu.unpack_subelements %bitcast3A_624, 0 {pack_format = #tpu.pack_format<interleaved>} : vector<32xbf16> -> vector<16xf32>
          %unpack3A_626 = tpu.unpack_subelements %bitcast3A_624, 1 {pack_format = #tpu.pack_format<interleaved>} : vector<32xbf16> -> vector<16xf32>
          %get3A_627 = arith.index_cast %add3A_268 : i32 to index
          %get3A_628 = arith.constant 112 : index
          %get3A_629 = tpu.vector_load %arg21[%get3A_627, %get3A_628] {strides = array<i32>} : memref<64x128xi32, #tpu.memory_space<vmem>>, vector<16xi32>,
          %bitcast3A_630 = vector.bitcast %get3A_629 : vector<16xi32> to vector<32xbf16>
          %unpack3A_631 = tpu.unpack_subelements %bitcast3A_630, 0 {pack_format = #tpu.pack_format<interleaved>} : vector<32xbf16> -> vector<16xf32>
          %unpack3A_632 = tpu.unpack_subelements %bitcast3A_630, 1 {pack_format = #tpu.pack_format<interleaved>} : vector<32xbf16> -> vector<16xf32>
          %mul3A_633 = arith.mulf %unpack3A_619, %unpack3A_631 : vector<16xf32>
          %mul3A_634 = arith.mulf %unpack3A_620, %unpack3A_632 : vector<16xf32>
          %sub3A_635 = arith.subf %mul3A_633, %mul3A_634 : vector<16xf32>
          %add3A_636 = arith.addf %sub3A_635, %unpack3A_625 : vector<16xf32>
          %mul3A_637 = arith.mulf %unpack3A_619, %unpack3A_632 : vector<16xf32>
          %mul3A_638 = arith.mulf %unpack3A_620, %unpack3A_631 : vector<16xf32>
          %add3A_639 = arith.addf %mul3A_637, %mul3A_638 : vector<16xf32>
          %add3A_640 = arith.addf %add3A_639, %unpack3A_626 : vector<16xf32>
          %mul3A_641 = arith.mulf %get3A_605, %get3A_611 : vector<16xf32>
          %mul3A_642 = arith.mulf %get3A_608, %get3A_614 : vector<16xf32>
          %add3A_643 = arith.addf %mul3A_641, %mul3A_642 : vector<16xf32>
          %mul3A_644 = arith.mulf %get3A_605, %get3A_614 : vector<16xf32>
          %mul3A_645 = arith.mulf %get3A_608, %get3A_611 : vector<16xf32>
          %sub3A_646 = arith.subf %mul3A_644, %mul3A_645 : vector<16xf32>
          %mul3A_647 = arith.mulf %add3A_643, %add3A_636 : vector<16xf32>
          %add3A_648 = arith.addf %add3A_602, %mul3A_647 : vector<16xf32>
          %mul3A_649 = arith.mulf %sub3A_646, %add3A_640 : vector<16xf32>
          %add3A_650 = arith.addf %add3A_648, %mul3A_649 : vector<16xf32>
          %swap3A_651 = arith.index_cast %scan3A_267 : i32 to index
          %swap3A_652 = arith.constant 0 : index
          %swap3A_653 = tpu.vector_load %arg24[%swap3A_651, %swap3A_652] {strides = array<i32>} : memref<16x16xf32, #tpu.memory_space<vmem>>, vector<16xf32>,
          tpu.vector_store %arg24[%swap3A_651, %swap3A_652], %add3A_650 {strides = array<i32>} : memref<16x16xf32, #tpu.memory_space<vmem>>, vector<16xf32>,
          %scan3A_654 = arith.constant 1 : i32
          %scan3A_655 = arith.addi %scan3A_267, %scan3A_654 : i32
          %add3A_656 = arith.addi %multiple_of3A, %scan3A_655 : i32
          %broadcast_in_dim3A_657 = arith.constant 0.000000e+00 : f32
          %broadcast_in_dim3A_658 = vector.broadcast %broadcast_in_dim3A_657 : f32 to vector<16xf32>
          %get3A_659 = arith.index_cast %add3A_656 : i32 to index
          %get3A_660 = arith.constant 0 : index
          %get3A_661 = tpu.vector_load %arg16[%get3A_659, %get3A_660] {strides = array<i32>} : memref<64x128xf32, #tpu.memory_space<vmem>>, vector<16xf32>,
          %get3A_662 = arith.index_cast %add3A_656 : i32 to index
          %get3A_663 = arith.constant 0 : index
          %get3A_664 = tpu.vector_load %arg17[%get3A_662, %get3A_663] {strides = array<i32>} : memref<64x128xf32, #tpu.memory_space<vmem>>, vector<16xf32>,
          %get3A_665 = arith.index_cast %add3A_656 : i32 to index
          %get3A_666 = arith.constant 0 : index
          %get3A_667 = tpu.vector_load %arg18[%get3A_665, %get3A_666] {strides = array<i32>} : memref<64x128xf32, #tpu.memory_space<vmem>>, vector<16xf32>,
          %get3A_668 = arith.index_cast %add3A_656 : i32 to index
          %get3A_669 = arith.constant 0 : index
          %get3A_670 = tpu.vector_load %arg19[%get3A_668, %get3A_669] {strides = array<i32>} : memref<64x128xf32, #tpu.memory_space<vmem>>, vector<16xf32>,
          %get3A_671 = arith.index_cast %add3A_656 : i32 to index
          %get3A_672 = arith.constant 0 : index
          %get3A_673 = tpu.vector_load %arg20[%get3A_671, %get3A_672] {strides = array<i32>} : memref<64x256xi32, #tpu.memory_space<vmem>>, vector<16xi32>,
          %bitcast3A_674 = vector.bitcast %get3A_673 : vector<16xi32> to vector<32xbf16>
          %unpack3A_675 = tpu.unpack_subelements %bitcast3A_674, 0 {pack_format = #tpu.pack_format<interleaved>} : vector<32xbf16> -> vector<16xf32>
          %unpack3A_676 = tpu.unpack_subelements %bitcast3A_674, 1 {pack_format = #tpu.pack_format<interleaved>} : vector<32xbf16> -> vector<16xf32>
          %get3A_677 = arith.index_cast %add3A_656 : i32 to index
          %get3A_678 = arith.constant 128 : index
          %get3A_679 = tpu.vector_load %arg20[%get3A_677, %get3A_678] {strides = array<i32>} : memref<64x256xi32, #tpu.memory_space<vmem>>, vector<16xi32>,
          %bitcast3A_680 = vector.bitcast %get3A_679 : vector<16xi32> to vector<32xbf16>
          %unpack3A_681 = tpu.unpack_subelements %bitcast3A_680, 0 {pack_format = #tpu.pack_format<interleaved>} : vector<32xbf16> -> vector<16xf32>
          %unpack3A_682 = tpu.unpack_subelements %bitcast3A_680, 1 {pack_format = #tpu.pack_format<interleaved>} : vector<32xbf16> -> vector<16xf32>
          %get3A_683 = arith.index_cast %add3A_656 : i32 to index
          %get3A_684 = arith.constant 0 : index
          %get3A_685 = tpu.vector_load %arg21[%get3A_683, %get3A_684] {strides = array<i32>} : memref<64x128xi32, #tpu.memory_space<vmem>>, vector<16xi32>,
          %bitcast3A_686 = vector.bitcast %get3A_685 : vector<16xi32> to vector<32xbf16>
          %unpack3A_687 = tpu.unpack_subelements %bitcast3A_686, 0 {pack_format = #tpu.pack_format<interleaved>} : vector<32xbf16> -> vector<16xf32>
          %unpack3A_688 = tpu.unpack_subelements %bitcast3A_686, 1 {pack_format = #tpu.pack_format<interleaved>} : vector<32xbf16> -> vector<16xf32>
          %mul3A_689 = arith.mulf %unpack3A_675, %unpack3A_687 : vector<16xf32>
          %mul3A_690 = arith.mulf %unpack3A_676, %unpack3A_688 : vector<16xf32>
          %sub3A_691 = arith.subf %mul3A_689, %mul3A_690 : vector<16xf32>
          %add3A_692 = arith.addf %sub3A_691, %unpack3A_681 : vector<16xf32>
          %mul3A_693 = arith.mulf %unpack3A_675, %unpack3A_688 : vector<16xf32>
          %mul3A_694 = arith.mulf %unpack3A_676, %unpack3A_687 : vector<16xf32>
          %add3A_695 = arith.addf %mul3A_693, %mul3A_694 : vector<16xf32>
          %add3A_696 = arith.addf %add3A_695, %unpack3A_682 : vector<16xf32>
          %mul3A_697 = arith.mulf %get3A_661, %get3A_667 : vector<16xf32>
          %mul3A_698 = arith.mulf %get3A_664, %get3A_670 : vector<16xf32>
          %add3A_699 = arith.addf %mul3A_697, %mul3A_698 : vector<16xf32>
          %mul3A_700 = arith.mulf %get3A_661, %get3A_670 : vector<16xf32>
          %mul3A_701 = arith.mulf %get3A_664, %get3A_667 : vector<16xf32>
          %sub3A_702 = arith.subf %mul3A_700, %mul3A_701 : vector<16xf32>
          %mul3A_703 = arith.mulf %add3A_699, %add3A_692 : vector<16xf32>
          %add3A_704 = arith.addf %broadcast_in_dim3A_658, %mul3A_703 : vector<16xf32>
          %mul3A_705 = arith.mulf %sub3A_702, %add3A_696 : vector<16xf32>
          %add3A_706 = arith.addf %add3A_704, %mul3A_705 : vector<16xf32>
          %get3A_707 = arith.index_cast %add3A_656 : i32 to index
          %get3A_708 = arith.constant 16 : index
          %get3A_709 = tpu.vector_load %arg16[%get3A_707, %get3A_708] {strides = array<i32>} : memref<64x128xf32, #tpu.memory_space<vmem>>, vector<16xf32>,
          %get3A_710 = arith.index_cast %add3A_656 : i32 to index
          %get3A_711 = arith.constant 16 : index
          %get3A_712 = tpu.vector_load %arg17[%get3A_710, %get3A_711] {strides = array<i32>} : memref<64x128xf32, #tpu.memory_space<vmem>>, vector<16xf32>,
          %get3A_713 = arith.index_cast %add3A_656 : i32 to index
          %get3A_714 = arith.constant 16 : index
          %get3A_715 = tpu.vector_load %arg18[%get3A_713, %get3A_714] {strides = array<i32>} : memref<64x128xf32, #tpu.memory_space<vmem>>, vector<16xf32>,
          %get3A_716 = arith.index_cast %add3A_656 : i32 to index
          %get3A_717 = arith.constant 16 : index
          %get3A_718 = tpu.vector_load %arg19[%get3A_716, %get3A_717] {strides = array<i32>} : memref<64x128xf32, #tpu.memory_space<vmem>>, vector<16xf32>,
          %get3A_719 = arith.index_cast %add3A_656 : i32 to index
          %get3A_720 = arith.constant 16 : index
          %get3A_721 = tpu.vector_load %arg20[%get3A_719, %get3A_720] {strides = array<i32>} : memref<64x256xi32, #tpu.memory_space<vmem>>, vector<16xi32>,
          %bitcast3A_722 = vector.bitcast %get3A_721 : vector<16xi32> to vector<32xbf16>
          %unpack3A_723 = tpu.unpack_subelements %bitcast3A_722, 0 {pack_format = #tpu.pack_format<interleaved>} : vector<32xbf16> -> vector<16xf32>
          %unpack3A_724 = tpu.unpack_subelements %bitcast3A_722, 1 {pack_format = #tpu.pack_format<interleaved>} : vector<32xbf16> -> vector<16xf32>
          %get3A_725 = arith.index_cast %add3A_656 : i32 to index
          %get3A_726 = arith.constant 144 : index
          %get3A_727 = tpu.vector_load %arg20[%get3A_725, %get3A_726] {strides = array<i32>} : memref<64x256xi32, #tpu.memory_space<vmem>>, vector<16xi32>,
          %bitcast3A_728 = vector.bitcast %get3A_727 : vector<16xi32> to vector<32xbf16>
          %unpack3A_729 = tpu.unpack_subelements %bitcast3A_728, 0 {pack_format = #tpu.pack_format<interleaved>} : vector<32xbf16> -> vector<16xf32>
          %unpack3A_730 = tpu.unpack_subelements %bitcast3A_728, 1 {pack_format = #tpu.pack_format<interleaved>} : vector<32xbf16> -> vector<16xf32>
          %get3A_731 = arith.index_cast %add3A_656 : i32 to index
          %get3A_732 = arith.constant 16 : index
          %get3A_733 = tpu.vector_load %arg21[%get3A_731, %get3A_732] {strides = array<i32>} : memref<64x128xi32, #tpu.memory_space<vmem>>, vector<16xi32>,
          %bitcast3A_734 = vector.bitcast %get3A_733 : vector<16xi32> to vector<32xbf16>
          %unpack3A_735 = tpu.unpack_subelements %bitcast3A_734, 0 {pack_format = #tpu.pack_format<interleaved>} : vector<32xbf16> -> vector<16xf32>
          %unpack3A_736 = tpu.unpack_subelements %bitcast3A_734, 1 {pack_format = #tpu.pack_format<interleaved>} : vector<32xbf16> -> vector<16xf32>
          %mul3A_737 = arith.mulf %unpack3A_723, %unpack3A_735 : vector<16xf32>
          %mul3A_738 = arith.mulf %unpack3A_724, %unpack3A_736 : vector<16xf32>
          %sub3A_739 = arith.subf %mul3A_737, %mul3A_738 : vector<16xf32>
          %add3A_740 = arith.addf %sub3A_739, %unpack3A_729 : vector<16xf32>
          %mul3A_741 = arith.mulf %unpack3A_723, %unpack3A_736 : vector<16xf32>
          %mul3A_742 = arith.mulf %unpack3A_724, %unpack3A_735 : vector<16xf32>
          %add3A_743 = arith.addf %mul3A_741, %mul3A_742 : vector<16xf32>
          %add3A_744 = arith.addf %add3A_743, %unpack3A_730 : vector<16xf32>
          %mul3A_745 = arith.mulf %get3A_709, %get3A_715 : vector<16xf32>
          %mul3A_746 = arith.mulf %get3A_712, %get3A_718 : vector<16xf32>
          %add3A_747 = arith.addf %mul3A_745, %mul3A_746 : vector<16xf32>
          %mul3A_748 = arith.mulf %get3A_709, %get3A_718 : vector<16xf32>
          %mul3A_749 = arith.mulf %get3A_712, %get3A_715 : vector<16xf32>
          %sub3A_750 = arith.subf %mul3A_748, %mul3A_749 : vector<16xf32>
          %mul3A_751 = arith.mulf %add3A_747, %add3A_740 : vector<16xf32>
          %add3A_752 = arith.addf %add3A_706, %mul3A_751 : vector<16xf32>
          %mul3A_753 = arith.mulf %sub3A_750, %add3A_744 : vector<16xf32>
          %add3A_754 = arith.addf %add3A_752, %mul3A_753 : vector<16xf32>
          %get3A_755 = arith.index_cast %add3A_656 : i32 to index
          %get3A_756 = arith.constant 32 : index
          %get3A_757 = tpu.vector_load %arg16[%get3A_755, %get3A_756] {strides = array<i32>} : memref<64x128xf32, #tpu.memory_space<vmem>>, vector<16xf32>,
          %get3A_758 = arith.index_cast %add3A_656 : i32 to index
          %get3A_759 = arith.constant 32 : index
          %get3A_760 = tpu.vector_load %arg17[%get3A_758, %get3A_759] {strides = array<i32>} : memref<64x128xf32, #tpu.memory_space<vmem>>, vector<16xf32>,
          %get3A_761 = arith.index_cast %add3A_656 : i32 to index
          %get3A_762 = arith.constant 32 : index
          %get3A_763 = tpu.vector_load %arg18[%get3A_761, %get3A_762] {strides = array<i32>} : memref<64x128xf32, #tpu.memory_space<vmem>>, vector<16xf32>,
          %get3A_764 = arith.index_cast %add3A_656 : i32 to index
          %get3A_765 = arith.constant 32 : index
          %get3A_766 = tpu.vector_load %arg19[%get3A_764, %get3A_765] {strides = array<i32>} : memref<64x128xf32, #tpu.memory_space<vmem>>, vector<16xf32>,
          %get3A_767 = arith.index_cast %add3A_656 : i32 to index
          %get3A_768 = arith.constant 32 : index
          %get3A_769 = tpu.vector_load %arg20[%get3A_767, %get3A_768] {strides = array<i32>} : memref<64x256xi32, #tpu.memory_space<vmem>>, vector<16xi32>,
          %bitcast3A_770 = vector.bitcast %get3A_769 : vector<16xi32> to vector<32xbf16>
          %unpack3A_771 = tpu.unpack_subelements %bitcast3A_770, 0 {pack_format = #tpu.pack_format<interleaved>} : vector<32xbf16> -> vector<16xf32>
          %unpack3A_772 = tpu.unpack_subelements %bitcast3A_770, 1 {pack_format = #tpu.pack_format<interleaved>} : vector<32xbf16> -> vector<16xf32>
          %get3A_773 = arith.index_cast %add3A_656 : i32 to index
          %get3A_774 = arith.constant 160 : index
          %get3A_775 = tpu.vector_load %arg20[%get3A_773, %get3A_774] {strides = array<i32>} : memref<64x256xi32, #tpu.memory_space<vmem>>, vector<16xi32>,
          %bitcast3A_776 = vector.bitcast %get3A_775 : vector<16xi32> to vector<32xbf16>
          %unpack3A_777 = tpu.unpack_subelements %bitcast3A_776, 0 {pack_format = #tpu.pack_format<interleaved>} : vector<32xbf16> -> vector<16xf32>
          %unpack3A_778 = tpu.unpack_subelements %bitcast3A_776, 1 {pack_format = #tpu.pack_format<interleaved>} : vector<32xbf16> -> vector<16xf32>
          %get3A_779 = arith.index_cast %add3A_656 : i32 to index
          %get3A_780 = arith.constant 32 : index
          %get3A_781 = tpu.vector_load %arg21[%get3A_779, %get3A_780] {strides = array<i32>} : memref<64x128xi32, #tpu.memory_space<vmem>>, vector<16xi32>,
          %bitcast3A_782 = vector.bitcast %get3A_781 : vector<16xi32> to vector<32xbf16>
          %unpack3A_783 = tpu.unpack_subelements %bitcast3A_782, 0 {pack_format = #tpu.pack_format<interleaved>} : vector<32xbf16> -> vector<16xf32>
          %unpack3A_784 = tpu.unpack_subelements %bitcast3A_782, 1 {pack_format = #tpu.pack_format<interleaved>} : vector<32xbf16> -> vector<16xf32>
          %mul3A_785 = arith.mulf %unpack3A_771, %unpack3A_783 : vector<16xf32>
          %mul3A_786 = arith.mulf %unpack3A_772, %unpack3A_784 : vector<16xf32>
          %sub3A_787 = arith.subf %mul3A_785, %mul3A_786 : vector<16xf32>
          %add3A_788 = arith.addf %sub3A_787, %unpack3A_777 : vector<16xf32>
          %mul3A_789 = arith.mulf %unpack3A_771, %unpack3A_784 : vector<16xf32>
          %mul3A_790 = arith.mulf %unpack3A_772, %unpack3A_783 : vector<16xf32>
          %add3A_791 = arith.addf %mul3A_789, %mul3A_790 : vector<16xf32>
          %add3A_792 = arith.addf %add3A_791, %unpack3A_778 : vector<16xf32>
          %mul3A_793 = arith.mulf %get3A_757, %get3A_763 : vector<16xf32>
          %mul3A_794 = arith.mulf %get3A_760, %get3A_766 : vector<16xf32>
          %add3A_795 = arith.addf %mul3A_793, %mul3A_794 : vector<16xf32>
          %mul3A_796 = arith.mulf %get3A_757, %get3A_766 : vector<16xf32>
          %mul3A_797 = arith.mulf %get3A_760, %get3A_763 : vector<16xf32>
          %sub3A_798 = arith.subf %mul3A_796, %mul3A_797 : vector<16xf32>
          %mul3A_799 = arith.mulf %add3A_795, %add3A_788 : vector<16xf32>
          %add3A_800 = arith.addf %add3A_754, %mul3A_799 : vector<16xf32>
          %mul3A_801 = arith.mulf %sub3A_798, %add3A_792 : vector<16xf32>
          %add3A_802 = arith.addf %add3A_800, %mul3A_801 : vector<16xf32>
          %get3A_803 = arith.index_cast %add3A_656 : i32 to index
          %get3A_804 = arith.constant 48 : index
          %get3A_805 = tpu.vector_load %arg16[%get3A_803, %get3A_804] {strides = array<i32>} : memref<64x128xf32, #tpu.memory_space<vmem>>, vector<16xf32>,
          %get3A_806 = arith.index_cast %add3A_656 : i32 to index
          %get3A_807 = arith.constant 48 : index
          %get3A_808 = tpu.vector_load %arg17[%get3A_806, %get3A_807] {strides = array<i32>} : memref<64x128xf32, #tpu.memory_space<vmem>>, vector<16xf32>,
          %get3A_809 = arith.index_cast %add3A_656 : i32 to index
          %get3A_810 = arith.constant 48 : index
          %get3A_811 = tpu.vector_load %arg18[%get3A_809, %get3A_810] {strides = array<i32>} : memref<64x128xf32, #tpu.memory_space<vmem>>, vector<16xf32>,
          %get3A_812 = arith.index_cast %add3A_656 : i32 to index
          %get3A_813 = arith.constant 48 : index
          %get3A_814 = tpu.vector_load %arg19[%get3A_812, %get3A_813] {strides = array<i32>} : memref<64x128xf32, #tpu.memory_space<vmem>>, vector<16xf32>,
          %get3A_815 = arith.index_cast %add3A_656 : i32 to index
          %get3A_816 = arith.constant 48 : index
          %get3A_817 = tpu.vector_load %arg20[%get3A_815, %get3A_816] {strides = array<i32>} : memref<64x256xi32, #tpu.memory_space<vmem>>, vector<16xi32>,
          %bitcast3A_818 = vector.bitcast %get3A_817 : vector<16xi32> to vector<32xbf16>
          %unpack3A_819 = tpu.unpack_subelements %bitcast3A_818, 0 {pack_format = #tpu.pack_format<interleaved>} : vector<32xbf16> -> vector<16xf32>
          %unpack3A_820 = tpu.unpack_subelements %bitcast3A_818, 1 {pack_format = #tpu.pack_format<interleaved>} : vector<32xbf16> -> vector<16xf32>
          %get3A_821 = arith.index_cast %add3A_656 : i32 to index
          %get3A_822 = arith.constant 176 : index
          %get3A_823 = tpu.vector_load %arg20[%get3A_821, %get3A_822] {strides = array<i32>} : memref<64x256xi32, #tpu.memory_space<vmem>>, vector<16xi32>,
          %bitcast3A_824 = vector.bitcast %get3A_823 : vector<16xi32> to vector<32xbf16>
          %unpack3A_825 = tpu.unpack_subelements %bitcast3A_824, 0 {pack_format = #tpu.pack_format<interleaved>} : vector<32xbf16> -> vector<16xf32>
          %unpack3A_826 = tpu.unpack_subelements %bitcast3A_824, 1 {pack_format = #tpu.pack_format<interleaved>} : vector<32xbf16> -> vector<16xf32>
          %get3A_827 = arith.index_cast %add3A_656 : i32 to index
          %get3A_828 = arith.constant 48 : index
          %get3A_829 = tpu.vector_load %arg21[%get3A_827, %get3A_828] {strides = array<i32>} : memref<64x128xi32, #tpu.memory_space<vmem>>, vector<16xi32>,
          %bitcast3A_830 = vector.bitcast %get3A_829 : vector<16xi32> to vector<32xbf16>
          %unpack3A_831 = tpu.unpack_subelements %bitcast3A_830, 0 {pack_format = #tpu.pack_format<interleaved>} : vector<32xbf16> -> vector<16xf32>
          %unpack3A_832 = tpu.unpack_subelements %bitcast3A_830, 1 {pack_format = #tpu.pack_format<interleaved>} : vector<32xbf16> -> vector<16xf32>
          %mul3A_833 = arith.mulf %unpack3A_819, %unpack3A_831 : vector<16xf32>
          %mul3A_834 = arith.mulf %unpack3A_820, %unpack3A_832 : vector<16xf32>
          %sub3A_835 = arith.subf %mul3A_833, %mul3A_834 : vector<16xf32>
          %add3A_836 = arith.addf %sub3A_835, %unpack3A_825 : vector<16xf32>
          %mul3A_837 = arith.mulf %unpack3A_819, %unpack3A_832 : vector<16xf32>
          %mul3A_838 = arith.mulf %unpack3A_820, %unpack3A_831 : vector<16xf32>
          %add3A_839 = arith.addf %mul3A_837, %mul3A_838 : vector<16xf32>
          %add3A_840 = arith.addf %add3A_839, %unpack3A_826 : vector<16xf32>
          %mul3A_841 = arith.mulf %get3A_805, %get3A_811 : vector<16xf32>
          %mul3A_842 = arith.mulf %get3A_808, %get3A_814 : vector<16xf32>
          %add3A_843 = arith.addf %mul3A_841, %mul3A_842 : vector<16xf32>
          %mul3A_844 = arith.mulf %get3A_805, %get3A_814 : vector<16xf32>
          %mul3A_845 = arith.mulf %get3A_808, %get3A_811 : vector<16xf32>
          %sub3A_846 = arith.subf %mul3A_844, %mul3A_845 : vector<16xf32>
          %mul3A_847 = arith.mulf %add3A_843, %add3A_836 : vector<16xf32>
          %add3A_848 = arith.addf %add3A_802, %mul3A_847 : vector<16xf32>
          %mul3A_849 = arith.mulf %sub3A_846, %add3A_840 : vector<16xf32>
          %add3A_850 = arith.addf %add3A_848, %mul3A_849 : vector<16xf32>
          %get3A_851 = arith.index_cast %add3A_656 : i32 to index
          %get3A_852 = arith.constant 64 : index
          %get3A_853 = tpu.vector_load %arg16[%get3A_851, %get3A_852] {strides = array<i32>} : memref<64x128xf32, #tpu.memory_space<vmem>>, vector<16xf32>,
          %get3A_854 = arith.index_cast %add3A_656 : i32 to index
          %get3A_855 = arith.constant 64 : index
          %get3A_856 = tpu.vector_load %arg17[%get3A_854, %get3A_855] {strides = array<i32>} : memref<64x128xf32, #tpu.memory_space<vmem>>, vector<16xf32>,
          %get3A_857 = arith.index_cast %add3A_656 : i32 to index
          %get3A_858 = arith.constant 64 : index
          %get3A_859 = tpu.vector_load %arg18[%get3A_857, %get3A_858] {strides = array<i32>} : memref<64x128xf32, #tpu.memory_space<vmem>>, vector<16xf32>,
          %get3A_860 = arith.index_cast %add3A_656 : i32 to index
          %get3A_861 = arith.constant 64 : index
          %get3A_862 = tpu.vector_load %arg19[%get3A_860, %get3A_861] {strides = array<i32>} : memref<64x128xf32, #tpu.memory_space<vmem>>, vector<16xf32>,
          %get3A_863 = arith.index_cast %add3A_656 : i32 to index
          %get3A_864 = arith.constant 64 : index
          %get3A_865 = tpu.vector_load %arg20[%get3A_863, %get3A_864] {strides = array<i32>} : memref<64x256xi32, #tpu.memory_space<vmem>>, vector<16xi32>,
          %bitcast3A_866 = vector.bitcast %get3A_865 : vector<16xi32> to vector<32xbf16>
          %unpack3A_867 = tpu.unpack_subelements %bitcast3A_866, 0 {pack_format = #tpu.pack_format<interleaved>} : vector<32xbf16> -> vector<16xf32>
          %unpack3A_868 = tpu.unpack_subelements %bitcast3A_866, 1 {pack_format = #tpu.pack_format<interleaved>} : vector<32xbf16> -> vector<16xf32>
          %get3A_869 = arith.index_cast %add3A_656 : i32 to index
          %get3A_870 = arith.constant 192 : index
          %get3A_871 = tpu.vector_load %arg20[%get3A_869, %get3A_870] {strides = array<i32>} : memref<64x256xi32, #tpu.memory_space<vmem>>, vector<16xi32>,
          %bitcast3A_872 = vector.bitcast %get3A_871 : vector<16xi32> to vector<32xbf16>
          %unpack3A_873 = tpu.unpack_subelements %bitcast3A_872, 0 {pack_format = #tpu.pack_format<interleaved>} : vector<32xbf16> -> vector<16xf32>
          %unpack3A_874 = tpu.unpack_subelements %bitcast3A_872, 1 {pack_format = #tpu.pack_format<interleaved>} : vector<32xbf16> -> vector<16xf32>
          %get3A_875 = arith.index_cast %add3A_656 : i32 to index
          %get3A_876 = arith.constant 64 : index
          %get3A_877 = tpu.vector_load %arg21[%get3A_875, %get3A_876] {strides = array<i32>} : memref<64x128xi32, #tpu.memory_space<vmem>>, vector<16xi32>,
          %bitcast3A_878 = vector.bitcast %get3A_877 : vector<16xi32> to vector<32xbf16>
          %unpack3A_879 = tpu.unpack_subelements %bitcast3A_878, 0 {pack_format = #tpu.pack_format<interleaved>} : vector<32xbf16> -> vector<16xf32>
          %unpack3A_880 = tpu.unpack_subelements %bitcast3A_878, 1 {pack_format = #tpu.pack_format<interleaved>} : vector<32xbf16> -> vector<16xf32>
          %mul3A_881 = arith.mulf %unpack3A_867, %unpack3A_879 : vector<16xf32>
          %mul3A_882 = arith.mulf %unpack3A_868, %unpack3A_880 : vector<16xf32>
          %sub3A_883 = arith.subf %mul3A_881, %mul3A_882 : vector<16xf32>
          %add3A_884 = arith.addf %sub3A_883, %unpack3A_873 : vector<16xf32>
          %mul3A_885 = arith.mulf %unpack3A_867, %unpack3A_880 : vector<16xf32>
          %mul3A_886 = arith.mulf %unpack3A_868, %unpack3A_879 : vector<16xf32>
          %add3A_887 = arith.addf %mul3A_885, %mul3A_886 : vector<16xf32>
          %add3A_888 = arith.addf %add3A_887, %unpack3A_874 : vector<16xf32>
          %mul3A_889 = arith.mulf %get3A_853, %get3A_859 : vector<16xf32>
          %mul3A_890 = arith.mulf %get3A_856, %get3A_862 : vector<16xf32>
          %add3A_891 = arith.addf %mul3A_889, %mul3A_890 : vector<16xf32>
          %mul3A_892 = arith.mulf %get3A_853, %get3A_862 : vector<16xf32>
          %mul3A_893 = arith.mulf %get3A_856, %get3A_859 : vector<16xf32>
          %sub3A_894 = arith.subf %mul3A_892, %mul3A_893 : vector<16xf32>
          %mul3A_895 = arith.mulf %add3A_891, %add3A_884 : vector<16xf32>
          %add3A_896 = arith.addf %add3A_850, %mul3A_895 : vector<16xf32>
          %mul3A_897 = arith.mulf %sub3A_894, %add3A_888 : vector<16xf32>
          %add3A_898 = arith.addf %add3A_896, %mul3A_897 : vector<16xf32>
          %get3A_899 = arith.index_cast %add3A_656 : i32 to index
          %get3A_900 = arith.constant 80 : index
          %get3A_901 = tpu.vector_load %arg16[%get3A_899, %get3A_900] {strides = array<i32>} : memref<64x128xf32, #tpu.memory_space<vmem>>, vector<16xf32>,
          %get3A_902 = arith.index_cast %add3A_656 : i32 to index
          %get3A_903 = arith.constant 80 : index
          %get3A_904 = tpu.vector_load %arg17[%get3A_902, %get3A_903] {strides = array<i32>} : memref<64x128xf32, #tpu.memory_space<vmem>>, vector<16xf32>,
          %get3A_905 = arith.index_cast %add3A_656 : i32 to index
          %get3A_906 = arith.constant 80 : index
          %get3A_907 = tpu.vector_load %arg18[%get3A_905, %get3A_906] {strides = array<i32>} : memref<64x128xf32, #tpu.memory_space<vmem>>, vector<16xf32>,
          %get3A_908 = arith.index_cast %add3A_656 : i32 to index
          %get3A_909 = arith.constant 80 : index
          %get3A_910 = tpu.vector_load %arg19[%get3A_908, %get3A_909] {strides = array<i32>} : memref<64x128xf32, #tpu.memory_space<vmem>>, vector<16xf32>,
          %get3A_911 = arith.index_cast %add3A_656 : i32 to index
          %get3A_912 = arith.constant 80 : index
          %get3A_913 = tpu.vector_load %arg20[%get3A_911, %get3A_912] {strides = array<i32>} : memref<64x256xi32, #tpu.memory_space<vmem>>, vector<16xi32>,
          %bitcast3A_914 = vector.bitcast %get3A_913 : vector<16xi32> to vector<32xbf16>
          %unpack3A_915 = tpu.unpack_subelements %bitcast3A_914, 0 {pack_format = #tpu.pack_format<interleaved>} : vector<32xbf16> -> vector<16xf32>
          %unpack3A_916 = tpu.unpack_subelements %bitcast3A_914, 1 {pack_format = #tpu.pack_format<interleaved>} : vector<32xbf16> -> vector<16xf32>
          %get3A_917 = arith.index_cast %add3A_656 : i32 to index
          %get3A_918 = arith.constant 208 : index
          %get3A_919 = tpu.vector_load %arg20[%get3A_917, %get3A_918] {strides = array<i32>} : memref<64x256xi32, #tpu.memory_space<vmem>>, vector<16xi32>,
          %bitcast3A_920 = vector.bitcast %get3A_919 : vector<16xi32> to vector<32xbf16>
          %unpack3A_921 = tpu.unpack_subelements %bitcast3A_920, 0 {pack_format = #tpu.pack_format<interleaved>} : vector<32xbf16> -> vector<16xf32>
          %unpack3A_922 = tpu.unpack_subelements %bitcast3A_920, 1 {pack_format = #tpu.pack_format<interleaved>} : vector<32xbf16> -> vector<16xf32>
          %get3A_923 = arith.index_cast %add3A_656 : i32 to index
          %get3A_924 = arith.constant 80 : index
          %get3A_925 = tpu.vector_load %arg21[%get3A_923, %get3A_924] {strides = array<i32>} : memref<64x128xi32, #tpu.memory_space<vmem>>, vector<16xi32>,
          %bitcast3A_926 = vector.bitcast %get3A_925 : vector<16xi32> to vector<32xbf16>
          %unpack3A_927 = tpu.unpack_subelements %bitcast3A_926, 0 {pack_format = #tpu.pack_format<interleaved>} : vector<32xbf16> -> vector<16xf32>
          %unpack3A_928 = tpu.unpack_subelements %bitcast3A_926, 1 {pack_format = #tpu.pack_format<interleaved>} : vector<32xbf16> -> vector<16xf32>
          %mul3A_929 = arith.mulf %unpack3A_915, %unpack3A_927 : vector<16xf32>
          %mul3A_930 = arith.mulf %unpack3A_916, %unpack3A_928 : vector<16xf32>
          %sub3A_931 = arith.subf %mul3A_929, %mul3A_930 : vector<16xf32>
          %add3A_932 = arith.addf %sub3A_931, %unpack3A_921 : vector<16xf32>
          %mul3A_933 = arith.mulf %unpack3A_915, %unpack3A_928 : vector<16xf32>
          %mul3A_934 = arith.mulf %unpack3A_916, %unpack3A_927 : vector<16xf32>
          %add3A_935 = arith.addf %mul3A_933, %mul3A_934 : vector<16xf32>
          %add3A_936 = arith.addf %add3A_935, %unpack3A_922 : vector<16xf32>
          %mul3A_937 = arith.mulf %get3A_901, %get3A_907 : vector<16xf32>
          %mul3A_938 = arith.mulf %get3A_904, %get3A_910 : vector<16xf32>
          %add3A_939 = arith.addf %mul3A_937, %mul3A_938 : vector<16xf32>
          %mul3A_940 = arith.mulf %get3A_901, %get3A_910 : vector<16xf32>
          %mul3A_941 = arith.mulf %get3A_904, %get3A_907 : vector<16xf32>
          %sub3A_942 = arith.subf %mul3A_940, %mul3A_941 : vector<16xf32>
          %mul3A_943 = arith.mulf %add3A_939, %add3A_932 : vector<16xf32>
          %add3A_944 = arith.addf %add3A_898, %mul3A_943 : vector<16xf32>
          %mul3A_945 = arith.mulf %sub3A_942, %add3A_936 : vector<16xf32>
          %add3A_946 = arith.addf %add3A_944, %mul3A_945 : vector<16xf32>
          %get3A_947 = arith.index_cast %add3A_656 : i32 to index
          %get3A_948 = arith.constant 96 : index
          %get3A_949 = tpu.vector_load %arg16[%get3A_947, %get3A_948] {strides = array<i32>} : memref<64x128xf32, #tpu.memory_space<vmem>>, vector<16xf32>,
          %get3A_950 = arith.index_cast %add3A_656 : i32 to index
          %get3A_951 = arith.constant 96 : index
          %get3A_952 = tpu.vector_load %arg17[%get3A_950, %get3A_951] {strides = array<i32>} : memref<64x128xf32, #tpu.memory_space<vmem>>, vector<16xf32>,
          %get3A_953 = arith.index_cast %add3A_656 : i32 to index
          %get3A_954 = arith.constant 96 : index
          %get3A_955 = tpu.vector_load %arg18[%get3A_953, %get3A_954] {strides = array<i32>} : memref<64x128xf32, #tpu.memory_space<vmem>>, vector<16xf32>,
          %get3A_956 = arith.index_cast %add3A_656 : i32 to index
          %get3A_957 = arith.constant 96 : index
          %get3A_958 = tpu.vector_load %arg19[%get3A_956, %get3A_957] {strides = array<i32>} : memref<64x128xf32, #tpu.memory_space<vmem>>, vector<16xf32>,
          %get3A_959 = arith.index_cast %add3A_656 : i32 to index
          %get3A_960 = arith.constant 96 : index
          %get3A_961 = tpu.vector_load %arg20[%get3A_959, %get3A_960] {strides = array<i32>} : memref<64x256xi32, #tpu.memory_space<vmem>>, vector<16xi32>,
          %bitcast3A_962 = vector.bitcast %get3A_961 : vector<16xi32> to vector<32xbf16>
          %unpack3A_963 = tpu.unpack_subelements %bitcast3A_962, 0 {pack_format = #tpu.pack_format<interleaved>} : vector<32xbf16> -> vector<16xf32>
          %unpack3A_964 = tpu.unpack_subelements %bitcast3A_962, 1 {pack_format = #tpu.pack_format<interleaved>} : vector<32xbf16> -> vector<16xf32>
          %get3A_965 = arith.index_cast %add3A_656 : i32 to index
          %get3A_966 = arith.constant 224 : index
          %get3A_967 = tpu.vector_load %arg20[%get3A_965, %get3A_966] {strides = array<i32>} : memref<64x256xi32, #tpu.memory_space<vmem>>, vector<16xi32>,
          %bitcast3A_968 = vector.bitcast %get3A_967 : vector<16xi32> to vector<32xbf16>
          %unpack3A_969 = tpu.unpack_subelements %bitcast3A_968, 0 {pack_format = #tpu.pack_format<interleaved>} : vector<32xbf16> -> vector<16xf32>
          %unpack3A_970 = tpu.unpack_subelements %bitcast3A_968, 1 {pack_format = #tpu.pack_format<interleaved>} : vector<32xbf16> -> vector<16xf32>
          %get3A_971 = arith.index_cast %add3A_656 : i32 to index
          %get3A_972 = arith.constant 96 : index
          %get3A_973 = tpu.vector_load %arg21[%get3A_971, %get3A_972] {strides = array<i32>} : memref<64x128xi32, #tpu.memory_space<vmem>>, vector<16xi32>,
          %bitcast3A_974 = vector.bitcast %get3A_973 : vector<16xi32> to vector<32xbf16>
          %unpack3A_975 = tpu.unpack_subelements %bitcast3A_974, 0 {pack_format = #tpu.pack_format<interleaved>} : vector<32xbf16> -> vector<16xf32>
          %unpack3A_976 = tpu.unpack_subelements %bitcast3A_974, 1 {pack_format = #tpu.pack_format<interleaved>} : vector<32xbf16> -> vector<16xf32>
          %mul3A_977 = arith.mulf %unpack3A_963, %unpack3A_975 : vector<16xf32>
          %mul3A_978 = arith.mulf %unpack3A_964, %unpack3A_976 : vector<16xf32>
          %sub3A_979 = arith.subf %mul3A_977, %mul3A_978 : vector<16xf32>
          %add3A_980 = arith.addf %sub3A_979, %unpack3A_969 : vector<16xf32>
          %mul3A_981 = arith.mulf %unpack3A_963, %unpack3A_976 : vector<16xf32>
          %mul3A_982 = arith.mulf %unpack3A_964, %unpack3A_975 : vector<16xf32>
          %add3A_983 = arith.addf %mul3A_981, %mul3A_982 : vector<16xf32>
          %add3A_984 = arith.addf %add3A_983, %unpack3A_970 : vector<16xf32>
          %mul3A_985 = arith.mulf %get3A_949, %get3A_955 : vector<16xf32>
          %mul3A_986 = arith.mulf %get3A_952, %get3A_958 : vector<16xf32>
          %add3A_987 = arith.addf %mul3A_985, %mul3A_986 : vector<16xf32>
          %mul3A_988 = arith.mulf %get3A_949, %get3A_958 : vector<16xf32>
          %mul3A_989 = arith.mulf %get3A_952, %get3A_955 : vector<16xf32>
          %sub3A_990 = arith.subf %mul3A_988, %mul3A_989 : vector<16xf32>
          %mul3A_991 = arith.mulf %add3A_987, %add3A_980 : vector<16xf32>
          %add3A_992 = arith.addf %add3A_946, %mul3A_991 : vector<16xf32>
          %mul3A_993 = arith.mulf %sub3A_990, %add3A_984 : vector<16xf32>
          %add3A_994 = arith.addf %add3A_992, %mul3A_993 : vector<16xf32>
          %get3A_995 = arith.index_cast %add3A_656 : i32 to index
          %get3A_996 = arith.constant 112 : index
          %get3A_997 = tpu.vector_load %arg16[%get3A_995, %get3A_996] {strides = array<i32>} : memref<64x128xf32, #tpu.memory_space<vmem>>, vector<16xf32>,
          %get3A_998 = arith.index_cast %add3A_656 : i32 to index
          %get3A_999 = arith.constant 112 : index
          %get3A_1000 = tpu.vector_load %arg17[%get3A_998, %get3A_999] {strides = array<i32>} : memref<64x128xf32, #tpu.memory_space<vmem>>, vector<16xf32>,
          %get3A_1001 = arith.index_cast %add3A_656 : i32 to index
          %get3A_1002 = arith.constant 112 : index
          %get3A_1003 = tpu.vector_load %arg18[%get3A_1001, %get3A_1002] {strides = array<i32>} : memref<64x128xf32, #tpu.memory_space<vmem>>, vector<16xf32>,
          %get3A_1004 = arith.index_cast %add3A_656 : i32 to index
          %get3A_1005 = arith.constant 112 : index
          %get3A_1006 = tpu.vector_load %arg19[%get3A_1004, %get3A_1005] {strides = array<i32>} : memref<64x128xf32, #tpu.memory_space<vmem>>, vector<16xf32>,
          %get3A_1007 = arith.index_cast %add3A_656 : i32 to index
          %get3A_1008 = arith.constant 112 : index
          %get3A_1009 = tpu.vector_load %arg20[%get3A_1007, %get3A_1008] {strides = array<i32>} : memref<64x256xi32, #tpu.memory_space<vmem>>, vector<16xi32>,
          %bitcast3A_1010 = vector.bitcast %get3A_1009 : vector<16xi32> to vector<32xbf16>
          %unpack3A_1011 = tpu.unpack_subelements %bitcast3A_1010, 0 {pack_format = #tpu.pack_format<interleaved>} : vector<32xbf16> -> vector<16xf32>
          %unpack3A_1012 = tpu.unpack_subelements %bitcast3A_1010, 1 {pack_format = #tpu.pack_format<interleaved>} : vector<32xbf16> -> vector<16xf32>
          %get3A_1013 = arith.index_cast %add3A_656 : i32 to index
          %get3A_1014 = arith.constant 240 : index
          %get3A_1015 = tpu.vector_load %arg20[%get3A_1013, %get3A_1014] {strides = array<i32>} : memref<64x256xi32, #tpu.memory_space<vmem>>, vector<16xi32>,
          %bitcast3A_1016 = vector.bitcast %get3A_1015 : vector<16xi32> to vector<32xbf16>
          %unpack3A_1017 = tpu.unpack_subelements %bitcast3A_1016, 0 {pack_format = #tpu.pack_format<interleaved>} : vector<32xbf16> -> vector<16xf32>
          %unpack3A_1018 = tpu.unpack_subelements %bitcast3A_1016, 1 {pack_format = #tpu.pack_format<interleaved>} : vector<32xbf16> -> vector<16xf32>
          %get3A_1019 = arith.index_cast %add3A_656 : i32 to index
          %get3A_1020 = arith.constant 112 : index
          %get3A_1021 = tpu.vector_load %arg21[%get3A_1019, %get3A_1020] {strides = array<i32>} : memref<64x128xi32, #tpu.memory_space<vmem>>, vector<16xi32>,
          %bitcast3A_1022 = vector.bitcast %get3A_1021 : vector<16xi32> to vector<32xbf16>
          %unpack3A_1023 = tpu.unpack_subelements %bitcast3A_1022, 0 {pack_format = #tpu.pack_format<interleaved>} : vector<32xbf16> -> vector<16xf32>
          %unpack3A_1024 = tpu.unpack_subelements %bitcast3A_1022, 1 {pack_format = #tpu.pack_format<interleaved>} : vector<32xbf16> -> vector<16xf32>
          %mul3A_1025 = arith.mulf %unpack3A_1011, %unpack3A_1023 : vector<16xf32>
          %mul3A_1026 = arith.mulf %unpack3A_1012, %unpack3A_1024 : vector<16xf32>
          %sub3A_1027 = arith.subf %mul3A_1025, %mul3A_1026 : vector<16xf32>
          %add3A_1028 = arith.addf %sub3A_1027, %unpack3A_1017 : vector<16xf32>
          %mul3A_1029 = arith.mulf %unpack3A_1011, %unpack3A_1024 : vector<16xf32>
          %mul3A_1030 = arith.mulf %unpack3A_1012, %unpack3A_1023 : vector<16xf32>
          %add3A_1031 = arith.addf %mul3A_1029, %mul3A_1030 : vector<16xf32>
          %add3A_1032 = arith.addf %add3A_1031, %unpack3A_1018 : vector<16xf32>
          %mul3A_1033 = arith.mulf %get3A_997, %get3A_1003 : vector<16xf32>
          %mul3A_1034 = arith.mulf %get3A_1000, %get3A_1006 : vector<16xf32>
          %add3A_1035 = arith.addf %mul3A_1033, %mul3A_1034 : vector<16xf32>
          %mul3A_1036 = arith.mulf %get3A_997, %get3A_1006 : vector<16xf32>
          %mul3A_1037 = arith.mulf %get3A_1000, %get3A_1003 : vector<16xf32>
          %sub3A_1038 = arith.subf %mul3A_1036, %mul3A_1037 : vector<16xf32>
          %mul3A_1039 = arith.mulf %add3A_1035, %add3A_1028 : vector<16xf32>
          %add3A_1040 = arith.addf %add3A_994, %mul3A_1039 : vector<16xf32>
          %mul3A_1041 = arith.mulf %sub3A_1038, %add3A_1032 : vector<16xf32>
          %add3A_1042 = arith.addf %add3A_1040, %mul3A_1041 : vector<16xf32>
          %swap3A_1043 = arith.index_cast %scan3A_655 : i32 to index
          %swap3A_1044 = arith.constant 0 : index
          %swap3A_1045 = tpu.vector_load %arg24[%swap3A_1043, %swap3A_1044] {strides = array<i32>} : memref<16x16xf32, #tpu.memory_space<vmem>>, vector<16xf32>,
          tpu.vector_store %arg24[%swap3A_1043, %swap3A_1044], %add3A_1042 {strides = array<i32>} : memref<16x16xf32, #tpu.memory_space<vmem>>, vector<16xf32>,
        }
        %scan3A_204 = arith.constant 16 : i32
        %broadcast_in_dim3A = arith.constant 0 : i32
        %broadcast_in_dim3A_205 = vector.broadcast %broadcast_in_dim3A : i32 to vector<16xi32>
        %gather3A = tpu.vector_load_idx %arg24[%iota3A_187, %broadcast_in_dim3A_205] : memref<16x16xf32, #tpu.memory_space<vmem>>[vector<16xi32>, vector<16xi32>], vector<16xf32>,
        %broadcast_in_dim3A_206 = arith.constant 1 : i32
        %broadcast_in_dim3A_207 = vector.broadcast %broadcast_in_dim3A_206 : i32 to vector<16xi32>
        %gather3A_208 = tpu.vector_load_idx %arg24[%iota3A_187, %broadcast_in_dim3A_207] : memref<16x16xf32, #tpu.memory_space<vmem>>[vector<16xi32>, vector<16xi32>], vector<16xf32>,
        %add3A_209 = arith.addf %gather3A, %gather3A_208 : vector<16xf32>
        %broadcast_in_dim3A_210 = arith.constant 2 : i32
        %broadcast_in_dim3A_211 = vector.broadcast %broadcast_in_dim3A_210 : i32 to vector<16xi32>
        %gather3A_212 = tpu.vector_load_idx %arg24[%iota3A_187, %broadcast_in_dim3A_211] : memref<16x16xf32, #tpu.memory_space<vmem>>[vector<16xi32>, vector<16xi32>], vector<16xf32>,
        %add3A_213 = arith.addf %add3A_209, %gather3A_212 : vector<16xf32>
        %broadcast_in_dim3A_214 = arith.constant 3 : i32
        %broadcast_in_dim3A_215 = vector.broadcast %broadcast_in_dim3A_214 : i32 to vector<16xi32>
        %gather3A_216 = tpu.vector_load_idx %arg24[%iota3A_187, %broadcast_in_dim3A_215] : memref<16x16xf32, #tpu.memory_space<vmem>>[vector<16xi32>, vector<16xi32>], vector<16xf32>,
        %add3A_217 = arith.addf %add3A_213, %gather3A_216 : vector<16xf32>
        %broadcast_in_dim3A_218 = arith.constant 4 : i32
        %broadcast_in_dim3A_219 = vector.broadcast %broadcast_in_dim3A_218 : i32 to vector<16xi32>
        %gather3A_220 = tpu.vector_load_idx %arg24[%iota3A_187, %broadcast_in_dim3A_219] : memref<16x16xf32, #tpu.memory_space<vmem>>[vector<16xi32>, vector<16xi32>], vector<16xf32>,
        %add3A_221 = arith.addf %add3A_217, %gather3A_220 : vector<16xf32>
        %broadcast_in_dim3A_222 = arith.constant 5 : i32
        %broadcast_in_dim3A_223 = vector.broadcast %broadcast_in_dim3A_222 : i32 to vector<16xi32>
        %gather3A_224 = tpu.vector_load_idx %arg24[%iota3A_187, %broadcast_in_dim3A_223] : memref<16x16xf32, #tpu.memory_space<vmem>>[vector<16xi32>, vector<16xi32>], vector<16xf32>,
        %add3A_225 = arith.addf %add3A_221, %gather3A_224 : vector<16xf32>
        %broadcast_in_dim3A_226 = arith.constant 6 : i32
        %broadcast_in_dim3A_227 = vector.broadcast %broadcast_in_dim3A_226 : i32 to vector<16xi32>
        %gather3A_228 = tpu.vector_load_idx %arg24[%iota3A_187, %broadcast_in_dim3A_227] : memref<16x16xf32, #tpu.memory_space<vmem>>[vector<16xi32>, vector<16xi32>], vector<16xf32>,
        %add3A_229 = arith.addf %add3A_225, %gather3A_228 : vector<16xf32>
        %broadcast_in_dim3A_230 = arith.constant 7 : i32
        %broadcast_in_dim3A_231 = vector.broadcast %broadcast_in_dim3A_230 : i32 to vector<16xi32>
        %gather3A_232 = tpu.vector_load_idx %arg24[%iota3A_187, %broadcast_in_dim3A_231] : memref<16x16xf32, #tpu.memory_space<vmem>>[vector<16xi32>, vector<16xi32>], vector<16xf32>,
        %add3A_233 = arith.addf %add3A_229, %gather3A_232 : vector<16xf32>
        %broadcast_in_dim3A_234 = arith.constant 8 : i32
        %broadcast_in_dim3A_235 = vector.broadcast %broadcast_in_dim3A_234 : i32 to vector<16xi32>
        %gather3A_236 = tpu.vector_load_idx %arg24[%iota3A_187, %broadcast_in_dim3A_235] : memref<16x16xf32, #tpu.memory_space<vmem>>[vector<16xi32>, vector<16xi32>], vector<16xf32>,
        %add3A_237 = arith.addf %add3A_233, %gather3A_236 : vector<16xf32>
        %broadcast_in_dim3A_238 = arith.constant 9 : i32
        %broadcast_in_dim3A_239 = vector.broadcast %broadcast_in_dim3A_238 : i32 to vector<16xi32>
        %gather3A_240 = tpu.vector_load_idx %arg24[%iota3A_187, %broadcast_in_dim3A_239] : memref<16x16xf32, #tpu.memory_space<vmem>>[vector<16xi32>, vector<16xi32>], vector<16xf32>,
        %add3A_241 = arith.addf %add3A_237, %gather3A_240 : vector<16xf32>
        %broadcast_in_dim3A_242 = arith.constant 10 : i32
        %broadcast_in_dim3A_243 = vector.broadcast %broadcast_in_dim3A_242 : i32 to vector<16xi32>
        %gather3A_244 = tpu.vector_load_idx %arg24[%iota3A_187, %broadcast_in_dim3A_243] : memref<16x16xf32, #tpu.memory_space<vmem>>[vector<16xi32>, vector<16xi32>], vector<16xf32>,
        %add3A_245 = arith.addf %add3A_241, %gather3A_244 : vector<16xf32>
        %broadcast_in_dim3A_246 = arith.constant 11 : i32
        %broadcast_in_dim3A_247 = vector.broadcast %broadcast_in_dim3A_246 : i32 to vector<16xi32>
        %gather3A_248 = tpu.vector_load_idx %arg24[%iota3A_187, %broadcast_in_dim3A_247] : memref<16x16xf32, #tpu.memory_space<vmem>>[vector<16xi32>, vector<16xi32>], vector<16xf32>,
        %add3A_249 = arith.addf %add3A_245, %gather3A_248 : vector<16xf32>
        %broadcast_in_dim3A_250 = arith.constant 12 : i32
        %broadcast_in_dim3A_251 = vector.broadcast %broadcast_in_dim3A_250 : i32 to vector<16xi32>
        %gather3A_252 = tpu.vector_load_idx %arg24[%iota3A_187, %broadcast_in_dim3A_251] : memref<16x16xf32, #tpu.memory_space<vmem>>[vector<16xi32>, vector<16xi32>], vector<16xf32>,
        %add3A_253 = arith.addf %add3A_249, %gather3A_252 : vector<16xf32>
        %broadcast_in_dim3A_254 = arith.constant 13 : i32
        %broadcast_in_dim3A_255 = vector.broadcast %broadcast_in_dim3A_254 : i32 to vector<16xi32>
        %gather3A_256 = tpu.vector_load_idx %arg24[%iota3A_187, %broadcast_in_dim3A_255] : memref<16x16xf32, #tpu.memory_space<vmem>>[vector<16xi32>, vector<16xi32>], vector<16xf32>,
        %add3A_257 = arith.addf %add3A_253, %gather3A_256 : vector<16xf32>
        %broadcast_in_dim3A_258 = arith.constant 14 : i32
        %broadcast_in_dim3A_259 = vector.broadcast %broadcast_in_dim3A_258 : i32 to vector<16xi32>
        %gather3A_260 = tpu.vector_load_idx %arg24[%iota3A_187, %broadcast_in_dim3A_259] : memref<16x16xf32, #tpu.memory_space<vmem>>[vector<16xi32>, vector<16xi32>], vector<16xf32>,
        %add3A_261 = arith.addf %add3A_257, %gather3A_260 : vector<16xf32>
        %broadcast_in_dim3A_262 = arith.constant 15 : i32
        %broadcast_in_dim3A_263 = vector.broadcast %broadcast_in_dim3A_262 : i32 to vector<16xi32>
        %gather3A_264 = tpu.vector_load_idx %arg24[%iota3A_187, %broadcast_in_dim3A_263] : memref<16x16xf32, #tpu.memory_space<vmem>>[vector<16xi32>, vector<16xi32>], vector<16xf32>,
        %add3A_265 = arith.addf %add3A_261, %gather3A_264 : vector<16xf32>
        %swap3A = arith.index_cast %multiple_of3A : i32 to index
        %swap3A_266 = tpu.vector_load %arg23[%swap3A] {strides = array<i32>} : memref<64xf32, #tpu.memory_space<vmem>>, vector<16xf32>,
        tpu.vector_store %arg23[%swap3A], %add3A_265 {strides = array<i32>} : memref<64xf32, #tpu.memory_space<vmem>>, vector<16xf32>,
      }
      %scan3A_193 = arith.constant 4 : i32
      %dma_start3A_194 = tpu.memref_slice %arg7[%add3A_128] : memref<204800xf32, #tpu.memory_space<hbm>> -> memref<64xf32, #tpu.memory_space<hbm>>
      %dma_start3A_195 = tpu.memref_slice %arg7[%add3A_128] : memref<204800xf32, #tpu.memory_space<hbm>> -> memref<64xf32, #tpu.memory_space<hbm>>
      tpu.enqueue_dma source(%arg23 : memref<64xf32, #tpu.memory_space<vmem>>) target(%dma_start3A_195 : memref<64xf32, #tpu.memory_space<hbm>>) target_semaphore(%arg30 : memref<!tpu.dma_semaphore, #tpu.memory_space<semaphore_mem>>)
    }
    %scan3A_50 = arith.constant 50 : i32
    %dma_wait3A = tpu.memref_slice %arg7[%mul3A_2] : memref<204800xf32, #tpu.memory_space<hbm>> -> memref<64xf32, #tpu.memory_space<hbm>>
    %dma_wait3A_51 = tpu.memref_slice %arg7[%mul3A_2] : memref<204800xf32, #tpu.memory_space<hbm>> -> memref<64xf32, #tpu.memory_space<hbm>>
    tpu.wait_dma2 semaphore(%arg29 : memref<!tpu.dma_semaphore, #tpu.memory_space<semaphore_mem>>) src(%arg22 : memref<64xf32, #tpu.memory_space<vmem>>) dst(%dma_wait3A_51 : memref<64xf32, #tpu.memory_space<hbm>>)
    %dma_wait3A_52 = tpu.memref_slice %arg7[%mul3A_2] : memref<204800xf32, #tpu.memory_space<hbm>> -> memref<64xf32, #tpu.memory_space<hbm>>
    %dma_wait3A_53 = tpu.memref_slice %arg7[%mul3A_2] : memref<204800xf32, #tpu.memory_space<hbm>> -> memref<64xf32, #tpu.memory_space<hbm>>
    tpu.wait_dma2 semaphore(%arg30 : memref<!tpu.dma_semaphore, #tpu.memory_space<semaphore_mem>>) src(%arg23 : memref<64xf32, #tpu.memory_space<vmem>>) dst(%dma_wait3A_53 : memref<64xf32, #tpu.memory_space<hbm>>)
    return
  }
}

</mosaic_0001>

<sc_bundles>
// kernel: kernel.3.cloned.1.call-start
scs
__scs_entry_jumppad:
0x0: {  	(pc) =	sbr.rel $0x88, $3  }
0x1: {  	(tag) =	ssettag $0x0;
	lr =	simm.s32 $0x1  }
0x2: {  	[smem:$0x3F95] =	sst lr;
	_ =	strace $0xD0000000  }
0x3: {  	_ = 	snop  }
0x4: {  	_ = 	snop  }
0x5: {  	_ = 	snop  }
0x6: {  	_ = 	snop  }
0x7: {  	_ = 	snop  }
__scs_overlays_trampoline_lowered:
0x8: {  	[smem:$0x3FA4] =	sst s0  }
0x9: {  	[smem:$0x3FA5] =	sst s1  }
0xa: {  	[smem:$0x3FA6] =	sst s2  }
0xb: {  	[smem:$0x3FA7] =	sst s3  }
0xc: {  	[smem:$0x3FA8] =	sst s4  }
0xd: {  	[smem:$0x3FA9] =	sst s5  }
0xe: {  	[smem:$0x3FAA] =	sst s6  }
0xf: {  	[smem:$0x3FAB] =	sst s7  }
0x10: {  	[smem:$0x3FAC] =	sst s8  }
0x11: {  	[smem:$0x3FAD] =	sst s9;
	s0 =	simm.s32 @!p0 $0x0  }
0x12: {  	s1 =	sld [smem:$0x3F93];
	s0 =	simm.s32 @p0 $0x1  }
0x13: {  	[smem:$0x3FAE] =	sst s0;
	s0 =	simm.s32 @!p1 $0x0  }
0x14: {  	s2 =	sld [smem:$0x3F92];
	s0 =	simm.s32 @p1 $0x1  }
0x15: {  	[smem:$0x3FAF] =	sst s0;
	s0 =	simm.s32 @!p2 $0x0  }
0x16: {  	s3 =	sld [smem:$0x3FDB];
	s0 =	simm.s32 @p2 $0x1  }
0x17: {  	s4 =	simm.s32 $0x1BF5;
	[smem:$0x3FB1] =	sst s0  }
0x18: {  	s0 =	sld [smem:$0x3F94];
	_ =	swait.ge [sflag:s4], $0x0  }
0x19: {  	s7 =	sld [smem:$0x3F95]  }
0x1a: {  	s8 =	sadd.s32 $0xFFFFE003, lr  }
0x1b: {  	s9 =	sadd.s32 $0xFFFFFEF7, lr;
	s5 =	simm.s32 $0xFFFFFFFF;
	p2 =	slt.u32 s8, $0xFFFFF086  }
0x1c: {  	p1 =	slt.u32 s9, $0xF7A;
	s5 =	simm.s32 @!p2 $0x0  }
0x1d: {  	s5 =	simm.s32 @p1 $0x1;
	p0 =	seq.s32 s7, s2  }
0x1e: {  	s7 =	smul.u32 @!p0 $0xF7A, s2;
	p2 =	seq.s32 @!p0 s5, $0x0  }
0x1f: {  	s9 =	smul.u32 $0xF7A, s1;
	s8 =	simm.s32 @!p0 $0x1BF5;
	p2 =	por !p2, p0  }
0x20: {  	[sflag:s8] =	ssyncset.s32 @!p0 $0xFFFFF086;
	s6 =	sadd.s32 @!p0 s3, s7;
	s7 =	simm.s32 @!p0 $0x108  }
0x21: {  	s3 =	sadd.s32 s3, s9;
	s6 =	sadd.s32 @!p0 $0x88, s6;
	s7 =	simm.s32 @p2 $0x1082  }
0x22: {  	[simem:s7], [sflag:s8] =	dma.local @!p0 [hbm:s6], $0xF7A  }
0x23: {  	s9 =	sor.u32 $0xD0000000, s2;
	s6 =	simm.s32 $0x108;
	_ =	swait.ge @!p0 [sflag:s8], $0x0  }
0x24: {  	s3 =	sadd.s32 $0x88, s3;
	s6 =	simm.s32 @!p1 $0x1082;
	[sflag:s4] =	ssyncset.s32 $0xFFFFF086  }
0x25: {  	[simem:s6], [sflag:s4] =	dma.local [hbm:s3], $0xF7A  }
0x26: {  	[smem:$0x3F95] =	sst s1;
	(tag) =	ssettag s2;
	_ =	strace s9  }
0x27: {  	s1 =	sld [smem:$0x3FA5]  }
0x28: {  	s2 =	sld [smem:$0x3FA6]  }
0x29: {  	s4 =	sld [smem:$0x3FA8]  }
0x2a: {  	p0 =	seq.s32 s5, $0x0;
	s5 =	sld [smem:$0x3FA9]  }
0x2b: {  	s6 =	sld [smem:$0x3FAA]  }
0x2c: {  	s7 =	sld [smem:$0x3FAB]  }
0x2d: {  	s3 =	simm.s32 $0x108;
	s8 =	sld [smem:$0x3FAC]  }
0x2e: {  	s3 =	simm.s32 @!p0 $0x1082;
	s9 =	sld [smem:$0x3FAD]  }
0x2f: {  	lr =	sadd.s32 s0, s3;
	s0 =	sld [smem:$0x3FA4]  }
0x30: {  	s3 =	sld [smem:$0x3FA7]  }
0x31: {  	[smem:$0x3FB0] =	sst s10  }
0x32: {  	s10 =	sld [smem:$0x3FAE];
	_ =	sdelay $0x3  }
0x33: {  	p0 =	seq.s32 s10, $0x1;
	s10 =	sld [smem:$0x3FB0];
	_ =	sdelay $0x3  }
0x34: {  	[smem:$0x3FB0] =	sst s10  }
0x35: {  	s10 =	sld [smem:$0x3FAF];
	_ =	sdelay $0x3  }
0x36: {  	p1 =	seq.s32 s10, $0x1;
	s10 =	sld [smem:$0x3FB0];
	_ =	sdelay $0x3  }
0x37: {  	[smem:$0x3FB0] =	sst s10  }
0x38: {  	s10 =	sld [smem:$0x3FB1]  }
0x39: {  	_ = 	snop;
	(pc) =	sbr.ind lr, $3  }
0x3a: {  	_ = 	snop  }
0x3b: {  	_ = 	snop  }
0x3c: {  	p2 =	seq.s32 s10, $0x1;
	s10 =	sld [smem:$0x3FB0]  }
0x3d: {  	_ =	shalt  }
0x3e: {  	_ =	shalt  }
0x3f: {  	_ =	shalt  }
0x40: {  	_ =	shalt  }
0x41: {  	_ =	shalt  }
0x42: {  	_ =	shalt  }
0x43: {  	_ =	shalt  }
0x44: {  	_ =	shalt  }
0x45: {  	_ =	shalt  }
0x46: {  	_ =	shalt  }
0x47: {  	_ =	shalt  }
0x48: {  	_ =	shalt  }
0x49: {  	_ =	shalt  }
0x4a: {  	_ =	shalt  }
0x4b: {  	_ =	shalt  }
0x4c: {  	_ =	shalt  }
0x4d: {  	_ =	shalt  }
0x4e: {  	_ =	shalt  }
0x4f: {  	_ =	shalt  }
0x50: {  	_ =	shalt  }
0x51: {  	_ =	shalt  }
0x52: {  	_ =	shalt  }
0x53: {  	_ =	shalt  }
0x54: {  	_ =	shalt  }
0x55: {  	_ =	shalt  }
0x56: {  	_ =	shalt  }
0x57: {  	_ =	shalt  }
0x58: {  	_ =	shalt  }
0x59: {  	_ =	shalt  }
0x5a: {  	_ =	shalt  }
0x5b: {  	_ =	shalt  }
0x5c: {  	_ =	shalt  }
0x5d: {  	_ =	shalt  }
0x5e: {  	_ =	shalt  }
0x5f: {  	_ =	shalt  }
0x60: {  	_ =	shalt  }
0x61: {  	_ =	shalt  }
0x62: {  	_ =	shalt  }
0x63: {  	_ =	shalt  }
0x64: {  	_ =	shalt  }
0x65: {  	_ =	shalt  }
0x66: {  	_ =	shalt  }
0x67: {  	_ =	shalt  }
0x68: {  	_ =	shalt  }
0x69: {  	_ =	shalt  }
0x6a: {  	_ =	shalt  }
0x6b: {  	_ =	shalt  }
0x6c: {  	_ =	shalt  }
0x6d: {  	_ =	shalt  }
0x6e: {  	_ =	shalt  }
0x6f: {  	_ =	shalt  }
0x70: {  	_ =	shalt  }
0x71: {  	_ =	shalt  }
0x72: {  	_ =	shalt  }
0x73: {  	_ =	shalt  }
0x74: {  	_ =	shalt  }
0x75: {  	_ =	shalt  }
0x76: {  	_ =	shalt  }
0x77: {  	_ =	shalt  }
0x78: {  	_ =	shalt  }
0x79: {  	_ =	shalt  }
0x7a: {  	_ =	shalt  }
0x7b: {  	_ =	shalt  }
0x7c: {  	_ =	shalt  }
0x7d: {  	_ =	shalt  }
0x7e: {  	_ =	shalt  }
0x7f: {  	_ =	shalt  }
0x80: {  	_ =	shalt  }
0x81: {  	_ =	shalt  }
0x82: {  	_ =	shalt  }
0x83: {  	_ =	shalt  }
0x84: {  	_ =	shalt  }
0x85: {  	_ =	shalt  }
0x86: {  	_ =	shalt  }
0x87: {  	_ =	shalt  }
.Lfunc_end0:
.L_simem_size_0:
called_computation_lowered:
.L_overlay_start_0:
0x88: {  	s2 =	sld [smem:$0x3FD9]  }
0x89: {  	s3 =	sld [smem:$0x3FFE];
	_ =	sdelay $0x1  }
0x8a: {  	s1 =	srdreg.scid  }
0x8b: {  	s0 =	sand.u32 $0x1, s1  }
0x8c: {  	s17 =	sshll.u32 s0, $0xA;
	s2 =	sadd.s32 s3, s2  }
0x8d: {  	s2 =	sadd.s32 s2, s17  }
0x8e: {  	[smem:$0x3FBC] =	sst s2  }
0x8f: {  	_ = 	snop  }
0x90: {  	s2 =	sld [smem:$0x3FC5]  }
0x91: {  	s18 =	sld [smem:$0x3FC4]  }
0x92: {  	s4 =	sld [smem:$0x3FD0];
	(tm) =	ssettm $0x1  }
0x93: {  	s5 =	sld [smem:$0x3FFB];
	_ =	sdelay $0x3  }
0x94: {  	_ =	strace s5  }
0x95: {  	s5 =	sld [smem:$0x3FFC];
	_ =	sdelay $0x3  }
0x96: {  	_ =	strace s5  }
0x97: {  	s5 =	sld [smem:$0x3FFD];
	_ =	sdelay $0x3  }
0x98: {  	_ =	strace s5  }
0x99: {  	_ =	strace $0x8FFFFFFF  }
0x9a: {  	s19 =	sld [smem:$0x3FDB];
	_ =	sdelay $0x1  }
0x9b: {  	s6 =	simm.s32 $_scs_section_size  }
0x9c: {  	s7 =	simm.s32 $_size__tile_overlayer_lowered;
	s8 =	simm.s32 $_tile_overlayer_lowered  }
0x9d: {  	s22 =	simm.s32 $0x1BFF;
	s21 =	sshll.u32 s8, $0x1;
	s5 =	sadd.s32 s6, s19  }
0x9e: {  	s9 =	simm.s32 $0x0;
	s20 =	sshll.u32 s7, $0x1;
	s7 =	sadd.s32 s21, s5  }
0x9f: {  	[timem:s9], [sflag:s22] =	dma.local [hbm:s7], s20  }
0xa0: {  	_ =	swait.ge [sflag:s22], s20  }
0xa1: {  	s6 =	ssub.s32 $0x0, s20;
	[sflag:s22] =	ssyncset.done $0x0  }
0xa2: {  	[sflag:s22] =	ssyncadd.s32 s6;
	_ =	sdelay $0x1  }
0xa3: {  	s23 =	simm.s32 $0x1B8B  }
0xa4: {  	_ =	swait.ge [sflag:s23], $0x1  }
0xa5: {  	[sflag:s23] =	ssyncset.done $0x0  }
0xa6: {  	s25 =	simm.s32 $0x1B8E;
	s24 =	sld [smem:$0x3FFE];
	[sflag:s23] =	ssyncadd.s32 $0xFFFFFFFF  }
0xa7: {  	s26 =	simm.s32 $execute0_lowered;
	[smem:$0x3FD2] =	sst s25  }
0xa8: {  	s7 =	sshll.u32 s26, $0x1;
	_ =	strace $0x80000046;
	[dreg:$0x1] =	wrdreg $0xFFFFFFFF  }
0xa9: {  	s28 =	simm.s32 $_size_execute0_lowered;
	s5 =	sadd.s32 s5, s7;
	[dreg:$0x0] =	wrdreg $0x0  }
0xaa: {  	s7 =	sshll.u32 s28, $0x1;
	[dreg:$0x2] =	wrdreg s5  }
0xab: {  	[dreg:$0x3] =	wrdreg s7  }
0xac: {  	[dreg:$0x4] =	wrdreg $0xC0  }
0xad: {  	_ =	task [dreg:s9], $0x5FFFF  }
0xae: {  	[dreg:$0x1] =	wrdreg $0xFFFFFFFF  }
0xaf: {  	[dreg:$0x0] =	wrdreg $0x60  }
0xb0: {  	[dreg:$0x2] =	wrdreg s24  }
0xb1: {  	[dreg:$0x3] =	wrdreg s2  }
0xb2: {  	[dreg:$0x4] =	wrdreg s18  }
0xb3: {  	[dreg:$0x5] =	wrdreg s4  }
0xb4: {  	[dreg:$0x6] =	wrdreg $0x9  }
0xb5: {  	_ =	task.clear_ibuf [dreg:s9], $0x7FFFF;
	_ =	strace $0x90000046  }
0xb6: {  	s29 =	simm.s32 $0x9;
	_ =	strace $0x80000048  }
0xb7: {  	_ =	swait.ge [sflag:s29], $0x1  }
0xb8: {  	[sflag:s29] =	ssyncadd.s32 $0xFFFFFFFF  }
0xb9: {  	_ =	strace $0x90000048  }
0xba: {  	_ =	sfence  }
0xbb: {  	s30 =	sld [smem:$0x0];
	_ =	sdelay $0x2  }
0xbc: {  	s31 =	sshll.u32 s1, $0xD;
	s1 =	sshrl.u32 s1, $0x2  }
0xbd: {  	s3 =	sand.u32 $0x4000, s31;
	s1 =	sadd.s32 s1, s30  }
0xbe: {  	s0 =	sor.u32 s3, s0;
	s1 =	sshll.u32 s1, $0x11  }
0xbf: {  	s0 =	sor.u32 s1, s0  }
0xc0: {  	s0 =	sadd.s32 $0x8F2B, s0  }
0xc1: {  	[sflag:s0] =	ssyncadd.remote.s32 $0x1  }
0xc2: {  	_ =	sfence.sel $0xFFFF  }
0xc3: {  	[dreg:$0x0] =	wrdreg $0xFFFFFFFF;
	(pc) =	sbr.abs _section_cstart, $3  }
0xc4: {  	[dreg:$0x1] =	wrdreg $0xFFFFFFFF  }
0xc5: {  	_ =	task.clear_ibuf [dreg:s9], $0x2FFFF;
	_ =	strace $0x9FFFFFFF  }
0xc6: {  	(tm) =	ssettm $0x7FFFFFFF  }
0xc7: {  	_ =	shalt  }
tec
execute0_lowered:
.L_overlay_start_1:
0x0: {  	(tag) =	ssettag $0x1  }
0x1: {  	s0 =	rddreg [dreg:$0x0]  }
0x2: {  	s1 =	rddreg [dreg:$0x1]  }
0x3: {  	s3 =	rddreg [dreg:$0x2];
	s2 =	srdreg.scid  }
0x4: {  	s4 =	stileid.u32;
	s16 =	rddreg [dreg:$0x3]  }
0x5: {  	s5 =	simm.s32 $0x0;
	s15 =	simm.s32 $0x40;
	s11 =	simm.s32 $0x1C300  }
0x6: {  	s14 =	simm.s32 $0x2;
	s2 =	sand.u32 $0x1, s2;
	s4 =	sshll.u32 s4, $0x1  }
0x7: {  	[smem:$0x7FF] =	sst s5;
	s4 =	sor.u32 s2, s4;
	s2 =	ssub.s32 $0x2, s2  }
0x8: {  	s7 =	sadd.s32 $0x1A600, s0;
	s6 =	smul.u32 $0xC80, s4;
	s9 =	sshrl.u32 s2, $0x1  }
0x9: {  	s12 =	sadd.s32 $0x1640, s0;
	_ =	strace $0x80000047;
	s2 =	ssub.s32 s2, s9  }
0xa: {  	s8 =	smul.u32 $0x1900, s4;
	s10 =	sadd.s32 s6, s0;
	s31 =	smax.u32 s2, $0x1  }
0xb: {  	v0 =	vlaneseq.u32;
	s9 =	smul.u32 $0x64, s4;
	s29 =	sadd.s32 $0x1600, s10;
	[dreg:$0x7] =	wrdreg s31  }
0xc: {  	vm0 =	vmmov $0xffff;
	v2 =	vshrl.u32 v0, $0x3;
	s6 =	sadd.s32 $0x1BE00, s0;
	s30 =	sadd.s32 $0x1620, s10;
	[dreg:$0x5] =	wrdreg s29  }
0xd: {  	v1 =	vand.u32 $0x7, v0;
	v3 =	vor.u32 $0x8, v0;
	v2 =	vmul.u32 $0x8, v2;
	s0 =	simm.s32 $0x1;
	s10 =	simm.s32 $0x0;
	[dreg:$0x6] =	wrdreg s30  }
.LBB2_1:
0xe: {  	[dreg:$0x8] =	wrdreg s10  }
0xf: {  	s2 =	rddreg [dreg:$0x5];
	s4 =	simm.s32 $0x7  }
0x10: {  	[tilespmem:s5], [sflag:$0x7] =	stream.linear.gather [hbm4b:s2+s5], $0x100, $0x38;
	[tilespmem:$0x1CB00] =	vst v63  }
0x11: {  	_ =	swait.ge [sflag:s4], $0x100  }
0x12: {  	[sflag:s4] =	ssyncset.done $0x0  }
0x13: {  	s10 =	simm.s32 $0x200;
	[sflag:s4] =	ssyncadd.s32 $0xFFFFFF00  }
0x14: {  	[tilespmem:s10], [sflag:$0x1] =	stream.indirect.gather [hbm4b:s1+s15], $0x80, s5, s15, $0xb8;
	[tilespmem:$0x1CB00] =	vst v63  }
0x15: {  	s13 =	simm.s32 $0x2200  }
0x16: {  	[tilespmem:s13], [sflag:$0x1] =	stream.indirect.gather [hbm4b:s3+s15], $0x80, s5, s15, $0xb8;
	[tilespmem:$0x1CB00] =	vst v63  }
0x17: {  	s17 =	simm.s32 $0x80;
	s4 =	simm.s32 $0x4200  }
0x18: {  	[tilespmem:s4], [sflag:$0x1] =	stream.indirect.gather [hbm4b:s1+s15], $0x80, s17, s15, $0xb8;
	[tilespmem:$0x1CB00] =	vst v63  }
0x19: {  	s18 =	simm.s32 $0x6200  }
0x1a: {  	[tilespmem:s18], [sflag:$0x1] =	stream.indirect.gather [hbm4b:s3+s15], $0x80, s17, s15, $0xb8;
	[tilespmem:$0x1CB00] =	vst v63  }
0x1b: {  	v4 =	vld [tilespmem:$0x40];
	_ =	sdelay $0x4  }
0x1c: {  	v5 =	vshll.u32 v4, $0x1  }
0x1d: {  	v4 =	vand.u32 $0x7, v4;
	v5 =	vand.u32 $0xFFFFFFF0, v5  }
0x1e: {  	v4 =	vor.u32 v4, v5  }
0x1f: {  	v5 =	vperm.xlane v4, v1;
	_ =	sdelay $0x1  }
0x20: {  	v4 =	vperm.xlane v4, v3;
	v5 =	vadd.s32 v2, v5;
	_ =	sdelay $0x1  }
0x21: {  	v4 =	vadd.s32 v2, v4;
	_ =	sdelay $0x1  }
0x22: {  	s19 =	simm.s32 $0x8200  }
0x23: {  	[tilespmem:s19], [sflag:$0x1] =	stream.indirect_vreg.gather [hbm4b:s6+s5], $0x80, v5, vm0, $0xb8;
	[tilespmem:$0x1CB00] =	vst v63  }
0x24: {  	s20 =	simm.s32 $0x8A00  }
0x25: {  	[tilespmem:s20], [sflag:$0x1] =	stream.indirect_vreg.gather [hbm4b:s6+s5], $0x80, v4, vm0, $0xb8;
	[tilespmem:$0x1CB00] =	vst v63  }
0x26: {  	v4 =	vld [tilespmem:$0x50];
	_ =	sdelay $0x4  }
0x27: {  	v5 =	vshll.u32 v4, $0x1  }
0x28: {  	v4 =	vand.u32 $0x7, v4;
	v5 =	vand.u32 $0xFFFFFFF0, v5  }
0x29: {  	v4 =	vor.u32 v4, v5  }
0x2a: {  	v5 =	vperm.xlane v4, v1;
	_ =	sdelay $0x1  }
0x2b: {  	v4 =	vperm.xlane v4, v3;
	v5 =	vadd.s32 v2, v5;
	_ =	sdelay $0x1  }
0x2c: {  	v4 =	vadd.s32 v2, v4;
	_ =	sdelay $0x1  }
0x2d: {  	s21 =	simm.s32 $0x9200  }
0x2e: {  	[tilespmem:s21], [sflag:$0x1] =	stream.indirect_vreg.gather [hbm4b:s6+s5], $0x80, v5, vm0, $0xb8;
	[tilespmem:$0x1CB00] =	vst v63  }
0x2f: {  	s22 =	simm.s32 $0x9A00  }
0x30: {  	[tilespmem:s22], [sflag:$0x1] =	stream.indirect_vreg.gather [hbm4b:s6+s5], $0x80, v4, vm0, $0xb8;
	[tilespmem:$0x1CB00] =	vst v63  }
0x31: {  	v4 =	vld [tilespmem:$0x60];
	_ =	sdelay $0x4  }
0x32: {  	v5 =	vshll.u32 v4, $0x1  }
0x33: {  	v4 =	vand.u32 $0x7, v4;
	v5 =	vand.u32 $0xFFFFFFF0, v5  }
0x34: {  	v4 =	vor.u32 v4, v5  }
0x35: {  	v5 =	vperm.xlane v4, v1;
	_ =	sdelay $0x1  }
0x36: {  	v4 =	vperm.xlane v4, v3;
	v5 =	vadd.s32 v2, v5;
	_ =	sdelay $0x1  }
0x37: {  	v4 =	vadd.s32 v2, v4;
	_ =	sdelay $0x1  }
0x38: {  	s23 =	simm.s32 $0xA200  }
0x39: {  	[tilespmem:s23], [sflag:$0x1] =	stream.indirect_vreg.gather [hbm4b:s6+s5], $0x80, v5, vm0, $0xb8;
	[tilespmem:$0x1CB00] =	vst v63  }
0x3a: {  	s24 =	simm.s32 $0xAA00  }
0x3b: {  	[tilespmem:s24], [sflag:$0x1] =	stream.indirect_vreg.gather [hbm4b:s6+s5], $0x80, v4, vm0, $0xb8;
	[tilespmem:$0x1CB00] =	vst v63  }
0x3c: {  	v4 =	vld [tilespmem:$0x70];
	_ =	sdelay $0x4  }
0x3d: {  	v5 =	vshll.u32 v4, $0x1  }
0x3e: {  	v4 =	vand.u32 $0x7, v4;
	v5 =	vand.u32 $0xFFFFFFF0, v5  }
0x3f: {  	v4 =	vor.u32 v4, v5  }
0x40: {  	v5 =	vperm.xlane v4, v1;
	_ =	sdelay $0x1  }
0x41: {  	v4 =	vperm.xlane v4, v3;
	v5 =	vadd.s32 v2, v5;
	_ =	sdelay $0x1  }
0x42: {  	v4 =	vadd.s32 v2, v4;
	_ =	sdelay $0x1  }
0x43: {  	s25 =	simm.s32 $0xB200  }
0x44: {  	[tilespmem:s25], [sflag:$0x1] =	stream.indirect_vreg.gather [hbm4b:s6+s5], $0x80, v5, vm0, $0xb8;
	[tilespmem:$0x1CB00] =	vst v63  }
0x45: {  	s26 =	simm.s32 $0xBA00  }
0x46: {  	[tilespmem:s26], [sflag:$0x1] =	stream.indirect_vreg.gather [hbm4b:s6+s5], $0x80, v4, vm0, $0xb8;
	[tilespmem:$0x1CB00] =	vst v63  }
0x47: {  	s28 =	simm.s32 $0xC0;
	s29 =	simm.s32 $0xC200  }
0x48: {  	[tilespmem:s29], [sflag:$0x1] =	stream.indirect.gather [hbm4b:s7+s15], $0x80, s28, s15, $0xb8;
	[tilespmem:$0x1CB00] =	vst v63  }
0x49: {  	s31 =	simm.s32 $0x100;
	s30 =	rddreg [dreg:$0x6];
	s21 =	simm.s32 $0x0  }
0x4a: {  	[tilespmem:s31], [sflag:$0x4] =	stream.linear.gather [hbm4b:s30+s5], $0x100, $0x38;
	[tilespmem:$0x1CB00] =	vst v63  }
.LBB2_2:
0x4b: {  	_ =	swait.ge [sflag:s0], $0x2000  }
0x4c: {  	[sflag:s0] =	ssyncset.done $0x0  }
0x4d: {  	[sflag:s0] =	ssyncadd.s32 $0xFFFFE000  }
0x4e: {  	_ =	swait.ge [sflag:s0], $0x2000  }
0x4f: {  	[sflag:s0] =	ssyncset.done $0x0  }
0x50: {  	[sflag:s0] =	ssyncadd.s32 $0xFFFFE000  }
0x51: {  	_ =	swait.ge [sflag:s0], $0x2000  }
0x52: {  	[sflag:s0] =	ssyncset.done $0x0  }
0x53: {  	[sflag:s0] =	ssyncadd.s32 $0xFFFFE000  }
0x54: {  	_ =	swait.ge [sflag:s0], $0x2000  }
0x55: {  	[sflag:s0] =	ssyncset.done $0x0  }
0x56: {  	[sflag:s0] =	ssyncadd.s32 $0xFFFFE000  }
0x57: {  	_ =	swait.ge [sflag:s0], $0x4000  }
0x58: {  	[sflag:s0] =	ssyncset.done $0x0  }
0x59: {  	s4 =	sshll.u32 s21, $0x1;
	p0 =	seq.s32 s21, $0x31;
	[sflag:s0] =	ssyncadd.s32 $0xFFFFC000  }
0x5a: {  	s10 =	sadd.s32 @!p0 s9, s4;
	_ =	swait.ge [sflag:s0], $0x2000  }
0x5b: {  	s2 =	simm.s32 $0x4;
	s10 =	sshll.u32 @!p0 s10, $0x5;
	[sflag:s0] =	ssyncset.done $0x0  }
0x5c: {  	s13 =	simm.s32 @!p0 $0x0;
	s10 =	sadd.s32 @!p0 s10, s12;
	[sflag:s0] =	ssyncadd.s32 $0xFFFFE000  }
0x5d: {  	[tilespmem:s13], [sflag:$0x3] =	stream.linear.gather @!p0 [hbm4b:s10+s13], $0x100, $0x38;
	[tilespmem:$0x1CB00] =	vst v63  }
0x5e: {  	_ =	swait.ge [sflag:s2], $0x100  }
0x5f: {  	[sflag:s2] =	ssyncset.done $0x0  }
0x60: {  	s20 =	simm.s32 $0x100;
	s22 =	simm.s32 $0xE200;
	[sflag:s2] =	ssyncadd.s32 $0xFFFFFF00  }
0x61: {  	[tilespmem:s22], [sflag:$0x2] =	stream.indirect.gather [hbm4b:s1+s15], $0x80, s20, s15, $0xb8;
	[tilespmem:$0x1CB00] =	vst v63  }
0x62: {  	s23 =	simm.s32 $0x10200  }
0x63: {  	[tilespmem:s23], [sflag:$0x2] =	stream.indirect.gather [hbm4b:s3+s15], $0x80, s20, s15, $0xb8;
	[tilespmem:$0x1CB00] =	vst v63  }
0x64: {  	s24 =	simm.s32 $0x180;
	s25 =	simm.s32 $0x12200  }
0x65: {  	[tilespmem:s25], [sflag:$0x2] =	stream.indirect.gather [hbm4b:s1+s15], $0x80, s24, s15, $0xb8;
	[tilespmem:$0x1CB00] =	vst v63  }
0x66: {  	s26 =	simm.s32 $0x14200  }
0x67: {  	[tilespmem:s26], [sflag:$0x2] =	stream.indirect.gather [hbm4b:s3+s15], $0x80, s24, s15, $0xb8;
	[tilespmem:$0x1CB00] =	vst v63  }
0x68: {  	v4 =	vld [tilespmem:$0x140];
	_ =	sdelay $0x4  }
0x69: {  	v5 =	vshll.u32 v4, $0x1  }
0x6a: {  	v4 =	vand.u32 $0x7, v4;
	v5 =	vand.u32 $0xFFFFFFF0, v5  }
0x6b: {  	v4 =	vor.u32 v4, v5  }
0x6c: {  	v5 =	vperm.xlane v4, v1;
	_ =	sdelay $0x1  }
0x6d: {  	v4 =	vperm.xlane v4, v3;
	v5 =	vadd.s32 v2, v5;
	_ =	sdelay $0x1  }
0x6e: {  	v4 =	vadd.s32 v2, v4;
	_ =	sdelay $0x1  }
0x6f: {  	s10 =	simm.s32 $0x16200  }
0x70: {  	[tilespmem:s10], [sflag:$0x2] =	stream.indirect_vreg.gather [hbm4b:s6+s5], $0x80, v5, vm0, $0xb8;
	[tilespmem:$0x1CB00] =	vst v63  }
0x71: {  	s13 =	simm.s32 $0x16A00  }
0x72: {  	[tilespmem:s13], [sflag:$0x2] =	stream.indirect_vreg.gather [hbm4b:s6+s5], $0x80, v4, vm0, $0xb8;
	[tilespmem:$0x1CB00] =	vst v63  }
0x73: {  	v4 =	vld [tilespmem:$0x150];
	_ =	sdelay $0x4  }
0x74: {  	v5 =	vshll.u32 v4, $0x1  }
0x75: {  	v4 =	vand.u32 $0x7, v4;
	v5 =	vand.u32 $0xFFFFFFF0, v5  }
0x76: {  	v4 =	vor.u32 v4, v5  }
0x77: {  	v5 =	vperm.xlane v4, v1;
	_ =	sdelay $0x1  }
0x78: {  	v4 =	vperm.xlane v4, v3;
	v5 =	vadd.s32 v2, v5;
	_ =	sdelay $0x1  }
0x79: {  	v4 =	vadd.s32 v2, v4;
	_ =	sdelay $0x1  }
0x7a: {  	s17 =	simm.s32 $0x17200  }
0x7b: {  	[tilespmem:s17], [sflag:$0x2] =	stream.indirect_vreg.gather [hbm4b:s6+s5], $0x80, v5, vm0, $0xb8;
	[tilespmem:$0x1CB00] =	vst v63  }
0x7c: {  	s18 =	simm.s32 $0x17A00  }
0x7d: {  	[tilespmem:s18], [sflag:$0x2] =	stream.indirect_vreg.gather [hbm4b:s6+s5], $0x80, v4, vm0, $0xb8;
	[tilespmem:$0x1CB00] =	vst v63  }
0x7e: {  	v4 =	vld [tilespmem:$0x160];
	_ =	sdelay $0x4  }
0x7f: {  	v5 =	vshll.u32 v4, $0x1  }
0x80: {  	v4 =	vand.u32 $0x7, v4;
	v5 =	vand.u32 $0xFFFFFFF0, v5  }
0x81: {  	v4 =	vor.u32 v4, v5  }
0x82: {  	v5 =	vperm.xlane v4, v1;
	_ =	sdelay $0x1  }
0x83: {  	v4 =	vperm.xlane v4, v3;
	v5 =	vadd.s32 v2, v5;
	_ =	sdelay $0x1  }
0x84: {  	v4 =	vadd.s32 v2, v4;
	_ =	sdelay $0x1  }
0x85: {  	s19 =	simm.s32 $0x18200  }
0x86: {  	[tilespmem:s19], [sflag:$0x2] =	stream.indirect_vreg.gather [hbm4b:s6+s5], $0x80, v5, vm0, $0xb8;
	[tilespmem:$0x1CB00] =	vst v63  }
0x87: {  	s20 =	simm.s32 $0x18A00  }
0x88: {  	[tilespmem:s20], [sflag:$0x2] =	stream.indirect_vreg.gather [hbm4b:s6+s5], $0x80, v4, vm0, $0xb8;
	[tilespmem:$0x1CB00] =	vst v63  }
0x89: {  	v4 =	vld [tilespmem:$0x170];
	_ =	sdelay $0x4  }
0x8a: {  	v5 =	vshll.u32 v4, $0x1  }
0x8b: {  	v4 =	vand.u32 $0x7, v4;
	v5 =	vand.u32 $0xFFFFFFF0, v5  }
0x8c: {  	v4 =	vor.u32 v4, v5  }
0x8d: {  	v5 =	vperm.xlane v4, v1;
	_ =	sdelay $0x1  }
0x8e: {  	v4 =	vperm.xlane v4, v3;
	v5 =	vadd.s32 v2, v5;
	_ =	sdelay $0x1  }
0x8f: {  	v4 =	vadd.s32 v2, v4  }
0x90: {  	p1 =	seq.s32 s21, $0x0  }
0x91: {  	s28 =	simm.s32 $0x4280;
	s29 =	simm.s32 $0x2280;
	s22 =	simm.s32 $0x19200  }
0x92: {  	[tilespmem:s22], [sflag:$0x2] =	stream.indirect_vreg.gather [hbm4b:s6+s5], $0x80, v5, vm0, $0xb8;
	[tilespmem:$0x1CB00] =	vst v63  }
0x93: {  	s30 =	simm.s32 $0x280;
	s31 =	simm.s32 $0x0;
	s23 =	simm.s32 $0x19A00  }
0x94: {  	[tilespmem:s23], [sflag:$0x2] =	stream.indirect_vreg.gather [hbm4b:s6+s5], $0x80, v4, vm0, $0xb8;
	[tilespmem:$0x1CB00] =	vst v63  }
0x95: {  	s25 =	simm.s32 $0x1A200;
	s24 =	simm.s32 $0x1C0;
	s10 =	simm.s32 @!p1 $0x5  }
0x96: {  	[tilespmem:s25], [sflag:$0x2] =	stream.indirect.gather [hbm4b:s7+s15], $0x80, s24, s15, $0xb8;
	[tilespmem:$0x1CB00] =	vst v63  }
0x97: {  	s26 =	sshll.u32 s21, $0x7;
	s22 =	sor.u32 $0x1, s4;
	_ =	swait.ge @!p1 [sflag:s10], $0x40  }
0x98: {  	s4 =	simm.s32 $0x0;
	s23 =	sadd.s32 s8, s26;
	[sflag:s10] =	ssyncset.done @!p1 $0x0  }
0x99: {  	s26 =	simm.s32 $0x6280;
	s25 =	simm.s32 $0xC280;
	[sflag:s10] =	ssyncadd.s32 @!p1 $0xFFFFFFC0  }
.LBB2_3:
0x9a: {  	v4 =	vmov s30  }
0x9b: {  	v8 =	vmov s25  }
0x9c: {  	s18 =	sshll.u32 s31, $0x4;
	v5 =	vmov s29;
	s10 =	simm.s32 $0xFFFFFFFE  }
0x9d: {  	v6 =	vmov s28;
	v7 =	vmov s26;
	s13 =	simm.s32 $0x0;
	s17 =	simm.s32 $0x0;
	s24 =	smov.u32 s4  }
.LBB2_4:
0x9e: {  	s20 =	sshra.s32 s13, $0x2  }
0x9f: {  	v9 =	vld.idx.msk [tilespmem:v4+s20+$0xFFFFFF80 ss:$0x1], $0xffff  }
0xa0: {  	v11 =	vld.idx.msk [tilespmem:v8+s20+$0xFFFFFF80 ss:$0x1], $0xffff  }
0xa1: {  	v12 =	vld.idx.msk [tilespmem:v5+s20+$0xFFFFFF80 ss:$0x1], $0xffff  }
0xa2: {  	v13 =	vld.idx.msk [tilespmem:v6+s20+$0xFFFFFF80 ss:$0x1], $0xffff  }
0xa3: {  	v14 =	vld.idx.msk [tilespmem:v7+s20+$0xFFFFFF80 ss:$0x1], $0xffff  }
0xa4: {  	s19 =	sand.u32 $0x3800, s24;
	s2 =	sand.u32 $0x300, s17;
	v20 =	vld.idx.msk [tilespmem:v4+s20+$0xFFFFFF90 ss:$0x1], $0xffff  }
0xa5: {  	s19 =	sor.u32 s2, s19;
	v23 =	vld.idx.msk [tilespmem:v8+s20+$0xFFFFFF90 ss:$0x1], $0xffff  }
0xa6: {  	v10 =	vld [tilespmem:s19+$0x8200]  }
0xa7: {  	v42 =	vld.idx.msk [tilespmem:v6+s20+$0xFFFFFF90 ss:$0x1], $0xffff;
	_ =	sdelay $0x1  }
0xa8: {  	v16 =	vld [tilespmem:s19+$0x8600];
	v17 =	vunpack.i.u.bf16.f32 v11;
	v38 =	vmul.f32 v13, v9  }
0xa9: {  	v21 =	vld [tilespmem:s19+$0x8210];
	v11 =	vunpack.i.l.bf16.f32 v11;
	v22 =	vmul.f32 v14, v12;
	v9 =	vmul.f32 v14, v9  }
0xaa: {  	v45 =	vld [tilespmem:s19+$0x8610];
	v12 =	vmul.f32 v13, v12;
	v15 =	vunpack.i.u.bf16.f32 v10;
	v10 =	vunpack.i.l.bf16.f32 v10  }
0xab: {  	v47 =	vunpack.i.u.bf16.f32 v23;
	v55 =	vmul.f32 v42, v20;
	v18 =	vmul.f32 v11, v10  }
0xac: {  	v39 =	vld.idx.msk [tilespmem:v5+s20+$0xFFFFFF90 ss:$0x1], $0xffff;
	v48 =	vunpack.i.l.bf16.f32 v23;
	v10 =	vmul.f32 v17, v10;
	v11 =	vmul.f32 v11, v15  }
0xad: {  	v57 =	vld.idx.msk [tilespmem:v4+s20+$0xFFFFFFA0 ss:$0x1], $0xffff;
	v24 =	vunpack.i.l.bf16.f32 v16;
	v16 =	vunpack.i.u.bf16.f32 v16;
	v19 =	vmul.f32 v17, v15  }
0xae: {  	v44 =	vunpack.i.u.bf16.f32 v21;
	v46 =	vunpack.i.l.bf16.f32 v21;
	v10 =	vadd.f32 v11, v10;
	v11 =	vld.idx.msk [tilespmem:v7+s20+$0xFFFFFF90 ss:$0x1], $0xffff  }
0xaf: {  	v61 =	vld.idx.msk [tilespmem:v8+s20+$0xFFFFFFA0 ss:$0x1], $0xffff;
	v54 =	vunpack.i.l.bf16.f32 v45;
	v41 =	vadd.f32 v22, v38;
	v18 =	vsub.f32 v18, v19  }
0xb0: {  	v63 =	vld.idx.msk [tilespmem:v5+s20+$0xFFFFFFA0 ss:$0x1], $0xffff;
	v49 =	vmul.f32 v48, v46;
	v50 =	vmul.f32 v47, v44;
	v9 =	vsub.f32 v9, v12  }
0xb1: {  	v28 =	vld.idx.msk [tilespmem:v6+s20+$0xFFFFFFA0 ss:$0x1], $0xffff;
	v53 =	vmul.f32 v47, v46;
	v14 =	vmul.f32 v48, v44;
	v40 =	vadd.f32 v18, v24  }
0xb2: {  	v29 =	vld.idx.msk [tilespmem:v7+s20+$0xFFFFFFA0 ss:$0x1], $0xffff;
	v15 =	vmul.f32 v42, v39;
	v52 =	vsub.f32 v49, v50;
	v10 =	vadd.f32 v10, v16  }
0xb3: {  	v37 =	vld.idx.msk [tilespmem:v8+s20+$0xFFFFFFB0 ss:$0x1], $0xffff;
	v62 =	vunpack.i.u.bf16.f32 v45;
	v43 =	vmul.f32 v40, v41;
	v56 =	vmul.f32 v11, v39  }
0xb4: {  	v30 =	vld [tilespmem:s19+$0x8620];
	v58 =	vadd.f32 v14, v53;
	v9 =	vmul.f32 v10, v9;
	v10 =	vadd.f32 v52, v54  }
0xb5: {  	v59 =	vld [tilespmem:s19+$0x8220];
	v11 =	vmul.f32 v11, v20;
	v51 =	vadd.f32 $0.0e+00, v43;
	v60 =	vadd.f32 v56, v55  }
0xb6: {  	v35 =	vmul.f32 v28, v57;
	v12 =	vadd.f32 v58, v62  }
0xb7: {  	v34 =	vld.idx.msk [tilespmem:v4+s20+$0xFFFFFFB0 ss:$0x1], $0xffff;
	v11 =	vsub.f32 v11, v15;
	v9 =	vadd.f32 v51, v9;
	v10 =	vmul.f32 v10, v60  }
0xb8: {  	v31 =	vunpack.i.u.bf16.f32 v61;
	v36 =	vmul.f32 v29, v63;
	v13 =	vmul.f32 v28, v63;
	v45 =	vld [tilespmem:s19+$0x8630]  }
0xb9: {  	v38 =	vunpack.i.l.bf16.f32 v30;
	v41 =	vld.idx.msk [tilespmem:v6+s20+$0xFFFFFFB0 ss:$0x1], $0xffff;
	v9 =	vadd.f32 v10, v9;
	v10 =	vmul.f32 v12, v11  }
0xba: {  	v42 =	vmul.f32 v29, v57;
	v46 =	vunpack.i.u.bf16.f32 v37;
	v14 =	vunpack.i.l.bf16.f32 v59;
	v39 =	vld.idx.msk [tilespmem:v5+s20+$0xFFFFFFB0 ss:$0x1], $0xffff  }
0xbb: {  	v18 =	vunpack.i.l.bf16.f32 v61;
	v11 =	vunpack.i.u.bf16.f32 v59;
	v9 =	vadd.f32 v9, v10;
	v10 =	vld [tilespmem:s19+$0x8230]  }
0xbc: {  	v47 =	vunpack.i.l.bf16.f32 v37;
	v32 =	vmul.f32 v18, v14;
	v33 =	vmul.f32 v31, v11  }
0xbd: {  	v13 =	vsub.f32 v42, v13;
	v14 =	vmul.f32 v31, v14;
	v43 =	vld.idx.msk [tilespmem:v7+s20+$0xFFFFFFB0 ss:$0x1], $0xffff;
	v11 =	vmul.f32 v18, v11  }
0xbe: {  	v58 =	vld.idx.msk [tilespmem:v8+s20+$0xFFFFFFC0 ss:$0x1], $0xffff;
	v40 =	vadd.f32 v36, v35;
	v51 =	vunpack.i.l.bf16.f32 v45;
	v19 =	vsub.f32 v32, v33  }
0xbf: {  	v61 =	vld.idx.msk [tilespmem:v7+s20+$0xFFFFFFC0 ss:$0x1], $0xffff;
	v52 =	vmul.f32 v41, v34;
	v57 =	vmul.f32 v41, v39;
	v11 =	vadd.f32 v11, v14  }
0xc0: {  	v62 =	vld [tilespmem:s19+$0x8640];
	v16 =	vadd.f32 v19, v38;
	v44 =	vunpack.i.u.bf16.f32 v10;
	v10 =	vunpack.i.l.bf16.f32 v10  }
0xc1: {  	v54 =	vld.idx.msk [tilespmem:v4+s20+$0xFFFFFFC0 ss:$0x1], $0xffff;
	v12 =	vunpack.i.u.bf16.f32 v30;
	v48 =	vmul.f32 v47, v10;
	v49 =	vmul.f32 v46, v44  }
0xc2: {  	v36 =	vld.idx.msk [tilespmem:v6+s20+$0xFFFFFFD0 ss:$0x1], $0xffff;
	v53 =	vmul.f32 v43, v39;
	v11 =	vadd.f32 v11, v12;
	v16 =	vmul.f32 v16, v40  }
0xc3: {  	v60 =	vld.idx.msk [tilespmem:v6+s20+$0xFFFFFFC0 ss:$0x1], $0xffff;
	v10 =	vmul.f32 v46, v10;
	v50 =	vmul.f32 v47, v44;
	v12 =	vsub.f32 v48, v49  }
0xc4: {  	v59 =	vld.idx.msk [tilespmem:v5+s20+$0xFFFFFFC0 ss:$0x1], $0xffff;
	v56 =	vadd.f32 v53, v52;
	v11 =	vmul.f32 v11, v13;
	v9 =	vadd.f32 v16, v9  }
0xc5: {  	v15 =	vmul.f32 v43, v34;
	v34 =	vld.idx.msk [tilespmem:v5+s20+$0xFFFFFFD0 ss:$0x1], $0xffff;
	v10 =	vadd.f32 v50, v10;
	v12 =	vadd.f32 v12, v51  }
0xc6: {  	v55 =	vld [tilespmem:s19+$0x8240];
	v63 =	vunpack.i.u.bf16.f32 v58;
	v9 =	vadd.f32 v9, v11;
	v11 =	vunpack.i.u.bf16.f32 v45  }
0xc7: {  	v29 =	vld.idx.msk [tilespmem:v4+s20+$0xFFFFFFD0 ss:$0x1], $0xffff;
	v10 =	vadd.f32 v10, v11;
	v11 =	vsub.f32 v15, v57;
	v12 =	vmul.f32 v12, v56  }
0xc8: {  	v17 =	vunpack.i.l.bf16.f32 v58;
	v37 =	vmul.f32 v61, v54;
	v30 =	vmul.f32 v60, v54;
	v32 =	vld.idx.msk [tilespmem:v8+s20+$0xFFFFFFD0 ss:$0x1], $0xffff  }
0xc9: {  	v31 =	vmul.f32 v61, v59;
	v38 =	vld.idx.msk [tilespmem:v7+s20+$0xFFFFFFD0 ss:$0x1], $0xffff;
	v10 =	vmul.f32 v10, v11;
	v9 =	vadd.f32 v12, v9  }
0xca: {  	v33 =	vunpack.i.l.bf16.f32 v62;
	v14 =	vmul.f32 v60, v59;
	v52 =	vmul.f32 v36, v34;
	v40 =	vld [tilespmem:s19+$0x8650]  }
0xcb: {  	v13 =	vunpack.i.l.bf16.f32 v55;
	v11 =	vunpack.i.u.bf16.f32 v55;
	v9 =	vadd.f32 v9, v10;
	v10 =	vld [tilespmem:s19+$0x8250]  }
0xcc: {  	v35 =	vadd.f32 v31, v30;
	v27 =	vmul.f32 v17, v13;
	v28 =	vmul.f32 v63, v11  }
0xcd: {  	v13 =	vmul.f32 v63, v13;
	v41 =	vunpack.i.u.bf16.f32 v32;
	v11 =	vmul.f32 v17, v11  }
0xce: {  	v53 =	vld.idx.msk [tilespmem:v8+s20+$0xFFFFFFE0 ss:$0x1], $0xffff;
	v42 =	vunpack.i.l.bf16.f32 v32;
	v47 =	vmul.f32 v36, v29;
	v19 =	vsub.f32 v27, v28  }
0xcf: {  	v54 =	vld.idx.msk [tilespmem:v5+s20+$0xFFFFFFE0 ss:$0x1], $0xffff;
	v48 =	vmul.f32 v38, v34;
	v46 =	vunpack.i.l.bf16.f32 v40;
	v11 =	vadd.f32 v11, v13  }
0xd0: {  	v30 =	vld.idx.msk [tilespmem:v5+s20+$0xFFFFFFF0 ss:$0x1], $0xffff;
	v16 =	vadd.f32 v19, v33;
	v39 =	vunpack.i.u.bf16.f32 v10;
	v10 =	vunpack.i.l.bf16.f32 v10  }
0xd1: {  	v32 =	vld.idx.msk [tilespmem:v6+s20+$0xFFFFFFF0 ss:$0x1], $0xffff;
	v12 =	vunpack.i.u.bf16.f32 v62;
	v43 =	vmul.f32 v42, v10;
	v44 =	vmul.f32 v41, v39  }
0xd2: {  	v49 =	vld.idx.msk [tilespmem:v4+s20+$0xFFFFFFE0 ss:$0x1], $0xffff;
	v13 =	vsub.f32 v37, v14;
	v11 =	vadd.f32 v11, v12;
	v16 =	vmul.f32 v16, v35  }
0xd3: {  	v55 =	vld.idx.msk [tilespmem:v6+s20+$0xFFFFFFE0 ss:$0x1], $0xffff;
	v10 =	vmul.f32 v41, v10;
	v45 =	vmul.f32 v42, v39;
	v12 =	vsub.f32 v43, v44  }
0xd4: {  	v51 =	vadd.f32 v48, v47;
	v56 =	vld.idx.msk [tilespmem:v7+s20+$0xFFFFFFE0 ss:$0x1], $0xffff;
	v11 =	vmul.f32 v11, v13;
	v9 =	vadd.f32 v16, v9  }
0xd5: {  	v15 =	vmul.f32 v38, v29;
	v57 =	vld [tilespmem:s19+$0x8660];
	v10 =	vadd.f32 v45, v10;
	v12 =	vadd.f32 v12, v46  }
0xd6: {  	v58 =	vunpack.i.u.bf16.f32 v53;
	v50 =	vld [tilespmem:s19+$0x8260];
	v9 =	vadd.f32 v9, v11;
	v11 =	vunpack.i.u.bf16.f32 v40  }
0xd7: {  	v61 =	vld.idx.msk [tilespmem:v4+s20+$0xFFFFFFF0 ss:$0x1], $0xffff;
	v10 =	vadd.f32 v10, v11;
	v11 =	vsub.f32 v15, v52;
	v12 =	vmul.f32 v12, v51  }
0xd8: {  	v47 =	vmul.f32 v32, v30;
	v17 =	vunpack.i.l.bf16.f32 v53;
	v28 =	vld.idx.msk [tilespmem:v8+s20+$0xFFFFFFF0 ss:$0x1], $0xffff;
	v62 =	vmul.f32 v55, v49  }
0xd9: {  	v36 =	vld [tilespmem:s19+$0x8670];
	v63 =	vmul.f32 v56, v54;
	v10 =	vmul.f32 v10, v11;
	v9 =	vadd.f32 v12, v9  }
0xda: {  	v34 =	vld.idx.msk [tilespmem:v7+s20+$0xFFFFFFF0 ss:$0x1], $0xffff;
	v29 =	vunpack.i.l.bf16.f32 v57;
	v33 =	vmul.f32 v56, v49;
	v14 =	vmul.f32 v55, v54  }
0xdb: {  	v13 =	vunpack.i.l.bf16.f32 v50;
	v11 =	vunpack.i.u.bf16.f32 v50;
	v9 =	vadd.f32 v9, v10;
	v10 =	vld [tilespmem:s19+$0x8270]  }
0xdc: {  	v31 =	vadd.f32 v63, v62;
	v59 =	vmul.f32 v17, v13;
	v60 =	vmul.f32 v58, v11  }
0xdd: {  	v13 =	vmul.f32 v58, v13;
	v37 =	vunpack.i.u.bf16.f32 v28;
	v11 =	vmul.f32 v17, v11  }
0xde: {  	v38 =	vunpack.i.l.bf16.f32 v28;
	v42 =	vunpack.i.l.bf16.f32 v36;
	v19 =	vsub.f32 v59, v60  }
0xdf: {  	v43 =	vmul.f32 v32, v61;
	v44 =	vmul.f32 v34, v30;
	v11 =	vadd.f32 v11, v13  }
0xe0: {  	v16 =	vadd.f32 v19, v29;
	v35 =	vunpack.i.u.bf16.f32 v10;
	v10 =	vunpack.i.l.bf16.f32 v10  }
0xe1: {  	v12 =	vunpack.i.u.bf16.f32 v57;
	v39 =	vmul.f32 v38, v10;
	v40 =	vmul.f32 v37, v35  }
0xe2: {  	v13 =	vsub.f32 v33, v14;
	v11 =	vadd.f32 v11, v12;
	v16 =	vmul.f32 v16, v31  }
0xe3: {  	v10 =	vmul.f32 v37, v10;
	v41 =	vmul.f32 v38, v35;
	v12 =	vsub.f32 v39, v40  }
0xe4: {  	v45 =	vadd.f32 v44, v43;
	v11 =	vmul.f32 v11, v13;
	v9 =	vadd.f32 v16, v9  }
0xe5: {  	v46 =	vmul.f32 v34, v61;
	v10 =	vadd.f32 v41, v10;
	v12 =	vadd.f32 v12, v42  }
0xe6: {  	v9 =	vadd.f32 v9, v11;
	v11 =	vunpack.i.u.bf16.f32 v36  }
0xe7: {  	v10 =	vadd.f32 v10, v11;
	v11 =	vsub.f32 v46, v47;
	v12 =	vmul.f32 v12, v45;
	_ =	sdelay $0x1  }
0xe8: {  	v10 =	vmul.f32 v10, v11;
	v9 =	vadd.f32 v12, v9;
	_ =	sdelay $0x1  }
0xe9: {  	v9 =	vadd.f32 v9, v10  }
0xea: {  	s2 =	sadd.s32 $0x100, s24;
	s19 =	sadd.s32 $0x80, s17  }
0xeb: {  	s2 =	sand.u32 $0x3800, s2;
	s19 =	sand.u32 $0x380, s19;
	[tilespmem:s20+$0x1C300] =	vst v9  }
0xec: {  	s19 =	sor.u32 s19, s2;
	v9 =	vld.idx.msk [tilespmem:v4+s20+$0x0 ss:$0x1], $0xffff  }
0xed: {  	v10 =	vld [tilespmem:s19+$0x8200]  }
0xee: {  	v11 =	vld.idx.msk [tilespmem:v8+s20+$0x0 ss:$0x1], $0xffff  }
0xef: {  	v48 =	vld.idx.msk [tilespmem:v5+s20+$0x0 ss:$0x1], $0xffff  }
0xf0: {  	v49 =	vld.idx.msk [tilespmem:v6+s20+$0x0 ss:$0x1], $0xffff  }
0xf1: {  	v50 =	vld.idx.msk [tilespmem:v7+s20+$0x0 ss:$0x1], $0xffff  }
0xf2: {  	v52 =	vld [tilespmem:s19+$0x8600]  }
0xf3: {  	v56 =	vld.idx.msk [tilespmem:v4+s20+$0x10 ss:$0x1], $0xffff  }
0xf4: {  	v57 =	vld [tilespmem:s19+$0x8210]  }
0xf5: {  	v60 =	vld.idx.msk [tilespmem:v8+s20+$0x10 ss:$0x1], $0xffff  }
0xf6: {  	v62 =	vld.idx.msk [tilespmem:v5+s20+$0x10 ss:$0x1], $0xffff;
	v51 =	vunpack.i.u.bf16.f32 v10;
	v10 =	vunpack.i.l.bf16.f32 v10  }
0xf7: {  	v27 =	vld [tilespmem:s19+$0x8610];
	v53 =	vunpack.i.u.bf16.f32 v11;
	v11 =	vunpack.i.l.bf16.f32 v11;
	v58 =	vmul.f32 v49, v9  }
0xf8: {  	v24 =	vld.idx.msk [tilespmem:v6+s20+$0x10 ss:$0x1], $0xffff;
	v59 =	vmul.f32 v50, v48;
	v61 =	vunpack.i.l.bf16.f32 v52;
	v9 =	vmul.f32 v50, v9  }
0xf9: {  	v16 =	vunpack.i.u.bf16.f32 v52;
	v12 =	vmul.f32 v49, v48;
	v54 =	vmul.f32 v11, v10  }
0xfa: {  	v26 =	vunpack.i.u.bf16.f32 v57;
	v10 =	vmul.f32 v53, v10;
	v11 =	vmul.f32 v11, v51  }
0xfb: {  	v28 =	vunpack.i.l.bf16.f32 v57;
	v29 =	vunpack.i.u.bf16.f32 v60;
	v55 =	vmul.f32 v53, v51  }
0xfc: {  	v30 =	vunpack.i.l.bf16.f32 v60;
	v36 =	vunpack.i.l.bf16.f32 v27;
	v10 =	vadd.f32 v11, v10;
	v11 =	vld.idx.msk [tilespmem:v7+s20+$0x10 ss:$0x1], $0xffff  }
0xfd: {  	v39 =	vld.idx.msk [tilespmem:v4+s20+$0x20 ss:$0x1], $0xffff;
	v37 =	vmul.f32 v24, v56;
	v15 =	vmul.f32 v24, v62;
	v18 =	vsub.f32 v54, v55  }
0xfe: {  	v41 =	vld [tilespmem:s19+$0x8220];
	v31 =	vmul.f32 v30, v28;
	v32 =	vmul.f32 v29, v26;
	v22 =	vadd.f32 v59, v58  }
0xff: {  	v47 =	vld.idx.msk [tilespmem:v7+s20+$0x20 ss:$0x1], $0xffff;
	v35 =	vmul.f32 v29, v28;
	v9 =	vsub.f32 v9, v12;
	v63 =	vadd.f32 v18, v61  }
0x100: {  	v45 =	vld.idx.msk [tilespmem:v5+s20+$0x20 ss:$0x1], $0xffff;
	v14 =	vmul.f32 v30, v26;
	v34 =	vsub.f32 v31, v32;
	v10 =	vadd.f32 v10, v16  }
0x101: {  	v46 =	vld.idx.msk [tilespmem:v6+s20+$0x20 ss:$0x1], $0xffff;
	v44 =	vunpack.i.u.bf16.f32 v27;
	v25 =	vmul.f32 v63, v22;
	v38 =	vmul.f32 v11, v62  }
0x102: {  	v43 =	vld.idx.msk [tilespmem:v8+s20+$0x20 ss:$0x1], $0xffff;
	v40 =	vadd.f32 v14, v35;
	v9 =	vmul.f32 v10, v9;
	v10 =	vadd.f32 v34, v36  }
0x103: {  	v48 =	vld [tilespmem:s19+$0x8620];
	v11 =	vmul.f32 v11, v56;
	v33 =	vadd.f32 $0.0e+00, v25;
	v42 =	vadd.f32 v38, v37  }
0x104: {  	v52 =	vld.idx.msk [tilespmem:v4+s20+$0x30 ss:$0x1], $0xffff;
	v60 =	vmul.f32 v47, v39;
	v12 =	vadd.f32 v40, v44  }
0x105: {  	v59 =	vld.idx.msk [tilespmem:v6+s20+$0x30 ss:$0x1], $0xffff;
	v11 =	vsub.f32 v11, v15;
	v9 =	vadd.f32 v33, v9;
	v10 =	vmul.f32 v10, v42  }
0x106: {  	v57 =	vld.idx.msk [tilespmem:v5+s20+$0x30 ss:$0x1], $0xffff;
	v13 =	vmul.f32 v46, v45;
	v53 =	vmul.f32 v46, v39;
	v14 =	vunpack.i.l.bf16.f32 v41  }
0x107: {  	v55 =	vld.idx.msk [tilespmem:v8+s20+$0x30 ss:$0x1], $0xffff;
	v18 =	vunpack.i.l.bf16.f32 v43;
	v9 =	vadd.f32 v10, v9;
	v10 =	vmul.f32 v12, v11  }
0x108: {  	v49 =	vunpack.i.u.bf16.f32 v43;
	v54 =	vmul.f32 v47, v45;
	v61 =	vld.idx.msk [tilespmem:v7+s20+$0x30 ss:$0x1], $0xffff;
	v50 =	vmul.f32 v18, v14  }
0x109: {  	v14 =	vmul.f32 v49, v14;
	v11 =	vunpack.i.u.bf16.f32 v41;
	v9 =	vadd.f32 v9, v10;
	v10 =	vld [tilespmem:s19+$0x8230]  }
0x10a: {  	v13 =	vsub.f32 v60, v13;
	v40 =	vld.idx.msk [tilespmem:v8+s20+$0x40 ss:$0x1], $0xffff;
	v34 =	vmul.f32 v59, v52;
	v51 =	vmul.f32 v49, v11  }
0x10b: {  	v58 =	vadd.f32 v54, v53;
	v63 =	vld [tilespmem:s19+$0x8630];
	v39 =	vmul.f32 v59, v57;
	v11 =	vmul.f32 v18, v11  }
0x10c: {  	v43 =	vld.idx.msk [tilespmem:v7+s20+$0x40 ss:$0x1], $0xffff;
	v56 =	vunpack.i.l.bf16.f32 v48;
	v28 =	vunpack.i.u.bf16.f32 v55;
	v19 =	vsub.f32 v50, v51  }
0x10d: {  	v44 =	vld [tilespmem:s19+$0x8640];
	v29 =	vunpack.i.l.bf16.f32 v55;
	v35 =	vmul.f32 v61, v57;
	v11 =	vadd.f32 v11, v14  }
0x10e: {  	v36 =	vld.idx.msk [tilespmem:v4+s20+$0x40 ss:$0x1], $0xffff;
	v16 =	vadd.f32 v19, v56;
	v62 =	vunpack.i.u.bf16.f32 v10;
	v10 =	vunpack.i.l.bf16.f32 v10  }
0x10f: {  	v55 =	vld.idx.msk [tilespmem:v6+s20+$0x50 ss:$0x1], $0xffff;
	v12 =	vunpack.i.u.bf16.f32 v48;
	v30 =	vmul.f32 v29, v10;
	v31 =	vmul.f32 v28, v62  }
0x110: {  	v33 =	vunpack.i.l.bf16.f32 v63;
	v42 =	vld.idx.msk [tilespmem:v6+s20+$0x40 ss:$0x1], $0xffff;
	v11 =	vadd.f32 v11, v12;
	v16 =	vmul.f32 v16, v58  }
0x111: {  	v41 =	vld.idx.msk [tilespmem:v5+s20+$0x40 ss:$0x1], $0xffff;
	v10 =	vmul.f32 v28, v10;
	v32 =	vmul.f32 v29, v62;
	v12 =	vsub.f32 v30, v31  }
0x112: {  	v37 =	vld [tilespmem:s19+$0x8240];
	v38 =	vadd.f32 v35, v34;
	v11 =	vmul.f32 v11, v13;
	v9 =	vadd.f32 v16, v9  }
0x113: {  	v15 =	vmul.f32 v61, v52;
	v48 =	vld.idx.msk [tilespmem:v4+s20+$0x50 ss:$0x1], $0xffff;
	v10 =	vadd.f32 v32, v10;
	v12 =	vadd.f32 v12, v33  }
0x114: {  	v53 =	vld.idx.msk [tilespmem:v5+s20+$0x50 ss:$0x1], $0xffff;
	v45 =	vunpack.i.u.bf16.f32 v40;
	v9 =	vadd.f32 v9, v11;
	v11 =	vunpack.i.u.bf16.f32 v63  }
0x115: {  	v59 =	vld [tilespmem:s19+$0x8650];
	v10 =	vadd.f32 v10, v11;
	v11 =	vsub.f32 v15, v39;
	v12 =	vmul.f32 v12, v38  }
0x116: {  	v17 =	vunpack.i.l.bf16.f32 v40;
	v57 =	vld.idx.msk [tilespmem:v7+s20+$0x50 ss:$0x1], $0xffff;
	v49 =	vmul.f32 v42, v36;
	v50 =	vmul.f32 v43, v41  }
0x117: {  	v51 =	vld.idx.msk [tilespmem:v8+s20+$0x50 ss:$0x1], $0xffff;
	v56 =	vmul.f32 v43, v36;
	v10 =	vmul.f32 v10, v11;
	v9 =	vadd.f32 v12, v9  }
0x118: {  	v14 =	vmul.f32 v42, v41;
	v27 =	vmul.f32 v55, v48;
	v13 =	vunpack.i.l.bf16.f32 v37  }
0x119: {  	v46 =	vmul.f32 v17, v13;
	v11 =	vunpack.i.u.bf16.f32 v37;
	v9 =	vadd.f32 v9, v10;
	v10 =	vld [tilespmem:s19+$0x8250]  }
0x11a: {  	v52 =	vunpack.i.l.bf16.f32 v44;
	v13 =	vmul.f32 v45, v13;
	v47 =	vmul.f32 v45, v11  }
0x11b: {  	v26 =	vunpack.i.l.bf16.f32 v59;
	v28 =	vmul.f32 v57, v53;
	v11 =	vmul.f32 v17, v11  }
0x11c: {  	v34 =	vld.idx.msk [tilespmem:v5+s20+$0x60 ss:$0x1], $0xffff;
	v54 =	vadd.f32 v50, v49;
	v60 =	vunpack.i.u.bf16.f32 v51;
	v19 =	vsub.f32 v46, v47  }
0x11d: {  	v35 =	vld.idx.msk [tilespmem:v6+s20+$0x60 ss:$0x1], $0xffff;
	v61 =	vunpack.i.l.bf16.f32 v51;
	v31 =	vadd.f32 v28, v27;
	v11 =	vadd.f32 v11, v13  }
0x11e: {  	v36 =	vld.idx.msk [tilespmem:v7+s20+$0x60 ss:$0x1], $0xffff;
	v16 =	vadd.f32 v19, v52;
	v58 =	vunpack.i.u.bf16.f32 v10;
	v10 =	vunpack.i.l.bf16.f32 v10  }
0x11f: {  	v41 =	vld.idx.msk [tilespmem:v4+s20+$0x70 ss:$0x1], $0xffff;
	v12 =	vunpack.i.u.bf16.f32 v44;
	v62 =	vmul.f32 v61, v10;
	v63 =	vmul.f32 v60, v58  }
0x120: {  	v29 =	vld.idx.msk [tilespmem:v4+s20+$0x60 ss:$0x1], $0xffff;
	v13 =	vsub.f32 v56, v14;
	v11 =	vadd.f32 v11, v12;
	v16 =	vmul.f32 v16, v54  }
0x121: {  	v33 =	vld.idx.msk [tilespmem:v8+s20+$0x60 ss:$0x1], $0xffff;
	v10 =	vmul.f32 v60, v10;
	v25 =	vmul.f32 v61, v58;
	v12 =	vsub.f32 v62, v63  }
0x122: {  	v50 =	vld.idx.msk [tilespmem:v7+s20+$0x70 ss:$0x1], $0xffff;
	v32 =	vmul.f32 v55, v53;
	v11 =	vmul.f32 v11, v13;
	v9 =	vadd.f32 v16, v9  }
0x123: {  	v15 =	vmul.f32 v57, v48;
	v37 =	vld [tilespmem:s19+$0x8660];
	v10 =	vadd.f32 v25, v10;
	v12 =	vadd.f32 v12, v26  }
0x124: {  	v30 =	vld [tilespmem:s19+$0x8260];
	v43 =	vmul.f32 v36, v34;
	v9 =	vadd.f32 v9, v11;
	v11 =	vunpack.i.u.bf16.f32 v59  }
0x125: {  	v44 =	vld.idx.msk [tilespmem:v8+s20+$0x70 ss:$0x1], $0xffff;
	v10 =	vadd.f32 v10, v11;
	v11 =	vsub.f32 v15, v32;
	v12 =	vmul.f32 v12, v31  }
0x126: {  	v42 =	vmul.f32 v35, v29;
	v49 =	vmul.f32 v36, v29;
	v38 =	vunpack.i.u.bf16.f32 v33;
	v46 =	vld.idx.msk [tilespmem:v5+s20+$0x70 ss:$0x1], $0xffff  }
0x127: {  	v17 =	vunpack.i.l.bf16.f32 v33;
	v52 =	vld [tilespmem:s19+$0x8670];
	v10 =	vmul.f32 v10, v11;
	v9 =	vadd.f32 v12, v9  }
0x128: {  	v48 =	vld.idx.msk [tilespmem:v6+s20+$0x70 ss:$0x1], $0xffff;
	v47 =	vadd.f32 v43, v42;
	v14 =	vmul.f32 v35, v34;
	v45 =	vunpack.i.l.bf16.f32 v37  }
0x129: {  	v13 =	vunpack.i.l.bf16.f32 v30;
	v11 =	vunpack.i.u.bf16.f32 v30;
	v9 =	vadd.f32 v9, v10;
	v10 =	vld [tilespmem:s19+$0x8270]  }
0x12a: {  	v53 =	vunpack.i.u.bf16.f32 v44;
	v39 =	vmul.f32 v17, v13;
	v40 =	vmul.f32 v38, v11  }
0x12b: {  	v54 =	vunpack.i.l.bf16.f32 v44;
	v13 =	vmul.f32 v38, v13;
	v11 =	vmul.f32 v17, v11  }
0x12c: {  	v58 =	vunpack.i.l.bf16.f32 v52;
	v60 =	vmul.f32 v50, v46;
	v19 =	vsub.f32 v39, v40  }
0x12d: {  	v59 =	vmul.f32 v48, v41;
	v62 =	vmul.f32 v50, v41;
	v11 =	vadd.f32 v11, v13  }
0x12e: {  	v16 =	vadd.f32 v19, v45;
	v51 =	vunpack.i.u.bf16.f32 v10;
	v10 =	vunpack.i.l.bf16.f32 v10  }
0x12f: {  	v12 =	vunpack.i.u.bf16.f32 v37;
	v55 =	vmul.f32 v54, v10;
	v56 =	vmul.f32 v53, v51  }
0x130: {  	v13 =	vsub.f32 v49, v14;
	v11 =	vadd.f32 v11, v12;
	v16 =	vmul.f32 v16, v47  }
0x131: {  	v10 =	vmul.f32 v53, v10;
	v57 =	vmul.f32 v54, v51;
	v12 =	vsub.f32 v55, v56  }
0x132: {  	v61 =	vadd.f32 v60, v59;
	v11 =	vmul.f32 v11, v13;
	v9 =	vadd.f32 v16, v9  }
0x133: {  	v63 =	vmul.f32 v48, v46;
	v10 =	vadd.f32 v57, v10;
	v12 =	vadd.f32 v12, v58  }
0x134: {  	v9 =	vadd.f32 v9, v11;
	v11 =	vunpack.i.u.bf16.f32 v52  }
0x135: {  	s10 =	sadd.s32 $0x2, s10;
	v10 =	vadd.f32 v10, v11;
	v11 =	vsub.f32 v62, v63;
	v12 =	vmul.f32 v12, v61  }
0x136: {  	p1 =	slt.u32 s10, $0xE  }
.Ltmp0:
0x137: {  	v10 =	vmul.f32 v10, v11;
	v9 =	vadd.f32 v12, v9;
	(pc) =	sbr.rel @p1 .LBB2_4-.Ltmp0, $3  }
0x138: {  	_ = 	snop  }
0x139: {  	v9 =	vadd.f32 v9, v10;
	_ =	sdelay $0x1  }
0x13a: {  	s13 =	sadd.s32 $0x400, s13;
	s24 =	sadd.s32 $0x200, s24;
	s17 =	sadd.s32 $0x100, s17;
	[tilespmem:s20+$0x1C380] =	vst v9  }
0x13b: {  	v4 =	vmul.u32 $0x80, v0;
	_ =	sdelay $0x1  }
0x13c: {  	v5 =	vor.u32 $0x1, v4;
	_ =	sdelay $0x1  }
0x13d: {  	v6 =	vor.u32 $0x2, v4;
	_ =	sdelay $0x1  }
0x13e: {  	v7 =	vor.u32 $0x3, v4;
	v10 =	vld.idx.msk [tilespmem:v4+s11+$0x0], $0xffff  }
0x13f: {  	v11 =	vld.idx.msk [tilespmem:v5+s11+$0x0], $0xffff  }
0x140: {  	v8 =	vor.u32 $0x4, v4  }
0x141: {  	v12 =	vld.idx.msk [tilespmem:v6+s11+$0x0], $0xffff  }
0x142: {  	v9 =	vor.u32 $0x5, v4  }
0x143: {  	v13 =	vld.idx.msk [tilespmem:v7+s11+$0x0], $0xffff  }
0x144: {  	v11 =	vadd.f32 v11, v10;
	v10 =	vor.u32 $0x6, v4  }
0x145: {  	v14 =	vld.idx.msk [tilespmem:v8+s11+$0x0], $0xffff  }
0x146: {  	v12 =	vadd.f32 v12, v11;
	v11 =	vor.u32 $0x7, v4  }
0x147: {  	v15 =	vld.idx.msk [tilespmem:v9+s11+$0x0], $0xffff  }
0x148: {  	v13 =	vadd.f32 v13, v12;
	v12 =	vor.u32 $0x8, v4  }
0x149: {  	v16 =	vld.idx.msk [tilespmem:v10+s11+$0x0], $0xffff  }
0x14a: {  	v14 =	vadd.f32 v14, v13;
	v13 =	vor.u32 $0x9, v4  }
0x14b: {  	v17 =	vld.idx.msk [tilespmem:v11+s11+$0x0], $0xffff  }
0x14c: {  	v15 =	vadd.f32 v15, v14;
	v14 =	vor.u32 $0xA, v4  }
0x14d: {  	v18 =	vld.idx.msk [tilespmem:v12+s11+$0x0], $0xffff  }
0x14e: {  	v16 =	vadd.f32 v16, v15;
	v15 =	vor.u32 $0xB, v4  }
0x14f: {  	v19 =	vld.idx.msk [tilespmem:v13+s11+$0x0], $0xffff  }
0x150: {  	v17 =	vadd.f32 v17, v16;
	v16 =	vor.u32 $0xC, v4  }
0x151: {  	v20 =	vld.idx.msk [tilespmem:v14+s11+$0x0], $0xffff  }
0x152: {  	v18 =	vadd.f32 v18, v17;
	v17 =	vor.u32 $0xD, v4  }
0x153: {  	v21 =	vld.idx.msk [tilespmem:v15+s11+$0x0], $0xffff  }
0x154: {  	v19 =	vadd.f32 v19, v18;
	v18 =	vor.u32 $0xE, v4  }
0x155: {  	v22 =	vld.idx.msk [tilespmem:v16+s11+$0x0], $0xffff  }
0x156: {  	v20 =	vadd.f32 v20, v19;
	v19 =	vor.u32 $0xF, v4  }
0x157: {  	v23 =	vld.idx.msk [tilespmem:v17+s11+$0x0], $0xffff  }
0x158: {  	v20 =	vadd.f32 v21, v20  }
0x159: {  	v62 =	vld.idx.msk [tilespmem:v18+s11+$0x0], $0xffff  }
0x15a: {  	v20 =	vadd.f32 v22, v20  }
0x15b: {  	v63 =	vld.idx.msk [tilespmem:v19+s11+$0x0], $0xffff  }
0x15c: {  	s31 =	sadd.s32 $0x1, s31;
	v20 =	vadd.f32 v23, v20  }
0x15d: {  	p1 =	sne.s32 s31, $0x4  }
.Ltmp1:
0x15e: {  	v20 =	vadd.f32 v62, v20;
	(pc) =	sbr.rel @p1 .LBB2_3-.Ltmp1, $4  }
0x15f: {  	_ = 	snop  }
0x160: {  	v20 =	vadd.f32 v63, v20  }
0x161: {  	s4 =	sadd.s32 $0x1000, s4;
	s25 =	sadd.s32 $0x800, s25;
	s26 =	sadd.s32 $0x800, s26  }
0x162: {  	s28 =	sadd.s32 $0x800, s28;
	s29 =	sadd.s32 $0x800, s29;
	s30 =	sadd.s32 $0x800, s30;
	[tilespmem:s18+$0x1C200] =	vst v20  }
0x163: {  	s2 =	sshrl.u32 s23, $0x3  }
0x164: {  	s4 =	simm.s32 $0x1C200;
	s2 =	sadd.s32 s16, s2  }
0x165: {  	[hbm4b:s2+s5] =	stream.linear.scatter [tilespmem:s4], [sflag:$0x5], $0x40, $0x38;
	[tilespmem:$0x1CB00] =	vst v63  }
0x166: {  	_ =	swait.ge [sflag:s14], $0x2000  }
0x167: {  	[sflag:s14] =	ssyncset.done $0x0  }
0x168: {  	[sflag:s14] =	ssyncadd.s32 $0xFFFFE000  }
0x169: {  	_ =	swait.ge [sflag:s14], $0x2000  }
0x16a: {  	[sflag:s14] =	ssyncset.done $0x0  }
0x16b: {  	[sflag:s14] =	ssyncadd.s32 $0xFFFFE000  }
0x16c: {  	_ =	swait.ge [sflag:s14], $0x2000  }
0x16d: {  	[sflag:s14] =	ssyncset.done $0x0  }
0x16e: {  	[sflag:s14] =	ssyncadd.s32 $0xFFFFE000  }
0x16f: {  	_ =	swait.ge [sflag:s14], $0x2000  }
0x170: {  	[sflag:s14] =	ssyncset.done $0x0  }
0x171: {  	[sflag:s14] =	ssyncadd.s32 $0xFFFFE000  }
0x172: {  	_ =	swait.ge [sflag:s14], $0x4000  }
0x173: {  	[sflag:s14] =	ssyncset.done $0x0  }
0x174: {  	[sflag:s14] =	ssyncadd.s32 $0xFFFFC000  }
0x175: {  	s2 =	sadd.s32 @!p0 s9, s22;
	_ =	swait.ge [sflag:s14], $0x2000  }
0x176: {  	s10 =	simm.s32 @!p0 $0x100;
	s2 =	sshll.u32 @!p0 s2, $0x5;
	[sflag:s14] =	ssyncset.done $0x0  }
0x177: {  	s4 =	simm.s32 @!p0 $0x0;
	s2 =	sadd.s32 @!p0 s2, s12;
	[sflag:s14] =	ssyncadd.s32 $0xFFFFE000  }
0x178: {  	[tilespmem:s10], [sflag:$0x4] =	stream.linear.gather @!p0 [hbm4b:s2+s4], $0x100, $0x38;
	[tilespmem:$0x1CB00] =	vst v63  }
0x179: {  	s2 =	simm.s32 @!p0 $0x3  }
0x17a: {  	_ =	swait.ge @!p0 [sflag:s2], $0x100  }
0x17b: {  	[sflag:s2] =	ssyncset.done @!p0 $0x0  }
0x17c: {  	s10 =	simm.s32 @!p0 $0x40;
	[sflag:s2] =	ssyncadd.s32 @!p0 $0xFFFFFF00;
	s2 =	simm.s32 @!p0 $0x200  }
0x17d: {  	[tilespmem:s2], [sflag:$0x1] =	stream.indirect.gather @!p0 [hbm4b:s1+s10], $0x80, s4, s10, $0xb8;
	[tilespmem:$0x1CB00] =	vst v63  }
0x17e: {  	s2 =	simm.s32 @!p0 $0x2200  }
0x17f: {  	[tilespmem:s2], [sflag:$0x1] =	stream.indirect.gather @!p0 [hbm4b:s3+s10], $0x80, s4, s10, $0xb8;
	[tilespmem:$0x1CB00] =	vst v63  }
0x180: {  	s13 =	simm.s32 @!p0 $0x4200;
	s2 =	simm.s32 @!p0 $0x80  }
0x181: {  	[tilespmem:s13], [sflag:$0x1] =	stream.indirect.gather @!p0 [hbm4b:s1+s10], $0x80, s2, s10, $0xb8;
	[tilespmem:$0x1CB00] =	vst v63  }
0x182: {  	s13 =	simm.s32 @!p0 $0x6200  }
0x183: {  	[tilespmem:s13], [sflag:$0x1] =	stream.indirect.gather @!p0 [hbm4b:s3+s10], $0x80, s2, s10, $0xb8;
	[tilespmem:$0x1CB00] =	vst v63  }
0x184: {  	v20 =	vld @!p0 [tilespmem:$0x40];
	_ =	sdelay $0x4  }
0x185: {  	v21 =	vshll.u32 @!p0 v20, $0x1  }
0x186: {  	v22 =	vlaneseq.u32 @!p0;
	v20 =	vand.u32 @!p0 $0x7, v20;
	v21 =	vand.u32 @!p0 $0xFFFFFFF0, v21  }
0x187: {  	v23 =	vshrl.u32 @!p0 v22, $0x3;
	v20 =	vor.u32 @!p0 v20, v21;
	v21 =	vand.u32 @!p0 $0x7, v22  }
0x188: {  	v23 =	vmul.u32 @!p0 $0x8, v23;
	v24 =	vperm.xlane @!p0 v20, v21  }
0x189: {  	v22 =	vor.u32 @!p0 $0x8, v22  }
0x18a: {  	v20 =	vperm.xlane @!p0 v20, v22;
	v24 =	vadd.s32 @!p0 v23, v24;
	_ =	sdelay $0x1  }
0x18b: {  	v20 =	vadd.s32 @!p0 v23, v20;
	_ =	sdelay $0x1  }
0x18c: {  	vm1 =	vmmov @!p0 $0xffff;
	s2 =	simm.s32 @!p0 $0x8200  }
0x18d: {  	[tilespmem:s2], [sflag:$0x1] =	stream.indirect_vreg.gather @!p0 [hbm4b:s6+s4], $0x80, v24, vm1, $0xb8;
	[tilespmem:$0x1CB00] =	vst v63  }
0x18e: {  	s2 =	simm.s32 @!p0 $0x8A00  }
0x18f: {  	[tilespmem:s2], [sflag:$0x1] =	stream.indirect_vreg.gather @!p0 [hbm4b:s6+s4], $0x80, v20, vm1, $0xb8;
	[tilespmem:$0x1CB00] =	vst v63  }
0x190: {  	v20 =	vld @!p0 [tilespmem:$0x50];
	_ =	sdelay $0x4  }
0x191: {  	v24 =	vshll.u32 @!p0 v20, $0x1  }
0x192: {  	v20 =	vand.u32 @!p0 $0x7, v20;
	v24 =	vand.u32 @!p0 $0xFFFFFFF0, v24  }
0x193: {  	v20 =	vor.u32 @!p0 v20, v24  }
0x194: {  	v24 =	vperm.xlane @!p0 v20, v21;
	_ =	sdelay $0x1  }
0x195: {  	v20 =	vperm.xlane @!p0 v20, v22;
	v24 =	vadd.s32 @!p0 v23, v24;
	_ =	sdelay $0x1  }
0x196: {  	v20 =	vadd.s32 @!p0 v23, v20;
	_ =	sdelay $0x1  }
0x197: {  	s2 =	simm.s32 @!p0 $0x9200  }
0x198: {  	[tilespmem:s2], [sflag:$0x1] =	stream.indirect_vreg.gather @!p0 [hbm4b:s6+s4], $0x80, v24, vm1, $0xb8;
	[tilespmem:$0x1CB00] =	vst v63  }
0x199: {  	s2 =	simm.s32 @!p0 $0x9A00  }
0x19a: {  	[tilespmem:s2], [sflag:$0x1] =	stream.indirect_vreg.gather @!p0 [hbm4b:s6+s4], $0x80, v20, vm1, $0xb8;
	[tilespmem:$0x1CB00] =	vst v63  }
0x19b: {  	v20 =	vld @!p0 [tilespmem:$0x60];
	_ =	sdelay $0x4  }
0x19c: {  	v24 =	vshll.u32 @!p0 v20, $0x1  }
0x19d: {  	v20 =	vand.u32 @!p0 $0x7, v20;
	v24 =	vand.u32 @!p0 $0xFFFFFFF0, v24  }
0x19e: {  	v20 =	vor.u32 @!p0 v20, v24  }
0x19f: {  	v24 =	vperm.xlane @!p0 v20, v21;
	_ =	sdelay $0x1  }
0x1a0: {  	v20 =	vperm.xlane @!p0 v20, v22;
	v24 =	vadd.s32 @!p0 v23, v24;
	_ =	sdelay $0x1  }
0x1a1: {  	v20 =	vadd.s32 @!p0 v23, v20;
	_ =	sdelay $0x1  }
0x1a2: {  	s2 =	simm.s32 @!p0 $0xA200  }
0x1a3: {  	[tilespmem:s2], [sflag:$0x1] =	stream.indirect_vreg.gather @!p0 [hbm4b:s6+s4], $0x80, v24, vm1, $0xb8;
	[tilespmem:$0x1CB00] =	vst v63  }
0x1a4: {  	s2 =	simm.s32 @!p0 $0xAA00  }
0x1a5: {  	[tilespmem:s2], [sflag:$0x1] =	stream.indirect_vreg.gather @!p0 [hbm4b:s6+s4], $0x80, v20, vm1, $0xb8;
	[tilespmem:$0x1CB00] =	vst v63  }
0x1a6: {  	v20 =	vld @!p0 [tilespmem:$0x70];
	_ =	sdelay $0x4  }
0x1a7: {  	v24 =	vshll.u32 @!p0 v20, $0x1  }
0x1a8: {  	v20 =	vand.u32 @!p0 $0x7, v20;
	v24 =	vand.u32 @!p0 $0xFFFFFFF0, v24  }
0x1a9: {  	v20 =	vor.u32 @!p0 v20, v24  }
0x1aa: {  	v21 =	vperm.xlane @!p0 v20, v21;
	_ =	sdelay $0x1  }
0x1ab: {  	v20 =	vperm.xlane @!p0 v20, v22;
	v21 =	vadd.s32 @!p0 v23, v21;
	_ =	sdelay $0x1  }
0x1ac: {  	v20 =	vadd.s32 @!p0 v23, v20;
	_ =	sdelay $0x1  }
0x1ad: {  	s2 =	simm.s32 @!p0 $0xB200  }
0x1ae: {  	[tilespmem:s2], [sflag:$0x1] =	stream.indirect_vreg.gather @!p0 [hbm4b:s6+s4], $0x80, v21, vm1, $0xb8;
	[tilespmem:$0x1CB00] =	vst v63  }
0x1af: {  	s2 =	simm.s32 @!p0 $0xBA00  }
0x1b0: {  	[tilespmem:s2], [sflag:$0x1] =	stream.indirect_vreg.gather @!p0 [hbm4b:s6+s4], $0x80, v20, vm1, $0xb8;
	[tilespmem:$0x1CB00] =	vst v63  }
0x1b1: {  	p1 =	seq.s32 @!p0 s21, $0x0;
	s2 =	simm.s32 @!p0 $0xC0;
	s4 =	simm.s32 @!p0 $0xC200  }
0x1b2: {  	[tilespmem:s4], [sflag:$0x1] =	stream.indirect.gather @!p0 [hbm4b:s7+s10], $0x80, s2, s10, $0xb8;
	[tilespmem:$0x1CB00] =	vst v63  }
0x1b3: {  	s31 =	sshll.u32 s22, $0x6;
	p0 =	por p0, !p1  }
0x1b4: {  	s17 =	simm.s32 $0x0;
	s23 =	simm.s32 $0x1A280;
	s2 =	simm.s32 @p0 $0x6  }
0x1b5: {  	s24 =	simm.s32 $0x14280;
	s25 =	simm.s32 $0x12280;
	_ =	swait.ge @p0 [sflag:s2], $0x40  }
0x1b6: {  	s26 =	simm.s32 $0x10280;
	s28 =	simm.s32 $0xE280;
	[sflag:s2] =	ssyncset.done @p0 $0x0  }
0x1b7: {  	s29 =	simm.s32 $0x0;
	s22 =	sadd.s32 s8, s31;
	[sflag:s2] =	ssyncadd.s32 @p0 $0xFFFFFFC0  }
.LBB2_7:
0x1b8: {  	v20 =	vmov s28  }
0x1b9: {  	v24 =	vmov s23  }
0x1ba: {  	s30 =	sshll.u32 s29, $0x4;
	v21 =	vmov s26;
	s31 =	simm.s32 $0xFFFFFFFE  }
0x1bb: {  	v22 =	vmov s25;
	v23 =	vmov s24;
	s10 =	simm.s32 $0x0;
	s13 =	simm.s32 $0x0;
	s18 =	smov.u32 s17  }
.LBB2_8:
0x1bc: {  	s4 =	sshra.s32 s10, $0x2  }
0x1bd: {  	v25 =	vld.idx.msk [tilespmem:v20+s4+$0xFFFFFF80 ss:$0x1], $0xffff  }
0x1be: {  	v27 =	vld.idx.msk [tilespmem:v24+s4+$0xFFFFFF80 ss:$0x1], $0xffff  }
0x1bf: {  	v28 =	vld.idx.msk [tilespmem:v21+s4+$0xFFFFFF80 ss:$0x1], $0xffff  }
0x1c0: {  	v29 =	vld.idx.msk [tilespmem:v22+s4+$0xFFFFFF80 ss:$0x1], $0xffff  }
0x1c1: {  	v30 =	vld.idx.msk [tilespmem:v23+s4+$0xFFFFFF80 ss:$0x1], $0xffff  }
0x1c2: {  	s2 =	sand.u32 $0x3800, s18;
	s19 =	sand.u32 $0x300, s13;
	v36 =	vld.idx.msk [tilespmem:v20+s4+$0xFFFFFF90 ss:$0x1], $0xffff  }
0x1c3: {  	s2 =	sor.u32 s19, s2;
	v39 =	vld.idx.msk [tilespmem:v24+s4+$0xFFFFFF90 ss:$0x1], $0xffff  }
0x1c4: {  	v26 =	vld [tilespmem:s2+$0x16200]  }
0x1c5: {  	v60 =	vld.idx.msk [tilespmem:v22+s4+$0xFFFFFF90 ss:$0x1], $0xffff  }
0x1c6: {  	s19 =	sadd.s32 $0x16200, s2  }
0x1c7: {  	v32 =	vld [tilespmem:s19+$0x400];
	v33 =	vunpack.i.u.bf16.f32 v27;
	v56 =	vmul.f32 v29, v25  }
0x1c8: {  	v37 =	vld [tilespmem:s19+$0x10];
	v27 =	vunpack.i.l.bf16.f32 v27;
	v38 =	vmul.f32 v30, v28;
	v25 =	vmul.f32 v30, v25  }
0x1c9: {  	v57 =	vld.idx.msk [tilespmem:v21+s4+$0xFFFFFF90 ss:$0x1], $0xffff;
	v28 =	vmul.f32 v29, v28;
	v31 =	vunpack.i.u.bf16.f32 v26;
	v26 =	vunpack.i.l.bf16.f32 v26  }
0x1ca: {  	v43 =	vunpack.i.u.bf16.f32 v39;
	v51 =	vmul.f32 v60, v36;
	v34 =	vmul.f32 v27, v26  }
0x1cb: {  	v53 =	vld.idx.msk [tilespmem:v20+s4+$0xFFFFFFA0 ss:$0x1], $0xffff;
	v44 =	vunpack.i.l.bf16.f32 v39;
	v26 =	vmul.f32 v33, v26;
	v27 =	vmul.f32 v27, v31  }
0x1cc: {  	v63 =	vld [tilespmem:s19+$0x410];
	v35 =	vmul.f32 v33, v31;
	v40 =	vunpack.i.l.bf16.f32 v32;
	v59 =	vadd.f32 v38, v56  }
0x1cd: {  	v32 =	vunpack.i.u.bf16.f32 v32;
	v62 =	vunpack.i.u.bf16.f32 v37;
	v26 =	vadd.f32 v27, v26;
	v27 =	vld.idx.msk [tilespmem:v23+s4+$0xFFFFFF90 ss:$0x1], $0xffff  }
0x1ce: {  	v55 =	vld [tilespmem:s19+$0x20];
	v42 =	vunpack.i.l.bf16.f32 v37;
	v31 =	vmul.f32 v60, v57;
	v34 =	vsub.f32 v34, v35  }
0x1cf: {  	v25 =	vsub.f32 v25, v28;
	v60 =	vld.idx.msk [tilespmem:v22+s4+$0xFFFFFFA0 ss:$0x1], $0xffff;
	v45 =	vmul.f32 v44, v42;
	v46 =	vmul.f32 v43, v62  }
0x1d0: {  	v49 =	vmul.f32 v43, v42;
	v30 =	vmul.f32 v44, v62;
	v62 =	vld [tilespmem:s19+$0x420];
	v58 =	vadd.f32 v34, v40  }
0x1d1: {  	v50 =	vunpack.i.l.bf16.f32 v63;
	v48 =	vsub.f32 v45, v46;
	v46 =	vld.idx.msk [tilespmem:v24+s4+$0xFFFFFFB0 ss:$0x1], $0xffff;
	v26 =	vadd.f32 v26, v32  }
0x1d2: {  	v54 =	vadd.f32 v30, v49;
	v61 =	vmul.f32 v58, v59;
	v59 =	vld.idx.msk [tilespmem:v21+s4+$0xFFFFFFA0 ss:$0x1], $0xffff;
	v52 =	vmul.f32 v27, v57  }
0x1d3: {  	v25 =	vmul.f32 v26, v25;
	v26 =	vadd.f32 v48, v50;
	v58 =	vunpack.i.u.bf16.f32 v63;
	v57 =	vld.idx.msk [tilespmem:v24+s4+$0xFFFFFFA0 ss:$0x1], $0xffff  }
0x1d4: {  	v37 =	vld.idx.msk [tilespmem:v20+s4+$0xFFFFFFB0 ss:$0x1], $0xffff;
	v27 =	vmul.f32 v27, v36;
	v47 =	vadd.f32 $0.0e+00, v61;
	v56 =	vadd.f32 v52, v51  }
0x1d5: {  	v30 =	vunpack.i.l.bf16.f32 v55;
	v44 =	vmul.f32 v60, v53;
	v28 =	vadd.f32 v54, v58;
	v61 =	vld.idx.msk [tilespmem:v23+s4+$0xFFFFFFA0 ss:$0x1], $0xffff  }
0x1d6: {  	v48 =	vld.idx.msk [tilespmem:v21+s4+$0xFFFFFFB0 ss:$0x1], $0xffff;
	v27 =	vsub.f32 v27, v31;
	v25 =	vadd.f32 v47, v25;
	v26 =	vmul.f32 v26, v56  }
0x1d7: {  	v50 =	vld.idx.msk [tilespmem:v22+s4+$0xFFFFFFB0 ss:$0x1], $0xffff;
	v47 =	vunpack.i.l.bf16.f32 v62;
	v29 =	vmul.f32 v60, v59;
	v56 =	vunpack.i.l.bf16.f32 v46  }
0x1d8: {  	v52 =	vld.idx.msk [tilespmem:v23+s4+$0xFFFFFFB0 ss:$0x1], $0xffff;
	v34 =	vunpack.i.l.bf16.f32 v57;
	v25 =	vadd.f32 v26, v25;
	v26 =	vmul.f32 v28, v27  }
0x1d9: {  	v63 =	vunpack.i.u.bf16.f32 v57;
	v27 =	vunpack.i.u.bf16.f32 v55;
	v42 =	vmul.f32 v34, v30  }
0x1da: {  	v45 =	vmul.f32 v61, v59;
	v30 =	vmul.f32 v63, v30;
	v25 =	vadd.f32 v25, v26;
	v26 =	vld [tilespmem:s19+$0x30]  }
0x1db: {  	v54 =	vld [tilespmem:s19+$0x430];
	v28 =	vunpack.i.u.bf16.f32 v62;
	v51 =	vmul.f32 v61, v53;
	v43 =	vmul.f32 v63, v27  }
0x1dc: {  	v55 =	vunpack.i.u.bf16.f32 v46;
	v61 =	vmul.f32 v50, v37;
	v27 =	vmul.f32 v34, v27  }
0x1dd: {  	v46 =	vmul.f32 v50, v48;
	v62 =	vmul.f32 v52, v48;
	v35 =	vsub.f32 v42, v43  }
0x1de: {  	v50 =	vld.idx.msk [tilespmem:v23+s4+$0xFFFFFFC0 ss:$0x1], $0xffff;
	v31 =	vmul.f32 v52, v37;
	v49 =	vadd.f32 v45, v44;
	v27 =	vadd.f32 v27, v30  }
0x1df: {  	v63 =	vld.idx.msk [tilespmem:v20+s4+$0xFFFFFFC0 ss:$0x1], $0xffff;
	v32 =	vadd.f32 v35, v47;
	v53 =	vunpack.i.u.bf16.f32 v26;
	v26 =	vunpack.i.l.bf16.f32 v26  }
0x1e0: {  	v60 =	vunpack.i.l.bf16.f32 v54;
	v44 =	vld [tilespmem:s19+$0x40];
	v57 =	vmul.f32 v56, v26;
	v58 =	vmul.f32 v55, v53  }
0x1e1: {  	v48 =	vld.idx.msk [tilespmem:v21+s4+$0xFFFFFFC0 ss:$0x1], $0xffff;
	v29 =	vsub.f32 v51, v29;
	v27 =	vadd.f32 v27, v28;
	v32 =	vmul.f32 v32, v49  }
0x1e2: {  	v47 =	vld.idx.msk [tilespmem:v24+s4+$0xFFFFFFC0 ss:$0x1], $0xffff;
	v26 =	vmul.f32 v55, v26;
	v59 =	vmul.f32 v56, v53;
	v28 =	vsub.f32 v57, v58  }
0x1e3: {  	v51 =	vld [tilespmem:s19+$0x440];
	v45 =	vadd.f32 v62, v61;
	v27 =	vmul.f32 v27, v29;
	v25 =	vadd.f32 v32, v25  }
0x1e4: {  	v62 =	vmul.f32 v50, v63;
	v49 =	vld.idx.msk [tilespmem:v22+s4+$0xFFFFFFC0 ss:$0x1], $0xffff;
	v26 =	vadd.f32 v59, v26;
	v28 =	vadd.f32 v28, v60  }
0x1e5: {  	v37 =	vld.idx.msk [tilespmem:v20+s4+$0xFFFFFFD0 ss:$0x1], $0xffff;
	v29 =	vunpack.i.l.bf16.f32 v44;
	v25 =	vadd.f32 v25, v27;
	v27 =	vunpack.i.u.bf16.f32 v54  }
0x1e6: {  	v61 =	vld.idx.msk [tilespmem:v22+s4+$0xFFFFFFD0 ss:$0x1], $0xffff;
	v26 =	vadd.f32 v26, v27;
	v27 =	vsub.f32 v31, v46;
	v28 =	vmul.f32 v28, v45  }
0x1e7: {  	v56 =	vmul.f32 v50, v48;
	v52 =	vunpack.i.u.bf16.f32 v47;
	v33 =	vunpack.i.l.bf16.f32 v47;
	v57 =	vld.idx.msk [tilespmem:v24+s4+$0xFFFFFFD0 ss:$0x1], $0xffff  }
0x1e8: {  	v59 =	vld.idx.msk [tilespmem:v21+s4+$0xFFFFFFD0 ss:$0x1], $0xffff;
	v53 =	vmul.f32 v33, v29;
	v26 =	vmul.f32 v26, v27;
	v25 =	vadd.f32 v28, v25  }
0x1e9: {  	v58 =	vunpack.i.l.bf16.f32 v51;
	v29 =	vmul.f32 v52, v29;
	v55 =	vmul.f32 v49, v63;
	v63 =	vld.idx.msk [tilespmem:v23+s4+$0xFFFFFFD0 ss:$0x1], $0xffff  }
0x1ea: {  	v30 =	vmul.f32 v49, v48;
	v27 =	vunpack.i.u.bf16.f32 v44;
	v25 =	vadd.f32 v25, v26;
	v26 =	vld [tilespmem:s19+$0x50]  }
0x1eb: {  	v60 =	vadd.f32 v56, v55;
	v54 =	vmul.f32 v52, v27;
	v27 =	vmul.f32 v33, v27  }
0x1ec: {  	v45 =	vld [tilespmem:s19+$0x450];
	v46 =	vunpack.i.u.bf16.f32 v57;
	v47 =	vunpack.i.l.bf16.f32 v57;
	v52 =	vmul.f32 v61, v37  }
0x1ed: {  	v55 =	vld [tilespmem:s19+$0x60];
	v57 =	vmul.f32 v61, v59;
	v28 =	vunpack.i.u.bf16.f32 v51;
	v35 =	vsub.f32 v53, v54  }
0x1ee: {  	v61 =	vld.idx.msk [tilespmem:v23+s4+$0xFFFFFFE0 ss:$0x1], $0xffff;
	v27 =	vadd.f32 v27, v29;
	v53 =	vmul.f32 v63, v59;
	v31 =	vmul.f32 v63, v37  }
0x1ef: {  	v54 =	vld.idx.msk [tilespmem:v20+s4+$0xFFFFFFE0 ss:$0x1], $0xffff;
	v32 =	vadd.f32 v35, v58;
	v44 =	vunpack.i.u.bf16.f32 v26;
	v26 =	vunpack.i.l.bf16.f32 v26  }
0x1f0: {  	v29 =	vsub.f32 v62, v30;
	v59 =	vld.idx.msk [tilespmem:v21+s4+$0xFFFFFFE0 ss:$0x1], $0xffff;
	v48 =	vmul.f32 v47, v26;
	v49 =	vmul.f32 v46, v44  }
0x1f1: {  	v62 =	vld [tilespmem:s19+$0x460];
	v27 =	vadd.f32 v27, v28;
	v51 =	vunpack.i.l.bf16.f32 v45;
	v32 =	vmul.f32 v32, v60  }
0x1f2: {  	v58 =	vld.idx.msk [tilespmem:v24+s4+$0xFFFFFFE0 ss:$0x1], $0xffff;
	v26 =	vmul.f32 v46, v26;
	v50 =	vmul.f32 v47, v44;
	v28 =	vsub.f32 v48, v49  }
0x1f3: {  	v56 =	vadd.f32 v53, v52;
	v27 =	vmul.f32 v27, v29;
	v60 =	vld.idx.msk [tilespmem:v22+s4+$0xFFFFFFE0 ss:$0x1], $0xffff;
	v25 =	vadd.f32 v32, v25  }
0x1f4: {  	v52 =	vld.idx.msk [tilespmem:v22+s4+$0xFFFFFFF0 ss:$0x1], $0xffff;
	v29 =	vunpack.i.l.bf16.f32 v55;
	v26 =	vadd.f32 v50, v26;
	v28 =	vadd.f32 v28, v51  }
0x1f5: {  	v53 =	vmul.f32 v61, v54;
	v25 =	vadd.f32 v25, v27;
	v27 =	vunpack.i.u.bf16.f32 v45;
	v45 =	vld.idx.msk [tilespmem:v20+s4+$0xFFFFFFF0 ss:$0x1], $0xffff  }
0x1f6: {  	v48 =	vld.idx.msk [tilespmem:v24+s4+$0xFFFFFFF0 ss:$0x1], $0xffff;
	v26 =	vadd.f32 v26, v27;
	v27 =	vsub.f32 v31, v57;
	v28 =	vmul.f32 v28, v56  }
0x1f7: {  	v63 =	vunpack.i.u.bf16.f32 v58;
	v33 =	vunpack.i.l.bf16.f32 v58;
	v47 =	vmul.f32 v61, v59;
	v50 =	vld.idx.msk [tilespmem:v21+s4+$0xFFFFFFF0 ss:$0x1], $0xffff  }
0x1f8: {  	v46 =	vmul.f32 v60, v54;
	v54 =	vld.idx.msk [tilespmem:v23+s4+$0xFFFFFFF0 ss:$0x1], $0xffff;
	v26 =	vmul.f32 v26, v27;
	v25 =	vadd.f32 v28, v25  }
0x1f9: {  	v43 =	vmul.f32 v33, v29;
	v29 =	vmul.f32 v63, v29  }
0x1fa: {  	v49 =	vunpack.i.l.bf16.f32 v62;
	v27 =	vunpack.i.u.bf16.f32 v55;
	v25 =	vadd.f32 v25, v26;
	v26 =	vld [tilespmem:s19+$0x70]  }
0x1fb: {  	v30 =	vmul.f32 v60, v59;
	v51 =	vadd.f32 v47, v46;
	v44 =	vmul.f32 v63, v27  }
0x1fc: {  	v27 =	vmul.f32 v33, v27;
	v57 =	vunpack.i.u.bf16.f32 v48;
	v58 =	vunpack.i.l.bf16.f32 v48  }
0x1fd: {  	v63 =	vmul.f32 v52, v45;
	v40 =	vmul.f32 v54, v50;
	v35 =	vsub.f32 v43, v44  }
0x1fe: {  	v56 =	vld [tilespmem:s19+$0x470];
	v42 =	vmul.f32 v54, v45;
	v28 =	vunpack.i.u.bf16.f32 v62;
	v27 =	vadd.f32 v27, v29  }
0x1ff: {  	v32 =	vadd.f32 v35, v49;
	v55 =	vunpack.i.u.bf16.f32 v26;
	v26 =	vunpack.i.l.bf16.f32 v26  }
0x200: {  	v29 =	vsub.f32 v53, v30;
	v59 =	vmul.f32 v58, v26;
	v60 =	vmul.f32 v57, v55  }
0x201: {  	v41 =	vadd.f32 v40, v63;
	v27 =	vadd.f32 v27, v28;
	v32 =	vmul.f32 v32, v51  }
0x202: {  	v26 =	vmul.f32 v57, v26;
	v61 =	vmul.f32 v58, v55;
	v28 =	vsub.f32 v59, v60  }
0x203: {  	v62 =	vunpack.i.l.bf16.f32 v56;
	v27 =	vmul.f32 v27, v29;
	v25 =	vadd.f32 v32, v25  }
0x204: {  	v43 =	vmul.f32 v52, v50;
	v26 =	vadd.f32 v61, v26;
	v28 =	vadd.f32 v28, v62  }
0x205: {  	v25 =	vadd.f32 v25, v27;
	v27 =	vunpack.i.u.bf16.f32 v56  }
0x206: {  	v26 =	vadd.f32 v26, v27;
	v27 =	vsub.f32 v42, v43;
	v28 =	vmul.f32 v28, v41;
	_ =	sdelay $0x1  }
0x207: {  	v26 =	vmul.f32 v26, v27;
	v25 =	vadd.f32 v28, v25;
	_ =	sdelay $0x1  }
0x208: {  	v25 =	vadd.f32 v25, v26  }
0x209: {  	s20 =	sadd.s32 $0x80, s13;
	s19 =	sadd.s32 $0x100, s18  }
0x20a: {  	s2 =	sand.u32 $0x3800, s19;
	s19 =	sand.u32 $0x380, s20;
	[tilespmem:s4+$0x1C300] =	vst v25  }
0x20b: {  	s2 =	sor.u32 s19, s2;
	v25 =	vld.idx.msk [tilespmem:v20+s4+$0x0 ss:$0x1], $0xffff  }
0x20c: {  	v26 =	vld [tilespmem:s2+$0x16200]  }
0x20d: {  	v27 =	vld.idx.msk [tilespmem:v24+s4+$0x0 ss:$0x1], $0xffff  }
0x20e: {  	v44 =	vld.idx.msk [tilespmem:v21+s4+$0x0 ss:$0x1], $0xffff  }
0x20f: {  	v45 =	vld.idx.msk [tilespmem:v22+s4+$0x0 ss:$0x1], $0xffff  }
0x210: {  	s19 =	sadd.s32 $0x16200, s2;
	v46 =	vld.idx.msk [tilespmem:v23+s4+$0x0 ss:$0x1], $0xffff  }
0x211: {  	v48 =	vld [tilespmem:s19+$0x400]  }
0x212: {  	v52 =	vld [tilespmem:s19+$0x10]  }
0x213: {  	v55 =	vld.idx.msk [tilespmem:v24+s4+$0x10 ss:$0x1], $0xffff  }
0x214: {  	v57 =	vld.idx.msk [tilespmem:v21+s4+$0x10 ss:$0x1], $0xffff;
	v47 =	vunpack.i.u.bf16.f32 v26;
	v26 =	vunpack.i.l.bf16.f32 v26;
	v49 =	vunpack.i.u.bf16.f32 v27  }
0x215: {  	v60 =	vld.idx.msk [tilespmem:v22+s4+$0x10 ss:$0x1], $0xffff;
	v27 =	vunpack.i.l.bf16.f32 v27;
	v53 =	vmul.f32 v45, v25;
	v54 =	vmul.f32 v46, v44  }
0x216: {  	v36 =	vld.idx.msk [tilespmem:v20+s4+$0x10 ss:$0x1], $0xffff;
	v56 =	vunpack.i.l.bf16.f32 v48;
	v32 =	vunpack.i.u.bf16.f32 v48;
	v25 =	vmul.f32 v46, v25  }
0x217: {  	v63 =	vld [tilespmem:s19+$0x410];
	v28 =	vmul.f32 v45, v44;
	v62 =	vunpack.i.u.bf16.f32 v52;
	v50 =	vmul.f32 v27, v26  }
0x218: {  	v37 =	vld.idx.msk [tilespmem:v20+s4+$0x30 ss:$0x1], $0xffff;
	v42 =	vunpack.i.l.bf16.f32 v52;
	v26 =	vmul.f32 v49, v26;
	v27 =	vmul.f32 v27, v47  }
0x219: {  	v43 =	vunpack.i.u.bf16.f32 v55;
	v44 =	vunpack.i.l.bf16.f32 v55;
	v55 =	vld [tilespmem:s19+$0x20];
	v51 =	vmul.f32 v49, v47  }
0x21a: {  	v31 =	vmul.f32 v60, v57;
	v45 =	vmul.f32 v44, v42;
	v26 =	vadd.f32 v27, v26;
	v27 =	vld.idx.msk [tilespmem:v23+s4+$0x10 ss:$0x1], $0xffff  }
0x21b: {  	v46 =	vmul.f32 v43, v62;
	v30 =	vmul.f32 v44, v62;
	v62 =	vld [tilespmem:s19+$0x420];
	v34 =	vsub.f32 v50, v51  }
0x21c: {  	v49 =	vmul.f32 v43, v42;
	v59 =	vadd.f32 v54, v53;
	v25 =	vsub.f32 v25, v28;
	v53 =	vld.idx.msk [tilespmem:v20+s4+$0x20 ss:$0x1], $0xffff  }
0x21d: {  	v48 =	vsub.f32 v45, v46;
	v51 =	vmul.f32 v60, v36;
	v60 =	vld.idx.msk [tilespmem:v22+s4+$0x20 ss:$0x1], $0xffff;
	v58 =	vadd.f32 v34, v56  }
0x21e: {  	v50 =	vunpack.i.l.bf16.f32 v63;
	v54 =	vadd.f32 v30, v49;
	v46 =	vld.idx.msk [tilespmem:v24+s4+$0x30 ss:$0x1], $0xffff;
	v26 =	vadd.f32 v26, v32  }
0x21f: {  	v61 =	vmul.f32 v58, v59;
	v58 =	vunpack.i.u.bf16.f32 v63;
	v59 =	vld.idx.msk [tilespmem:v21+s4+$0x20 ss:$0x1], $0xffff;
	v52 =	vmul.f32 v27, v57  }
0x220: {  	v25 =	vmul.f32 v26, v25;
	v26 =	vadd.f32 v48, v50;
	v57 =	vld.idx.msk [tilespmem:v24+s4+$0x20 ss:$0x1], $0xffff;
	v28 =	vadd.f32 v54, v58  }
0x221: {  	v27 =	vmul.f32 v27, v36;
	v54 =	vld [tilespmem:s19+$0x430];
	v47 =	vadd.f32 $0.0e+00, v61;
	v56 =	vadd.f32 v52, v51  }
0x222: {  	v30 =	vunpack.i.l.bf16.f32 v55;
	v44 =	vmul.f32 v60, v53;
	v61 =	vld.idx.msk [tilespmem:v23+s4+$0x20 ss:$0x1], $0xffff  }
0x223: {  	v48 =	vld.idx.msk [tilespmem:v21+s4+$0x30 ss:$0x1], $0xffff;
	v27 =	vsub.f32 v27, v31;
	v25 =	vadd.f32 v47, v25;
	v26 =	vmul.f32 v26, v56  }
0x224: {  	v50 =	vld.idx.msk [tilespmem:v22+s4+$0x30 ss:$0x1], $0xffff;
	v47 =	vunpack.i.l.bf16.f32 v62;
	v29 =	vmul.f32 v60, v59;
	v56 =	vunpack.i.l.bf16.f32 v46  }
0x225: {  	v52 =	vld.idx.msk [tilespmem:v23+s4+$0x30 ss:$0x1], $0xffff;
	v63 =	vunpack.i.u.bf16.f32 v57;
	v25 =	vadd.f32 v26, v25;
	v26 =	vmul.f32 v28, v27  }
0x226: {  	v34 =	vunpack.i.l.bf16.f32 v57;
	v60 =	vunpack.i.l.bf16.f32 v54;
	v27 =	vunpack.i.u.bf16.f32 v55  }
0x227: {  	v42 =	vmul.f32 v34, v30;
	v45 =	vmul.f32 v61, v59;
	v25 =	vadd.f32 v25, v26;
	v26 =	vld [tilespmem:s19+$0x30]  }
0x228: {  	v30 =	vmul.f32 v63, v30;
	v28 =	vunpack.i.u.bf16.f32 v62;
	v43 =	vmul.f32 v63, v27  }
0x229: {  	v51 =	vmul.f32 v61, v53;
	v55 =	vunpack.i.u.bf16.f32 v46;
	v27 =	vmul.f32 v34, v27  }
0x22a: {  	v40 =	vld [tilespmem:s19+$0x40];
	v61 =	vmul.f32 v50, v37;
	v62 =	vmul.f32 v52, v48;
	v35 =	vsub.f32 v42, v43  }
0x22b: {  	v46 =	vld.idx.msk [tilespmem:v23+s4+$0x40 ss:$0x1], $0xffff;
	v31 =	vmul.f32 v52, v37;
	v49 =	vadd.f32 v45, v44;
	v27 =	vadd.f32 v27, v30  }
0x22c: {  	v63 =	vld.idx.msk [tilespmem:v20+s4+$0x40 ss:$0x1], $0xffff;
	v32 =	vadd.f32 v35, v47;
	v53 =	vunpack.i.u.bf16.f32 v26;
	v26 =	vunpack.i.l.bf16.f32 v26  }
0x22d: {  	v29 =	vsub.f32 v51, v29;
	v45 =	vld.idx.msk [tilespmem:v22+s4+$0x40 ss:$0x1], $0xffff;
	v57 =	vmul.f32 v56, v26;
	v58 =	vmul.f32 v55, v53  }
0x22e: {  	v44 =	vld.idx.msk [tilespmem:v21+s4+$0x40 ss:$0x1], $0xffff;
	v41 =	vadd.f32 v62, v61;
	v27 =	vadd.f32 v27, v28;
	v32 =	vmul.f32 v32, v49  }
0x22f: {  	v43 =	vld.idx.msk [tilespmem:v24+s4+$0x40 ss:$0x1], $0xffff;
	v26 =	vmul.f32 v55, v26;
	v59 =	vmul.f32 v56, v53;
	v28 =	vsub.f32 v57, v58  }
0x230: {  	v37 =	vld.idx.msk [tilespmem:v20+s4+$0x50 ss:$0x1], $0xffff;
	v42 =	vmul.f32 v50, v48;
	v27 =	vmul.f32 v27, v29;
	v25 =	vadd.f32 v32, v25  }
0x231: {  	v47 =	vld [tilespmem:s19+$0x440];
	v29 =	vunpack.i.l.bf16.f32 v40;
	v26 =	vadd.f32 v59, v26;
	v28 =	vadd.f32 v28, v60  }
0x232: {  	v51 =	vmul.f32 v45, v63;
	v53 =	vld.idx.msk [tilespmem:v24+s4+$0x50 ss:$0x1], $0xffff;
	v25 =	vadd.f32 v25, v27;
	v27 =	vunpack.i.u.bf16.f32 v54  }
0x233: {  	v55 =	vld.idx.msk [tilespmem:v21+s4+$0x50 ss:$0x1], $0xffff;
	v26 =	vadd.f32 v26, v27;
	v27 =	vsub.f32 v31, v42;
	v28 =	vmul.f32 v28, v41  }
0x234: {  	v52 =	vmul.f32 v46, v44;
	v30 =	vmul.f32 v45, v44;
	v48 =	vunpack.i.u.bf16.f32 v43;
	v57 =	vld.idx.msk [tilespmem:v22+s4+$0x50 ss:$0x1], $0xffff  }
0x235: {  	v33 =	vunpack.i.l.bf16.f32 v43;
	v59 =	vld.idx.msk [tilespmem:v23+s4+$0x50 ss:$0x1], $0xffff;
	v26 =	vmul.f32 v26, v27;
	v25 =	vadd.f32 v28, v25  }
0x236: {  	v61 =	vld [tilespmem:s19+$0x450];
	v49 =	vmul.f32 v33, v29;
	v29 =	vmul.f32 v48, v29;
	v56 =	vadd.f32 v52, v51  }
0x237: {  	v58 =	vmul.f32 v46, v63;
	v27 =	vunpack.i.u.bf16.f32 v40;
	v25 =	vadd.f32 v25, v26;
	v26 =	vld [tilespmem:s19+$0x50]  }
0x238: {  	v54 =	vunpack.i.l.bf16.f32 v47;
	v62 =	vunpack.i.u.bf16.f32 v53;
	v50 =	vmul.f32 v48, v27  }
0x239: {  	v63 =	vunpack.i.l.bf16.f32 v53;
	v27 =	vmul.f32 v33, v27;
	v48 =	vmul.f32 v57, v37  }
0x23a: {  	v31 =	vmul.f32 v59, v37;
	v53 =	vmul.f32 v57, v55;
	v35 =	vsub.f32 v49, v50  }
0x23b: {  	v51 =	vld [tilespmem:s19+$0x60];
	v28 =	vunpack.i.u.bf16.f32 v47;
	v47 =	vunpack.i.l.bf16.f32 v61;
	v27 =	vadd.f32 v27, v29  }
0x23c: {  	v57 =	vld.idx.msk [tilespmem:v23+s4+$0x60 ss:$0x1], $0xffff;
	v32 =	vadd.f32 v35, v54;
	v60 =	vunpack.i.u.bf16.f32 v26;
	v26 =	vunpack.i.l.bf16.f32 v26  }
0x23d: {  	v29 =	vsub.f32 v58, v30;
	v50 =	vld.idx.msk [tilespmem:v20+s4+$0x60 ss:$0x1], $0xffff;
	v44 =	vmul.f32 v63, v26;
	v45 =	vmul.f32 v62, v60  }
0x23e: {  	v49 =	vmul.f32 v59, v55;
	v55 =	vld.idx.msk [tilespmem:v21+s4+$0x60 ss:$0x1], $0xffff;
	v27 =	vadd.f32 v27, v28;
	v32 =	vmul.f32 v32, v56  }
0x23f: {  	v54 =	vld.idx.msk [tilespmem:v24+s4+$0x60 ss:$0x1], $0xffff;
	v26 =	vmul.f32 v62, v26;
	v46 =	vmul.f32 v63, v60;
	v28 =	vsub.f32 v44, v45  }
0x240: {  	v52 =	vadd.f32 v49, v48;
	v27 =	vmul.f32 v27, v29;
	v56 =	vld.idx.msk [tilespmem:v22+s4+$0x60 ss:$0x1], $0xffff;
	v25 =	vadd.f32 v32, v25  }
0x241: {  	v37 =	vld.idx.msk [tilespmem:v20+s4+$0x70 ss:$0x1], $0xffff;
	v29 =	vunpack.i.l.bf16.f32 v51;
	v26 =	vadd.f32 v46, v26;
	v28 =	vadd.f32 v28, v47  }
0x242: {  	v58 =	vld [tilespmem:s19+$0x460];
	v49 =	vmul.f32 v57, v50;
	v25 =	vadd.f32 v25, v27;
	v27 =	vunpack.i.u.bf16.f32 v61  }
0x243: {  	v48 =	vld.idx.msk [tilespmem:v22+s4+$0x70 ss:$0x1], $0xffff;
	v26 =	vadd.f32 v26, v27;
	v27 =	vsub.f32 v31, v53;
	v28 =	vmul.f32 v28, v52  }
0x244: {  	v59 =	vunpack.i.u.bf16.f32 v54;
	v33 =	vunpack.i.l.bf16.f32 v54;
	v63 =	vmul.f32 v57, v55;
	v44 =	vld.idx.msk [tilespmem:v24+s4+$0x70 ss:$0x1], $0xffff  }
0x245: {  	v62 =	vmul.f32 v56, v50;
	v50 =	vld.idx.msk [tilespmem:v23+s4+$0x70 ss:$0x1], $0xffff;
	v26 =	vmul.f32 v26, v27;
	v25 =	vadd.f32 v28, v25  }
0x246: {  	v60 =	vmul.f32 v33, v29;
	v29 =	vmul.f32 v59, v29;
	v46 =	vld.idx.msk [tilespmem:v21+s4+$0x70 ss:$0x1], $0xffff  }
0x247: {  	v45 =	vunpack.i.l.bf16.f32 v58;
	v27 =	vunpack.i.u.bf16.f32 v51;
	v25 =	vadd.f32 v25, v26;
	v26 =	vld [tilespmem:s19+$0x70]  }
0x248: {  	v30 =	vmul.f32 v56, v55;
	v47 =	vadd.f32 v63, v62;
	v61 =	vmul.f32 v59, v27  }
0x249: {  	v52 =	vld [tilespmem:s19+$0x470];
	v27 =	vmul.f32 v33, v27;
	v53 =	vunpack.i.u.bf16.f32 v44;
	v54 =	vunpack.i.l.bf16.f32 v44  }
0x24a: {  	v59 =	vmul.f32 v48, v37;
	v62 =	vmul.f32 v50, v37;
	v35 =	vsub.f32 v60, v61  }
0x24b: {  	v28 =	vunpack.i.u.bf16.f32 v58;
	v27 =	vadd.f32 v27, v29;
	v60 =	vmul.f32 v50, v46  }
0x24c: {  	v32 =	vadd.f32 v35, v45;
	v51 =	vunpack.i.u.bf16.f32 v26;
	v26 =	vunpack.i.l.bf16.f32 v26  }
0x24d: {  	v29 =	vsub.f32 v49, v30;
	v55 =	vmul.f32 v54, v26;
	v56 =	vmul.f32 v53, v51  }
0x24e: {  	v27 =	vadd.f32 v27, v28;
	v58 =	vunpack.i.l.bf16.f32 v52;
	v32 =	vmul.f32 v32, v47  }
0x24f: {  	v26 =	vmul.f32 v53, v26;
	v57 =	vmul.f32 v54, v51;
	v28 =	vsub.f32 v55, v56  }
0x250: {  	v61 =	vadd.f32 v60, v59;
	v27 =	vmul.f32 v27, v29;
	v25 =	vadd.f32 v32, v25  }
0x251: {  	v63 =	vmul.f32 v48, v46;
	v26 =	vadd.f32 v57, v26;
	v28 =	vadd.f32 v28, v58  }
0x252: {  	v25 =	vadd.f32 v25, v27;
	v27 =	vunpack.i.u.bf16.f32 v52  }
0x253: {  	s31 =	sadd.s32 $0x2, s31;
	v26 =	vadd.f32 v26, v27;
	v27 =	vsub.f32 v62, v63;
	v28 =	vmul.f32 v28, v61  }
0x254: {  	p0 =	slt.u32 s31, $0xE  }
.Ltmp2:
0x255: {  	v26 =	vmul.f32 v26, v27;
	v25 =	vadd.f32 v28, v25;
	(pc) =	sbr.rel @p0 .LBB2_8-.Ltmp2, $3  }
0x256: {  	_ = 	snop  }
0x257: {  	v25 =	vadd.f32 v25, v26;
	_ =	sdelay $0x1  }
0x258: {  	s13 =	sadd.s32 $0x100, s13;
	s10 =	sadd.s32 $0x400, s10;
	s18 =	sadd.s32 $0x200, s18;
	[tilespmem:s4+$0x1C380] =	vst v25  }
0x259: {  	_ =	sdelay $0x3  }
0x25a: {  	v20 =	vld.idx.msk [tilespmem:v4+s11+$0x0], $0xffff  }
0x25b: {  	v21 =	vld.idx.msk [tilespmem:v5+s11+$0x0], $0xffff;
	_ =	sdelay $0x1  }
0x25c: {  	v22 =	vld.idx.msk [tilespmem:v6+s11+$0x0], $0xffff;
	_ =	sdelay $0x1  }
0x25d: {  	v23 =	vld.idx.msk [tilespmem:v7+s11+$0x0], $0xffff  }
0x25e: {  	v20 =	vadd.f32 v21, v20  }
0x25f: {  	v52 =	vld.idx.msk [tilespmem:v8+s11+$0x0], $0xffff  }
0x260: {  	v20 =	vadd.f32 v22, v20  }
0x261: {  	v53 =	vld.idx.msk [tilespmem:v9+s11+$0x0], $0xffff  }
0x262: {  	v20 =	vadd.f32 v23, v20  }
0x263: {  	v54 =	vld.idx.msk [tilespmem:v10+s11+$0x0], $0xffff  }
0x264: {  	v20 =	vadd.f32 v52, v20  }
0x265: {  	v55 =	vld.idx.msk [tilespmem:v11+s11+$0x0], $0xffff  }
0x266: {  	v20 =	vadd.f32 v53, v20  }
0x267: {  	v56 =	vld.idx.msk [tilespmem:v12+s11+$0x0], $0xffff  }
0x268: {  	v20 =	vadd.f32 v54, v20  }
0x269: {  	v57 =	vld.idx.msk [tilespmem:v13+s11+$0x0], $0xffff  }
0x26a: {  	v20 =	vadd.f32 v55, v20  }
0x26b: {  	v58 =	vld.idx.msk [tilespmem:v14+s11+$0x0], $0xffff  }
0x26c: {  	v20 =	vadd.f32 v56, v20  }
0x26d: {  	v59 =	vld.idx.msk [tilespmem:v15+s11+$0x0], $0xffff  }
0x26e: {  	v20 =	vadd.f32 v57, v20  }
0x26f: {  	v60 =	vld.idx.msk [tilespmem:v16+s11+$0x0], $0xffff  }
0x270: {  	v20 =	vadd.f32 v58, v20  }
0x271: {  	v61 =	vld.idx.msk [tilespmem:v17+s11+$0x0], $0xffff  }
0x272: {  	v20 =	vadd.f32 v59, v20  }
0x273: {  	v62 =	vld.idx.msk [tilespmem:v18+s11+$0x0], $0xffff  }
0x274: {  	v20 =	vadd.f32 v60, v20  }
0x275: {  	v63 =	vld.idx.msk [tilespmem:v19+s11+$0x0], $0xffff  }
0x276: {  	s29 =	sadd.s32 $0x1, s29;
	v20 =	vadd.f32 v61, v20  }
0x277: {  	p0 =	sne.s32 s29, $0x4  }
.Ltmp3:
0x278: {  	v20 =	vadd.f32 v62, v20;
	(pc) =	sbr.rel @p0 .LBB2_7-.Ltmp3, $4  }
0x279: {  	_ = 	snop  }
0x27a: {  	v20 =	vadd.f32 v63, v20  }
0x27b: {  	s17 =	sadd.s32 $0x1000, s17;
	s23 =	sadd.s32 $0x800, s23;
	s24 =	sadd.s32 $0x800, s24  }
0x27c: {  	s25 =	sadd.s32 $0x800, s25;
	s26 =	sadd.s32 $0x800, s26;
	s28 =	sadd.s32 $0x800, s28;
	[tilespmem:s30+$0x1C280] =	vst v20  }
0x27d: {  	s21 =	sadd.s32 $0x1, s21  }
0x27e: {  	p0 =	sne.s32 s21, $0x32  }
.Ltmp4:
0x27f: {  	_ = 	snop;
	(pc) =	sbr.rel @p0 .LBB2_2-.Ltmp4, $4  }
0x280: {  	_ = 	snop  }
0x281: {  	s2 =	sshrl.u32 s22, $0x3  }
0x282: {  	s4 =	simm.s32 $0x1C280;
	s2 =	sadd.s32 s16, s2  }
0x283: {  	[hbm4b:s2+s5] =	stream.linear.scatter [tilespmem:s4], [sflag:$0x6], $0x40, $0x38;
	[tilespmem:$0x1CB00] =	vst v63  }
0x284: {  	s2 =	simm.s32 $0x5  }
0x285: {  	_ =	swait.ge [sflag:s2], $0x40  }
0x286: {  	[sflag:s2] =	ssyncset.done $0x0  }
0x287: {  	s4 =	simm.s32 $0x6;
	[sflag:s2] =	ssyncadd.s32 $0xFFFFFFC0  }
0x288: {  	_ =	swait.ge [sflag:s4], $0x40  }
0x289: {  	s10 =	rddreg [dreg:$0x8]  }
0x28a: {  	s31 =	rddreg [dreg:$0x7];
	s10 =	sadd.s32 $0x1, s10  }
0x28b: {  	p0 =	sne.s32 s10, s31  }
.Ltmp5:
0x28c: {  	_ = 	snop;
	(pc) =	sbr.rel @p0 .LBB2_1-.Ltmp5, $3  }
0x28d: {  	_ =	sdelay $0x1  }
0x28e: {  	[sflag:s4] =	ssyncset.done $0x0  }
0x28f: {  	[sflag:s4] =	ssyncadd.s32 $0xFFFFFFC0  }
0x290: {  	_ =	sfence.sel $0x180000  }
0x291: {  	[bflag:$0x0] =	sbarrier.arrive $0xFFFF  }
0x292: {  	_ =	strace $0x90000047  }
0x293: {  	s0 =	stileid.u32;
	[bflag:$0x2] =	sbarrier.arrive $0xFFFF  }
0x294: {  	p0 =	sne.s32 s0, $0x0;
	s0 =	rddreg [dreg:$0x4]  }
0x295: {  	s0 =	sadd.s32 @!p0 $0x100000, s0  }
0x296: {  	[sflag:s0] =	ssyncadd.tile.s32 @!p0 $0x1;
	_ =	shalt  }
.Lfunc_end2:
_tile_overlayer_lowered:
.L_overlay_start_2:
0x297: {  	(tag) =	ssettag $0x2  }
0x298: {  	s0 =	rddreg [dreg:$0x0];
	s2 =	stileid.u32  }
0x299: {  	s1 =	rddreg [dreg:$0x1];
	p0 =	sne.s32 s2, $0x0  }
0x29a: {  	s3 =	rddreg [dreg:$0x2];
	[bflag:$0x3] =	sbarrier.arrive $0xFFFF;
	s2 =	simm.s32 @!p0 $0x1C07  }
0x29b: {  	[timem:s3], [sflag:s2] =	dma.local @!p0 [hbm:s0], s1  }
0x29c: {  	s0 =	simm.s32 @!p0 $0x7  }
0x29d: {  	_ =	swait.ge @!p0 [sflag:s0], s1  }
0x29e: {  	s1 =	ssub.s32 @!p0 $0x0, s1;
	[sflag:s0] =	ssyncset.done @!p0 $0x0  }
0x29f: {  	[sflag:s0] =	ssyncadd.s32 @!p0 s1  }
0x2a0: {  	[bflag:$0x3] =	sbarrier.arrive $0xFFFF  }
0x2a1: {  	_ =	shalt  }

</sc_bundles>
